<compile_context>
chip_gen: v7x
topology: tpu7x:2x2x1
jax: 0.10.2.dev20260603
libtpu: 0.0.44.dev20260713+nightly
codegen_flags: <defaults>
</compile_context>

<pallas_src>
import jax
import jax.numpy as jnp
from jax import lax
from jax.experimental import pallas as pl
from jax.experimental.pallas import tpu as pltpu
from jax.experimental.pallas import tpu_sc as plsc

B, H, W, C = 8, 384, 384, 96
HW = H * W
NC, NS = 2, 16

CG = 8
HS = 128
KH = 8
TG = H // HS


def _tc_body_factory(b_off):
    def _tc_body(x_ref, o_ref, vscr, iscr):
        t = pl.program_id(2)

        @pl.when(t == 0)
        def _():
            vscr[...] = jnp.full((KH, CG, W), -jnp.inf, jnp.float32)
            iscr[...] = jnp.zeros((KH, CG, W), jnp.int32)

        rv = vscr[...]
        ri = iscr[...]
        for i in range(HS // KH):
            s = t * (HS // KH) + i
            chunk = x_ref[0, pl.ds(i * KH, KH), :, :]
            m = chunk > rv
            rv = jnp.maximum(chunk, rv)
            ri = jnp.where(m, s, ri)
        vscr[...] = rv
        iscr[...] = ri

        @pl.when(t == TG - 1)
        def _():
            chain = jax.lax.broadcasted_iota(jnp.int32, (KH, CG, W), 0)
            wlane = jax.lax.broadcasted_iota(jnp.int32, (KH, CG, W), 2)
            fl = (ri * KH + chain) * W + wlane
            fv = jnp.max(rv, axis=(0, 2))
            win = rv == fv[None, :, None]
            bf = jnp.min(jnp.where(win, fl, HW), axis=(0, 2))
            y = bf // W
            x = bf - y * W
            o_ref[0, 0, 0, :] = y.astype(jnp.float32)
            o_ref[0, 0, 1, :] = x.astype(jnp.float32)
    return _tc_body


def _tc_run(xt, b_off, nb):
    out = pl.pallas_call(
        _tc_body_factory(b_off),
        grid=(nb, C // CG, TG),
        in_specs=[pl.BlockSpec((1, HS, CG, W),
                               lambda b, cg, t: (b + b_off, t, cg, 0))],
        out_specs=pl.BlockSpec((1, 1, 2, CG), lambda b, cg, t: (b, cg, 0, 0)),
        out_shape=jax.ShapeDtypeStruct((nb, C // CG, 2, CG), jnp.float32),
        scratch_shapes=[
            pltpu.VMEM((KH, CG, W), jnp.float32),
            pltpu.VMEM((KH, CG, W), jnp.int32),
        ],
        compiler_params=pltpu.CompilerParams(
            dimension_semantics=("parallel", "parallel", "arbitrary"),
        ),
    )(xt)
    return jnp.reshape(jnp.transpose(out, (0, 2, 1, 3)), (nb, 2, C))


RWS = HW // (NC * NS)
RS = 256
CHS = RS * C
NCHUNKS = RWS // RS
NBS = 2
G = C // 16


def _sc_body(x_hbm, out_hbm, *scr):
    bufs = scr[:NBS]
    pval, pidx, shval, shidx, cmbv, cmbi, obuf = scr[NBS:NBS + 7]
    sems = scr[NBS + 7:]
    c = lax.axis_index("c")
    s = lax.axis_index("s")
    rank = c * NS + s
    spat_base = rank * RWS
    base_off = spat_base * C

    def start(k, j):
        off = base_off + k * CHS
        pltpu.make_async_copy(x_hbm.at[pl.ds(off, CHS)], bufs[j], sems[j]).start()

    def wait(j):
        pltpu.make_async_copy(x_hbm.at[pl.ds(0, CHS)], bufs[j], sems[j]).wait()

    for j in range(NBS):
        start(j, j)

    ninf = jnp.full((16,), -jnp.inf, jnp.float32)
    zero = jnp.zeros((16,), jnp.int32)
    state = tuple([ninf] * G + [zero] * G)

    def chunk_rows(buf):
        def row_body(r, carry):
            rvec = carry[0]
            bvs = list(carry[1:1 + G])
            bis = list(carry[1 + G:])
            base = r * C
            for g in range(G):
                v = buf[pl.ds(base + g * 16, 16)]
                m = v > bvs[g]
                bvs[g] = jnp.where(m, v, bvs[g])
                bis[g] = jnp.where(m, rvec, bis[g])
            return (rvec + 1,) + tuple(bvs) + tuple(bis)
        return row_body

    def outer(t, state):
        for j in range(NBS):
            k = t * NBS + j
            wait(j)
            rvec0 = zero + (spat_base + k * RS)
            carry = (rvec0,) + state
            carry = lax.fori_loop(0, RS, chunk_rows(bufs[j]), carry, unroll=2)
            state = carry[1:]

            @pl.when(k + NBS < NCHUNKS)
            def _():
                start(k + NBS, j)
        return state

    state = lax.fori_loop(0, NCHUNKS // NBS, outer, state)
    bvs = state[:G]
    bis = state[G:]

    for g in range(G):
        pval[pl.ds(g * 16, 16)] = bvs[g]
        pidx[pl.ds(g * 16, 16)] = bis[g]
    pltpu.sync_copy(pval, shval.at[pl.ds(s * C, C)])
    pltpu.sync_copy(pidx, shidx.at[pl.ds(s * C, C)])
    plsc.subcore_barrier()

    @pl.when(s == 0)
    def _():
        pltpu.sync_copy(shval, cmbv)
        pltpu.sync_copy(shidx, cmbi)
        for g in range(G):
            bv = cmbv[pl.ds(g * 16, 16)]
            bi = cmbi[pl.ds(g * 16, 16)]
            for j in range(1, NS):
                v = cmbv[pl.ds(j * C + g * 16, 16)]
                i = cmbi[pl.ds(j * C + g * 16, 16)]
                m = v > bv
                bv = jnp.where(m, v, bv)
                bi = jnp.where(m, i, bi)
            t = lax.shift_right_logical(bi, 7)
            y = lax.shift_right_logical(t * 21846, 16)
            x = bi - y * W
            obuf[pl.ds(g * 16, 16)] = y.astype(jnp.float32)
            obuf[pl.ds(C + g * 16, 16)] = x.astype(jnp.float32)
            obuf[pl.ds(2 * C + g * 16, 16)] = bv
        pltpu.sync_copy(obuf, out_hbm.at[c])


def _sc_run(flat0):
    run = pl.kernel(
        _sc_body,
        out_type=jax.ShapeDtypeStruct((NC, 3 * C), jnp.float32),
        mesh=plsc.VectorSubcoreMesh(core_axis_name="c", subcore_axis_name="s"),
        scratch_types=(
            [pltpu.VMEM((CHS,), jnp.float32) for _ in range(NBS)]
            + [pltpu.VMEM((C,), jnp.float32), pltpu.VMEM((C,), jnp.int32),
               pltpu.VMEM_SHARED((NS * C,), jnp.float32),
               pltpu.VMEM_SHARED((NS * C,), jnp.int32),
               pltpu.VMEM((NS * C,), jnp.float32),
               pltpu.VMEM((NS * C,), jnp.int32),
               pltpu.VMEM((3 * C,), jnp.float32)]
            + [pltpu.SemaphoreType.DMA for _ in range(NBS)]
        ),
    )
    return run(flat0)


@jax.jit
def kernel(inputs):
    xt = jnp.transpose(inputs, (0, 1, 3, 2))
    flat0 = jnp.reshape(inputs[0], (HW * C,))
    sc = _sc_run(flat0)
    tc_a = _tc_run(xt, 1, 2)
    tc_b = _tc_run(xt, 3, 5)
    v0, v1 = sc[0, 2 * C:], sc[1, 2 * C:]
    m = v1 > v0
    y = jnp.where(m, sc[1, :C], sc[0, :C])
    x = jnp.where(m, sc[1, C:2 * C], sc[0, C:2 * C])
    b0 = jnp.stack([y, x], axis=0)[None]
    return jnp.concatenate([b0, tc_a, tc_b], axis=0)

# --- scband reference (transcript-rebuilt; emitter-appended) ---
"""Pipeline reference for scband-heatmap-to-points-layer-68023692034139 (READ-ONLY COPY).

The authoritative reference and input builder live on the scoring server;
editing this copy changes nothing except your own understanding.
"""

import jax, jax.numpy as jnp
import numpy as np


def setup_inputs(seed: int = 0) -> dict:
    key = jax.random.key(seed)
    inputs = jax.random.normal(key, (8, 384, 384, 96), dtype=jnp.float32)
    return {"inputs": inputs}


def reference(inputs):
    B, H, W, C = inputs.shape
    # flatten spatial dims: [B, H*W, C]
    flat = jnp.reshape(inputs, (B, H * W, C))
    # argmax over flattened spatial dim -> [B, C]
    max_ind = jnp.argmax(flat, axis=1)
    max_ind = jnp.reshape(max_ind, (-1,)).astype(jnp.int32)  # [B*C]
    # unravel_index over (H, W): rows are (y, x), shape [2, B*C]
    y = max_ind // W
    x = max_ind % W
    max_pts = jnp.stack([y, x], axis=0)  # [2, B*C]
    reshape = jnp.transpose(max_pts, (1, 0))          # [B*C, 2]
    reshape = jnp.reshape(reshape, (B, C, 2))          # [B, C, 2]
    reshape = jnp.transpose(reshape, (0, 2, 1))        # [B, 2, C]
    return reshape.astype(jnp.float32)

if __name__ == "__main__":
    import jax
    _d = setup_inputs()
    print(jax.jit(kernel)(*tuple(_d.values())))

</pallas_src>

<mosaic_0001>
#map = affine_map<(d0, d1) -> (0)>
#map1 = affine_map<(d0, d1) -> (0, 0)>
module attributes {stable_mosaic.version = 14 : i64} {
  func.func @_sc_body(%arg0: i32, %arg1: i32, %arg2: memref<14155776xf32, #tpu.memory_space<hbm>>, %arg3: memref<2x288xf32, #tpu.memory_space<hbm>>, %arg4: memref<24576xf32, #tpu.memory_space<vmem>>, %arg5: memref<24576xf32, #tpu.memory_space<vmem>>, %arg6: memref<96xf32, #tpu.memory_space<vmem>>, %arg7: memref<96xi32, #tpu.memory_space<vmem>>, %arg8: memref<1536xf32, #tpu.memory_space<vmem_shared>>, %arg9: memref<1536xi32, #tpu.memory_space<vmem_shared>>, %arg10: memref<1536xf32, #tpu.memory_space<vmem>>, %arg11: memref<1536xi32, #tpu.memory_space<vmem>>, %arg12: memref<288xf32, #tpu.memory_space<vmem>>, %arg13: memref<!tpu.dma_semaphore, #tpu.memory_space<semaphore_mem>>, %arg14: memref<!tpu.dma_semaphore, #tpu.memory_space<semaphore_mem>>) attributes {dimension_semantics = [#tpu.dimension_semantics<core_parallel>, #tpu.dimension_semantics<subcore_parallel>], iteration_bounds = array<i64: 2, 16>, scalar_prefetch = 0 : i64, scratch_operands = 11 : i64, tpu.core_type = #tpu.core_type<sc_vector_subcore>, window_params = [{transform_indices = #map}, {transform_indices = #map1}]} {
    %mul3A = arith.constant 16 : i32
    %mul3A_0 = arith.muli %arg0, %mul3A : i32
    %add3A = arith.addi %mul3A_0, %arg1 : i32
    %mul3A_1 = arith.constant 4608 : i32
    %mul3A_2 = arith.muli %add3A, %mul3A_1 : i32
    %mul3A_3 = arith.constant 96 : i32
    %mul3A_4 = arith.muli %mul3A_2, %mul3A_3 : i32
    %add3A_5 = arith.constant 0 : i32
    %add3A_6 = arith.addi %mul3A_4, %add3A_5 : i32
    %dma_start3A = tpu.memref_slice %arg2[%add3A_6] : memref<14155776xf32, #tpu.memory_space<hbm>> -> memref<24576xf32, #tpu.memory_space<hbm>>
    %dma_start3A_7 = tpu.memref_slice %arg2[%add3A_6] : memref<14155776xf32, #tpu.memory_space<hbm>> -> memref<24576xf32, #tpu.memory_space<hbm>>
    tpu.enqueue_dma source(%dma_start3A_7 : memref<24576xf32, #tpu.memory_space<hbm>>) target(%arg4 : memref<24576xf32, #tpu.memory_space<vmem>>) target_semaphore(%arg13 : memref<!tpu.dma_semaphore, #tpu.memory_space<semaphore_mem>>)
    %add3A_8 = arith.constant 24576 : i32
    %add3A_9 = arith.addi %mul3A_4, %add3A_8 : i32
    %dma_start3A_10 = tpu.memref_slice %arg2[%add3A_9] : memref<14155776xf32, #tpu.memory_space<hbm>> -> memref<24576xf32, #tpu.memory_space<hbm>>
    %dma_start3A_11 = tpu.memref_slice %arg2[%add3A_9] : memref<14155776xf32, #tpu.memory_space<hbm>> -> memref<24576xf32, #tpu.memory_space<hbm>>
    tpu.enqueue_dma source(%dma_start3A_11 : memref<24576xf32, #tpu.memory_space<hbm>>) target(%arg5 : memref<24576xf32, #tpu.memory_space<vmem>>) target_semaphore(%arg14 : memref<!tpu.dma_semaphore, #tpu.memory_space<semaphore_mem>>)
    %broadcast_in_dim3A = arith.constant 0xFF800000 : f32
    %broadcast_in_dim3A_12 = vector.broadcast %broadcast_in_dim3A : f32 to vector<16xf32>
    %broadcast_in_dim3A_13 = arith.constant 0 : i32
    %broadcast_in_dim3A_14 = vector.broadcast %broadcast_in_dim3A_13 : i32 to vector<16xi32>
    %scan3A = arith.constant 0 : i32
    %scan3A_15 = arith.constant 9 : i32
    %scan3A_16 = arith.addi %scan3A, %scan3A_15 : i32
    %scan3A_17 = arith.constant 1 : i32
    %scan3A_18:12 = scf.for %scan3A_73 = %scan3A to %scan3A_16 step %scan3A_17 iter_args(%scan3A_74 = %broadcast_in_dim3A_12, %scan3A_75 = %broadcast_in_dim3A_12, %scan3A_76 = %broadcast_in_dim3A_12, %scan3A_77 = %broadcast_in_dim3A_12, %scan3A_78 = %broadcast_in_dim3A_12, %scan3A_79 = %broadcast_in_dim3A_12, %scan3A_80 = %broadcast_in_dim3A_14, %scan3A_81 = %broadcast_in_dim3A_14, %scan3A_82 = %broadcast_in_dim3A_14, %scan3A_83 = %broadcast_in_dim3A_14, %scan3A_84 = %broadcast_in_dim3A_14, %scan3A_85 = %broadcast_in_dim3A_14) -> (vector<16xf32>, vector<16xf32>, vector<16xf32>, vector<16xf32>, vector<16xf32>, vector<16xf32>, vector<16xi32>, vector<16xi32>, vector<16xi32>, vector<16xi32>, vector<16xi32>, vector<16xi32>)  : i32 {
      %mul3A_86 = arith.constant 2 : i32
      %mul3A_87 = arith.muli %scan3A_73, %mul3A_86 : i32
      %add3A_88 = arith.constant 0 : i32
      %add3A_89 = arith.addi %mul3A_87, %add3A_88 : i32
      %dma_wait3A = arith.constant 0 : i32
      %dma_wait3A_90 = tpu.memref_slice %arg2[%dma_wait3A] : memref<14155776xf32, #tpu.memory_space<hbm>> -> memref<24576xf32, #tpu.memory_space<hbm>>
      %dma_wait3A_91 = arith.constant 0 : i32
      %dma_wait3A_92 = tpu.memref_slice %arg2[%dma_wait3A_91] : memref<14155776xf32, #tpu.memory_space<hbm>> -> memref<24576xf32, #tpu.memory_space<hbm>>
      tpu.wait_dma2 semaphore(%arg13 : memref<!tpu.dma_semaphore, #tpu.memory_space<semaphore_mem>>) src(%dma_wait3A_92 : memref<24576xf32, #tpu.memory_space<hbm>>) dst(%arg4 : memref<24576xf32, #tpu.memory_space<vmem>>)
      %mul3A_93 = arith.constant 256 : i32
      %mul3A_94 = arith.muli %add3A_89, %mul3A_93 : i32
      %add3A_95 = arith.addi %mul3A_2, %mul3A_94 : i32
      %add3A_96 = vector.broadcast %add3A_95 : i32 to vector<16xi32>
      %add3A_97 = arith.addi %broadcast_in_dim3A_14, %add3A_96 : vector<16xi32>
      %scan3A_98 = arith.constant 0 : i32
      %scan3A_99 = arith.constant 256 : i32
      %scan3A_100 = arith.addi %scan3A_98, %scan3A_99 : i32
      %scan3A_101 = arith.constant 2 : i32
      %scan3A_102:13 = scf.for %scan3A_136 = %scan3A_98 to %scan3A_100 step %scan3A_101 iter_args(%scan3A_137 = %add3A_97, %scan3A_138 = %scan3A_74, %scan3A_139 = %scan3A_75, %scan3A_140 = %scan3A_76, %scan3A_141 = %scan3A_77, %scan3A_142 = %scan3A_78, %scan3A_143 = %scan3A_79, %scan3A_144 = %scan3A_80, %scan3A_145 = %scan3A_81, %scan3A_146 = %scan3A_82, %scan3A_147 = %scan3A_83, %scan3A_148 = %scan3A_84, %scan3A_149 = %scan3A_85) -> (vector<16xi32>, vector<16xf32>, vector<16xf32>, vector<16xf32>, vector<16xf32>, vector<16xf32>, vector<16xf32>, vector<16xi32>, vector<16xi32>, vector<16xi32>, vector<16xi32>, vector<16xi32>, vector<16xi32>)  : i32 {
        %mul3A_150 = arith.constant 96 : i32
        %mul3A_151 = arith.muli %scan3A_136, %mul3A_150 : i32
        %add3A_152 = arith.constant 0 : i32
        %add3A_153 = arith.addi %mul3A_151, %add3A_152 : i32
        %get3A = arith.index_cast %add3A_153 : i32 to index
        %get3A_154 = tpu.vector_load %arg4[%get3A] {strides = array<i32>} : memref<24576xf32, #tpu.memory_space<vmem>>, vector<16xf32>,
        %get3A_155 = vector.shape_cast %get3A_154 : vector<16xf32> to vector<16xf32>
        %gt3A = arith.cmpf ogt, %get3A_155, %scan3A_138 : vector<16xf32>
        %select_n3A = arith.select %gt3A, %get3A_155, %scan3A_138 : vector<16xi1>, vector<16xf32>
        %select_n3A_156 = arith.select %gt3A, %scan3A_137, %scan3A_144 : vector<16xi1>, vector<16xi32>
        %add3A_157 = arith.constant 16 : i32
        %add3A_158 = arith.addi %mul3A_151, %add3A_157 : i32
        %get3A_159 = arith.index_cast %add3A_158 : i32 to index
        %get3A_160 = tpu.vector_load %arg4[%get3A_159] {strides = array<i32>} : memref<24576xf32, #tpu.memory_space<vmem>>, vector<16xf32>,
        %get3A_161 = vector.shape_cast %get3A_160 : vector<16xf32> to vector<16xf32>
        %gt3A_162 = arith.cmpf ogt, %get3A_161, %scan3A_139 : vector<16xf32>
        %select_n3A_163 = arith.select %gt3A_162, %get3A_161, %scan3A_139 : vector<16xi1>, vector<16xf32>
        %select_n3A_164 = arith.select %gt3A_162, %scan3A_137, %scan3A_145 : vector<16xi1>, vector<16xi32>
        %add3A_165 = arith.constant 32 : i32
        %add3A_166 = arith.addi %mul3A_151, %add3A_165 : i32
        %get3A_167 = arith.index_cast %add3A_166 : i32 to index
        %get3A_168 = tpu.vector_load %arg4[%get3A_167] {strides = array<i32>} : memref<24576xf32, #tpu.memory_space<vmem>>, vector<16xf32>,
        %get3A_169 = vector.shape_cast %get3A_168 : vector<16xf32> to vector<16xf32>
        %gt3A_170 = arith.cmpf ogt, %get3A_169, %scan3A_140 : vector<16xf32>
        %select_n3A_171 = arith.select %gt3A_170, %get3A_169, %scan3A_140 : vector<16xi1>, vector<16xf32>
        %select_n3A_172 = arith.select %gt3A_170, %scan3A_137, %scan3A_146 : vector<16xi1>, vector<16xi32>
        %add3A_173 = arith.constant 48 : i32
        %add3A_174 = arith.addi %mul3A_151, %add3A_173 : i32
        %get3A_175 = arith.index_cast %add3A_174 : i32 to index
        %get3A_176 = tpu.vector_load %arg4[%get3A_175] {strides = array<i32>} : memref<24576xf32, #tpu.memory_space<vmem>>, vector<16xf32>,
        %get3A_177 = vector.shape_cast %get3A_176 : vector<16xf32> to vector<16xf32>
        %gt3A_178 = arith.cmpf ogt, %get3A_177, %scan3A_141 : vector<16xf32>
        %select_n3A_179 = arith.select %gt3A_178, %get3A_177, %scan3A_141 : vector<16xi1>, vector<16xf32>
        %select_n3A_180 = arith.select %gt3A_178, %scan3A_137, %scan3A_147 : vector<16xi1>, vector<16xi32>
        %add3A_181 = arith.constant 64 : i32
        %add3A_182 = arith.addi %mul3A_151, %add3A_181 : i32
        %get3A_183 = arith.index_cast %add3A_182 : i32 to index
        %get3A_184 = tpu.vector_load %arg4[%get3A_183] {strides = array<i32>} : memref<24576xf32, #tpu.memory_space<vmem>>, vector<16xf32>,
        %get3A_185 = vector.shape_cast %get3A_184 : vector<16xf32> to vector<16xf32>
        %gt3A_186 = arith.cmpf ogt, %get3A_185, %scan3A_142 : vector<16xf32>
        %select_n3A_187 = arith.select %gt3A_186, %get3A_185, %scan3A_142 : vector<16xi1>, vector<16xf32>
        %select_n3A_188 = arith.select %gt3A_186, %scan3A_137, %scan3A_148 : vector<16xi1>, vector<16xi32>
        %add3A_189 = arith.constant 80 : i32
        %add3A_190 = arith.addi %mul3A_151, %add3A_189 : i32
        %get3A_191 = arith.index_cast %add3A_190 : i32 to index
        %get3A_192 = tpu.vector_load %arg4[%get3A_191] {strides = array<i32>} : memref<24576xf32, #tpu.memory_space<vmem>>, vector<16xf32>,
        %get3A_193 = vector.shape_cast %get3A_192 : vector<16xf32> to vector<16xf32>
        %gt3A_194 = arith.cmpf ogt, %get3A_193, %scan3A_143 : vector<16xf32>
        %select_n3A_195 = arith.select %gt3A_194, %get3A_193, %scan3A_143 : vector<16xi1>, vector<16xf32>
        %select_n3A_196 = arith.select %gt3A_194, %scan3A_137, %scan3A_149 : vector<16xi1>, vector<16xi32>
        %add3A_197 = arith.constant 1 : i32
        %add3A_198 = vector.broadcast %add3A_197 : i32 to vector<16xi32>
        %add3A_199 = arith.addi %scan3A_137, %add3A_198 : vector<16xi32>
        %scan3A_200 = arith.constant 1 : i32
        %scan3A_201 = arith.addi %scan3A_136, %scan3A_200 : i32
        %mul3A_202 = arith.constant 96 : i32
        %mul3A_203 = arith.muli %scan3A_201, %mul3A_202 : i32
        %add3A_204 = arith.constant 0 : i32
        %add3A_205 = arith.addi %mul3A_203, %add3A_204 : i32
        %get3A_206 = arith.index_cast %add3A_205 : i32 to index
        %get3A_207 = tpu.vector_load %arg4[%get3A_206] {strides = array<i32>} : memref<24576xf32, #tpu.memory_space<vmem>>, vector<16xf32>,
        %get3A_208 = vector.shape_cast %get3A_207 : vector<16xf32> to vector<16xf32>
        %gt3A_209 = arith.cmpf ogt, %get3A_208, %select_n3A : vector<16xf32>
        %select_n3A_210 = arith.select %gt3A_209, %get3A_208, %select_n3A : vector<16xi1>, vector<16xf32>
        %select_n3A_211 = arith.select %gt3A_209, %add3A_199, %select_n3A_156 : vector<16xi1>, vector<16xi32>
        %add3A_212 = arith.constant 16 : i32
        %add3A_213 = arith.addi %mul3A_203, %add3A_212 : i32
        %get3A_214 = arith.index_cast %add3A_213 : i32 to index
        %get3A_215 = tpu.vector_load %arg4[%get3A_214] {strides = array<i32>} : memref<24576xf32, #tpu.memory_space<vmem>>, vector<16xf32>,
        %get3A_216 = vector.shape_cast %get3A_215 : vector<16xf32> to vector<16xf32>
        %gt3A_217 = arith.cmpf ogt, %get3A_216, %select_n3A_163 : vector<16xf32>
        %select_n3A_218 = arith.select %gt3A_217, %get3A_216, %select_n3A_163 : vector<16xi1>, vector<16xf32>
        %select_n3A_219 = arith.select %gt3A_217, %add3A_199, %select_n3A_164 : vector<16xi1>, vector<16xi32>
        %add3A_220 = arith.constant 32 : i32
        %add3A_221 = arith.addi %mul3A_203, %add3A_220 : i32
        %get3A_222 = arith.index_cast %add3A_221 : i32 to index
        %get3A_223 = tpu.vector_load %arg4[%get3A_222] {strides = array<i32>} : memref<24576xf32, #tpu.memory_space<vmem>>, vector<16xf32>,
        %get3A_224 = vector.shape_cast %get3A_223 : vector<16xf32> to vector<16xf32>
        %gt3A_225 = arith.cmpf ogt, %get3A_224, %select_n3A_171 : vector<16xf32>
        %select_n3A_226 = arith.select %gt3A_225, %get3A_224, %select_n3A_171 : vector<16xi1>, vector<16xf32>
        %select_n3A_227 = arith.select %gt3A_225, %add3A_199, %select_n3A_172 : vector<16xi1>, vector<16xi32>
        %add3A_228 = arith.constant 48 : i32
        %add3A_229 = arith.addi %mul3A_203, %add3A_228 : i32
        %get3A_230 = arith.index_cast %add3A_229 : i32 to index
        %get3A_231 = tpu.vector_load %arg4[%get3A_230] {strides = array<i32>} : memref<24576xf32, #tpu.memory_space<vmem>>, vector<16xf32>,
        %get3A_232 = vector.shape_cast %get3A_231 : vector<16xf32> to vector<16xf32>
        %gt3A_233 = arith.cmpf ogt, %get3A_232, %select_n3A_179 : vector<16xf32>
        %select_n3A_234 = arith.select %gt3A_233, %get3A_232, %select_n3A_179 : vector<16xi1>, vector<16xf32>
        %select_n3A_235 = arith.select %gt3A_233, %add3A_199, %select_n3A_180 : vector<16xi1>, vector<16xi32>
        %add3A_236 = arith.constant 64 : i32
        %add3A_237 = arith.addi %mul3A_203, %add3A_236 : i32
        %get3A_238 = arith.index_cast %add3A_237 : i32 to index
        %get3A_239 = tpu.vector_load %arg4[%get3A_238] {strides = array<i32>} : memref<24576xf32, #tpu.memory_space<vmem>>, vector<16xf32>,
        %get3A_240 = vector.shape_cast %get3A_239 : vector<16xf32> to vector<16xf32>
        %gt3A_241 = arith.cmpf ogt, %get3A_240, %select_n3A_187 : vector<16xf32>
        %select_n3A_242 = arith.select %gt3A_241, %get3A_240, %select_n3A_187 : vector<16xi1>, vector<16xf32>
        %select_n3A_243 = arith.select %gt3A_241, %add3A_199, %select_n3A_188 : vector<16xi1>, vector<16xi32>
        %add3A_244 = arith.constant 80 : i32
        %add3A_245 = arith.addi %mul3A_203, %add3A_244 : i32
        %get3A_246 = arith.index_cast %add3A_245 : i32 to index
        %get3A_247 = tpu.vector_load %arg4[%get3A_246] {strides = array<i32>} : memref<24576xf32, #tpu.memory_space<vmem>>, vector<16xf32>,
        %get3A_248 = vector.shape_cast %get3A_247 : vector<16xf32> to vector<16xf32>
        %gt3A_249 = arith.cmpf ogt, %get3A_248, %select_n3A_195 : vector<16xf32>
        %select_n3A_250 = arith.select %gt3A_249, %get3A_248, %select_n3A_195 : vector<16xi1>, vector<16xf32>
        %select_n3A_251 = arith.select %gt3A_249, %add3A_199, %select_n3A_196 : vector<16xi1>, vector<16xi32>
        %add3A_252 = arith.constant 1 : i32
        %add3A_253 = vector.broadcast %add3A_252 : i32 to vector<16xi32>
        %add3A_254 = arith.addi %add3A_199, %add3A_253 : vector<16xi32>
        scf.yield %add3A_254, %select_n3A_210, %select_n3A_218, %select_n3A_226, %select_n3A_234, %select_n3A_242, %select_n3A_250, %select_n3A_211, %select_n3A_219, %select_n3A_227, %select_n3A_235, %select_n3A_243, %select_n3A_251 : vector<16xi32>, vector<16xf32>, vector<16xf32>, vector<16xf32>, vector<16xf32>, vector<16xf32>, vector<16xf32>, vector<16xi32>, vector<16xi32>, vector<16xi32>, vector<16xi32>, vector<16xi32>, vector<16xi32>
      }
      %scan3A_103 = arith.constant 256 : i32
      %add3A_104 = arith.constant 2 : i32
      %add3A_105 = arith.addi %add3A_89, %add3A_104 : i32
      %lt3A = arith.constant 18 : i32
      %lt3A_106 = arith.cmpi slt, %add3A_105, %lt3A : i32
      %convert_element_type3A_107 = arith.extui %lt3A_106 : i1 to i32
      %cond3A_108 = arith.constant 0 : i32
      %cond3A_109 = arith.cmpi ne, %convert_element_type3A_107, %cond3A_108 : i32
      scf.if %cond3A_109 {
        %add3A_136 = arith.constant 2 : i32
        %add3A_137 = arith.addi %add3A_89, %add3A_136 : i32
        %mul3A_138 = arith.constant 24576 : i32
        %mul3A_139 = arith.muli %add3A_137, %mul3A_138 : i32
        %add3A_140 = arith.addi %mul3A_4, %mul3A_139 : i32
        %dma_start3A_141 = tpu.memref_slice %arg2[%add3A_140] : memref<14155776xf32, #tpu.memory_space<hbm>> -> memref<24576xf32, #tpu.memory_space<hbm>>
        %dma_start3A_142 = tpu.memref_slice %arg2[%add3A_140] : memref<14155776xf32, #tpu.memory_space<hbm>> -> memref<24576xf32, #tpu.memory_space<hbm>>
        tpu.enqueue_dma source(%dma_start3A_142 : memref<24576xf32, #tpu.memory_space<hbm>>) target(%arg4 : memref<24576xf32, #tpu.memory_space<vmem>>) target_semaphore(%arg13 : memref<!tpu.dma_semaphore, #tpu.memory_space<semaphore_mem>>)
      } else {
      }
      %mul3A_110 = arith.constant 2 : i32
      %mul3A_111 = arith.muli %scan3A_73, %mul3A_110 : i32
      %add3A_112 = arith.constant 1 : i32
      %add3A_113 = arith.addi %mul3A_111, %add3A_112 : i32
      %dma_wait3A_114 = arith.constant 0 : i32
      %dma_wait3A_115 = tpu.memref_slice %arg2[%dma_wait3A_114] : memref<14155776xf32, #tpu.memory_space<hbm>> -> memref<24576xf32, #tpu.memory_space<hbm>>
      %dma_wait3A_116 = arith.constant 0 : i32
      %dma_wait3A_117 = tpu.memref_slice %arg2[%dma_wait3A_116] : memref<14155776xf32, #tpu.memory_space<hbm>> -> memref<24576xf32, #tpu.memory_space<hbm>>
      tpu.wait_dma2 semaphore(%arg14 : memref<!tpu.dma_semaphore, #tpu.memory_space<semaphore_mem>>) src(%dma_wait3A_117 : memref<24576xf32, #tpu.memory_space<hbm>>) dst(%arg5 : memref<24576xf32, #tpu.memory_space<vmem>>)
      %mul3A_118 = arith.constant 256 : i32
      %mul3A_119 = arith.muli %add3A_113, %mul3A_118 : i32
      %add3A_120 = arith.addi %mul3A_2, %mul3A_119 : i32
      %add3A_121 = vector.broadcast %add3A_120 : i32 to vector<16xi32>
      %add3A_122 = arith.addi %broadcast_in_dim3A_14, %add3A_121 : vector<16xi32>
      %scan3A_123 = arith.constant 0 : i32
      %scan3A_124 = arith.constant 256 : i32
      %scan3A_125 = arith.addi %scan3A_123, %scan3A_124 : i32
      %scan3A_126 = arith.constant 2 : i32
      %scan3A_127:13 = scf.for %scan3A_136 = %scan3A_123 to %scan3A_125 step %scan3A_126 iter_args(%scan3A_137 = %add3A_122, %scan3A_138 = %scan3A_102#1, %scan3A_139 = %scan3A_102#2, %scan3A_140 = %scan3A_102#3, %scan3A_141 = %scan3A_102#4, %scan3A_142 = %scan3A_102#5, %scan3A_143 = %scan3A_102#6, %scan3A_144 = %scan3A_102#7, %scan3A_145 = %scan3A_102#8, %scan3A_146 = %scan3A_102#9, %scan3A_147 = %scan3A_102#10, %scan3A_148 = %scan3A_102#11, %scan3A_149 = %scan3A_102#12) -> (vector<16xi32>, vector<16xf32>, vector<16xf32>, vector<16xf32>, vector<16xf32>, vector<16xf32>, vector<16xf32>, vector<16xi32>, vector<16xi32>, vector<16xi32>, vector<16xi32>, vector<16xi32>, vector<16xi32>)  : i32 {
        %mul3A_150 = arith.constant 96 : i32
        %mul3A_151 = arith.muli %scan3A_136, %mul3A_150 : i32
        %add3A_152 = arith.constant 0 : i32
        %add3A_153 = arith.addi %mul3A_151, %add3A_152 : i32
        %get3A = arith.index_cast %add3A_153 : i32 to index
        %get3A_154 = tpu.vector_load %arg5[%get3A] {strides = array<i32>} : memref<24576xf32, #tpu.memory_space<vmem>>, vector<16xf32>,
        %get3A_155 = vector.shape_cast %get3A_154 : vector<16xf32> to vector<16xf32>
        %gt3A = arith.cmpf ogt, %get3A_155, %scan3A_138 : vector<16xf32>
        %select_n3A = arith.select %gt3A, %get3A_155, %scan3A_138 : vector<16xi1>, vector<16xf32>
        %select_n3A_156 = arith.select %gt3A, %scan3A_137, %scan3A_144 : vector<16xi1>, vector<16xi32>
        %add3A_157 = arith.constant 16 : i32
        %add3A_158 = arith.addi %mul3A_151, %add3A_157 : i32
        %get3A_159 = arith.index_cast %add3A_158 : i32 to index
        %get3A_160 = tpu.vector_load %arg5[%get3A_159] {strides = array<i32>} : memref<24576xf32, #tpu.memory_space<vmem>>, vector<16xf32>,
        %get3A_161 = vector.shape_cast %get3A_160 : vector<16xf32> to vector<16xf32>
        %gt3A_162 = arith.cmpf ogt, %get3A_161, %scan3A_139 : vector<16xf32>
        %select_n3A_163 = arith.select %gt3A_162, %get3A_161, %scan3A_139 : vector<16xi1>, vector<16xf32>
        %select_n3A_164 = arith.select %gt3A_162, %scan3A_137, %scan3A_145 : vector<16xi1>, vector<16xi32>
        %add3A_165 = arith.constant 32 : i32
        %add3A_166 = arith.addi %mul3A_151, %add3A_165 : i32
        %get3A_167 = arith.index_cast %add3A_166 : i32 to index
        %get3A_168 = tpu.vector_load %arg5[%get3A_167] {strides = array<i32>} : memref<24576xf32, #tpu.memory_space<vmem>>, vector<16xf32>,
        %get3A_169 = vector.shape_cast %get3A_168 : vector<16xf32> to vector<16xf32>
        %gt3A_170 = arith.cmpf ogt, %get3A_169, %scan3A_140 : vector<16xf32>
        %select_n3A_171 = arith.select %gt3A_170, %get3A_169, %scan3A_140 : vector<16xi1>, vector<16xf32>
        %select_n3A_172 = arith.select %gt3A_170, %scan3A_137, %scan3A_146 : vector<16xi1>, vector<16xi32>
        %add3A_173 = arith.constant 48 : i32
        %add3A_174 = arith.addi %mul3A_151, %add3A_173 : i32
        %get3A_175 = arith.index_cast %add3A_174 : i32 to index
        %get3A_176 = tpu.vector_load %arg5[%get3A_175] {strides = array<i32>} : memref<24576xf32, #tpu.memory_space<vmem>>, vector<16xf32>,
        %get3A_177 = vector.shape_cast %get3A_176 : vector<16xf32> to vector<16xf32>
        %gt3A_178 = arith.cmpf ogt, %get3A_177, %scan3A_141 : vector<16xf32>
        %select_n3A_179 = arith.select %gt3A_178, %get3A_177, %scan3A_141 : vector<16xi1>, vector<16xf32>
        %select_n3A_180 = arith.select %gt3A_178, %scan3A_137, %scan3A_147 : vector<16xi1>, vector<16xi32>
        %add3A_181 = arith.constant 64 : i32
        %add3A_182 = arith.addi %mul3A_151, %add3A_181 : i32
        %get3A_183 = arith.index_cast %add3A_182 : i32 to index
        %get3A_184 = tpu.vector_load %arg5[%get3A_183] {strides = array<i32>} : memref<24576xf32, #tpu.memory_space<vmem>>, vector<16xf32>,
        %get3A_185 = vector.shape_cast %get3A_184 : vector<16xf32> to vector<16xf32>
        %gt3A_186 = arith.cmpf ogt, %get3A_185, %scan3A_142 : vector<16xf32>
        %select_n3A_187 = arith.select %gt3A_186, %get3A_185, %scan3A_142 : vector<16xi1>, vector<16xf32>
        %select_n3A_188 = arith.select %gt3A_186, %scan3A_137, %scan3A_148 : vector<16xi1>, vector<16xi32>
        %add3A_189 = arith.constant 80 : i32
        %add3A_190 = arith.addi %mul3A_151, %add3A_189 : i32
        %get3A_191 = arith.index_cast %add3A_190 : i32 to index
        %get3A_192 = tpu.vector_load %arg5[%get3A_191] {strides = array<i32>} : memref<24576xf32, #tpu.memory_space<vmem>>, vector<16xf32>,
        %get3A_193 = vector.shape_cast %get3A_192 : vector<16xf32> to vector<16xf32>
        %gt3A_194 = arith.cmpf ogt, %get3A_193, %scan3A_143 : vector<16xf32>
        %select_n3A_195 = arith.select %gt3A_194, %get3A_193, %scan3A_143 : vector<16xi1>, vector<16xf32>
        %select_n3A_196 = arith.select %gt3A_194, %scan3A_137, %scan3A_149 : vector<16xi1>, vector<16xi32>
        %add3A_197 = arith.constant 1 : i32
        %add3A_198 = vector.broadcast %add3A_197 : i32 to vector<16xi32>
        %add3A_199 = arith.addi %scan3A_137, %add3A_198 : vector<16xi32>
        %scan3A_200 = arith.constant 1 : i32
        %scan3A_201 = arith.addi %scan3A_136, %scan3A_200 : i32
        %mul3A_202 = arith.constant 96 : i32
        %mul3A_203 = arith.muli %scan3A_201, %mul3A_202 : i32
        %add3A_204 = arith.constant 0 : i32
        %add3A_205 = arith.addi %mul3A_203, %add3A_204 : i32
        %get3A_206 = arith.index_cast %add3A_205 : i32 to index
        %get3A_207 = tpu.vector_load %arg5[%get3A_206] {strides = array<i32>} : memref<24576xf32, #tpu.memory_space<vmem>>, vector<16xf32>,
        %get3A_208 = vector.shape_cast %get3A_207 : vector<16xf32> to vector<16xf32>
        %gt3A_209 = arith.cmpf ogt, %get3A_208, %select_n3A : vector<16xf32>
        %select_n3A_210 = arith.select %gt3A_209, %get3A_208, %select_n3A : vector<16xi1>, vector<16xf32>
        %select_n3A_211 = arith.select %gt3A_209, %add3A_199, %select_n3A_156 : vector<16xi1>, vector<16xi32>
        %add3A_212 = arith.constant 16 : i32
        %add3A_213 = arith.addi %mul3A_203, %add3A_212 : i32
        %get3A_214 = arith.index_cast %add3A_213 : i32 to index
        %get3A_215 = tpu.vector_load %arg5[%get3A_214] {strides = array<i32>} : memref<24576xf32, #tpu.memory_space<vmem>>, vector<16xf32>,
        %get3A_216 = vector.shape_cast %get3A_215 : vector<16xf32> to vector<16xf32>
        %gt3A_217 = arith.cmpf ogt, %get3A_216, %select_n3A_163 : vector<16xf32>
        %select_n3A_218 = arith.select %gt3A_217, %get3A_216, %select_n3A_163 : vector<16xi1>, vector<16xf32>
        %select_n3A_219 = arith.select %gt3A_217, %add3A_199, %select_n3A_164 : vector<16xi1>, vector<16xi32>
        %add3A_220 = arith.constant 32 : i32
        %add3A_221 = arith.addi %mul3A_203, %add3A_220 : i32
        %get3A_222 = arith.index_cast %add3A_221 : i32 to index
        %get3A_223 = tpu.vector_load %arg5[%get3A_222] {strides = array<i32>} : memref<24576xf32, #tpu.memory_space<vmem>>, vector<16xf32>,
        %get3A_224 = vector.shape_cast %get3A_223 : vector<16xf32> to vector<16xf32>
        %gt3A_225 = arith.cmpf ogt, %get3A_224, %select_n3A_171 : vector<16xf32>
        %select_n3A_226 = arith.select %gt3A_225, %get3A_224, %select_n3A_171 : vector<16xi1>, vector<16xf32>
        %select_n3A_227 = arith.select %gt3A_225, %add3A_199, %select_n3A_172 : vector<16xi1>, vector<16xi32>
        %add3A_228 = arith.constant 48 : i32
        %add3A_229 = arith.addi %mul3A_203, %add3A_228 : i32
        %get3A_230 = arith.index_cast %add3A_229 : i32 to index
        %get3A_231 = tpu.vector_load %arg5[%get3A_230] {strides = array<i32>} : memref<24576xf32, #tpu.memory_space<vmem>>, vector<16xf32>,
        %get3A_232 = vector.shape_cast %get3A_231 : vector<16xf32> to vector<16xf32>
        %gt3A_233 = arith.cmpf ogt, %get3A_232, %select_n3A_179 : vector<16xf32>
        %select_n3A_234 = arith.select %gt3A_233, %get3A_232, %select_n3A_179 : vector<16xi1>, vector<16xf32>
        %select_n3A_235 = arith.select %gt3A_233, %add3A_199, %select_n3A_180 : vector<16xi1>, vector<16xi32>
        %add3A_236 = arith.constant 64 : i32
        %add3A_237 = arith.addi %mul3A_203, %add3A_236 : i32
        %get3A_238 = arith.index_cast %add3A_237 : i32 to index
        %get3A_239 = tpu.vector_load %arg5[%get3A_238] {strides = array<i32>} : memref<24576xf32, #tpu.memory_space<vmem>>, vector<16xf32>,
        %get3A_240 = vector.shape_cast %get3A_239 : vector<16xf32> to vector<16xf32>
        %gt3A_241 = arith.cmpf ogt, %get3A_240, %select_n3A_187 : vector<16xf32>
        %select_n3A_242 = arith.select %gt3A_241, %get3A_240, %select_n3A_187 : vector<16xi1>, vector<16xf32>
        %select_n3A_243 = arith.select %gt3A_241, %add3A_199, %select_n3A_188 : vector<16xi1>, vector<16xi32>
        %add3A_244 = arith.constant 80 : i32
        %add3A_245 = arith.addi %mul3A_203, %add3A_244 : i32
        %get3A_246 = arith.index_cast %add3A_245 : i32 to index
        %get3A_247 = tpu.vector_load %arg5[%get3A_246] {strides = array<i32>} : memref<24576xf32, #tpu.memory_space<vmem>>, vector<16xf32>,
        %get3A_248 = vector.shape_cast %get3A_247 : vector<16xf32> to vector<16xf32>
        %gt3A_249 = arith.cmpf ogt, %get3A_248, %select_n3A_195 : vector<16xf32>
        %select_n3A_250 = arith.select %gt3A_249, %get3A_248, %select_n3A_195 : vector<16xi1>, vector<16xf32>
        %select_n3A_251 = arith.select %gt3A_249, %add3A_199, %select_n3A_196 : vector<16xi1>, vector<16xi32>
        %add3A_252 = arith.constant 1 : i32
        %add3A_253 = vector.broadcast %add3A_252 : i32 to vector<16xi32>
        %add3A_254 = arith.addi %add3A_199, %add3A_253 : vector<16xi32>
        scf.yield %add3A_254, %select_n3A_210, %select_n3A_218, %select_n3A_226, %select_n3A_234, %select_n3A_242, %select_n3A_250, %select_n3A_211, %select_n3A_219, %select_n3A_227, %select_n3A_235, %select_n3A_243, %select_n3A_251 : vector<16xi32>, vector<16xf32>, vector<16xf32>, vector<16xf32>, vector<16xf32>, vector<16xf32>, vector<16xf32>, vector<16xi32>, vector<16xi32>, vector<16xi32>, vector<16xi32>, vector<16xi32>, vector<16xi32>
      }
      %scan3A_128 = arith.constant 256 : i32
      %add3A_129 = arith.constant 2 : i32
      %add3A_130 = arith.addi %add3A_113, %add3A_129 : i32
      %lt3A_131 = arith.constant 18 : i32
      %lt3A_132 = arith.cmpi slt, %add3A_130, %lt3A_131 : i32
      %convert_element_type3A_133 = arith.extui %lt3A_132 : i1 to i32
      %cond3A_134 = arith.constant 0 : i32
      %cond3A_135 = arith.cmpi ne, %convert_element_type3A_133, %cond3A_134 : i32
      scf.if %cond3A_135 {
        %add3A_136 = arith.constant 2 : i32
        %add3A_137 = arith.addi %add3A_113, %add3A_136 : i32
        %mul3A_138 = arith.constant 24576 : i32
        %mul3A_139 = arith.muli %add3A_137, %mul3A_138 : i32
        %add3A_140 = arith.addi %mul3A_4, %mul3A_139 : i32
        %dma_start3A_141 = tpu.memref_slice %arg2[%add3A_140] : memref<14155776xf32, #tpu.memory_space<hbm>> -> memref<24576xf32, #tpu.memory_space<hbm>>
        %dma_start3A_142 = tpu.memref_slice %arg2[%add3A_140] : memref<14155776xf32, #tpu.memory_space<hbm>> -> memref<24576xf32, #tpu.memory_space<hbm>>
        tpu.enqueue_dma source(%dma_start3A_142 : memref<24576xf32, #tpu.memory_space<hbm>>) target(%arg5 : memref<24576xf32, #tpu.memory_space<vmem>>) target_semaphore(%arg14 : memref<!tpu.dma_semaphore, #tpu.memory_space<semaphore_mem>>)
      } else {
      }
      scf.yield %scan3A_127#1, %scan3A_127#2, %scan3A_127#3, %scan3A_127#4, %scan3A_127#5, %scan3A_127#6, %scan3A_127#7, %scan3A_127#8, %scan3A_127#9, %scan3A_127#10, %scan3A_127#11, %scan3A_127#12 : vector<16xf32>, vector<16xf32>, vector<16xf32>, vector<16xf32>, vector<16xf32>, vector<16xf32>, vector<16xi32>, vector<16xi32>, vector<16xi32>, vector<16xi32>, vector<16xi32>, vector<16xi32>
    }
    %scan3A_19 = arith.constant 9 : i32
    %swap3A = arith.constant 0 : index
    %swap3A_20 = tpu.vector_load %arg6[%swap3A] {strides = array<i32>} : memref<96xf32, #tpu.memory_space<vmem>>, vector<16xf32>,
    %swap3A_21 = vector.shape_cast %swap3A_20 : vector<16xf32> to vector<16xf32>
    %swap3A_22 = vector.shape_cast %scan3A_18#0 : vector<16xf32> to vector<16xf32>
    tpu.vector_store %arg6[%swap3A], %swap3A_22 {strides = array<i32>} : memref<96xf32, #tpu.memory_space<vmem>>, vector<16xf32>,
    %swap3A_23 = arith.constant 0 : index
    %swap3A_24 = tpu.vector_load %arg7[%swap3A_23] {strides = array<i32>} : memref<96xi32, #tpu.memory_space<vmem>>, vector<16xi32>,
    %swap3A_25 = vector.shape_cast %swap3A_24 : vector<16xi32> to vector<16xi32>
    %swap3A_26 = vector.shape_cast %scan3A_18#6 : vector<16xi32> to vector<16xi32>
    tpu.vector_store %arg7[%swap3A_23], %swap3A_26 {strides = array<i32>} : memref<96xi32, #tpu.memory_space<vmem>>, vector<16xi32>,
    %swap3A_27 = arith.constant 16 : index
    %swap3A_28 = tpu.vector_load %arg6[%swap3A_27] {strides = array<i32>} : memref<96xf32, #tpu.memory_space<vmem>>, vector<16xf32>,
    %swap3A_29 = vector.shape_cast %swap3A_28 : vector<16xf32> to vector<16xf32>
    %swap3A_30 = vector.shape_cast %scan3A_18#1 : vector<16xf32> to vector<16xf32>
    tpu.vector_store %arg6[%swap3A_27], %swap3A_30 {strides = array<i32>} : memref<96xf32, #tpu.memory_space<vmem>>, vector<16xf32>,
    %swap3A_31 = arith.constant 16 : index
    %swap3A_32 = tpu.vector_load %arg7[%swap3A_31] {strides = array<i32>} : memref<96xi32, #tpu.memory_space<vmem>>, vector<16xi32>,
    %swap3A_33 = vector.shape_cast %swap3A_32 : vector<16xi32> to vector<16xi32>
    %swap3A_34 = vector.shape_cast %scan3A_18#7 : vector<16xi32> to vector<16xi32>
    tpu.vector_store %arg7[%swap3A_31], %swap3A_34 {strides = array<i32>} : memref<96xi32, #tpu.memory_space<vmem>>, vector<16xi32>,
    %swap3A_35 = arith.constant 32 : index
    %swap3A_36 = tpu.vector_load %arg6[%swap3A_35] {strides = array<i32>} : memref<96xf32, #tpu.memory_space<vmem>>, vector<16xf32>,
    %swap3A_37 = vector.shape_cast %swap3A_36 : vector<16xf32> to vector<16xf32>
    %swap3A_38 = vector.shape_cast %scan3A_18#2 : vector<16xf32> to vector<16xf32>
    tpu.vector_store %arg6[%swap3A_35], %swap3A_38 {strides = array<i32>} : memref<96xf32, #tpu.memory_space<vmem>>, vector<16xf32>,
    %swap3A_39 = arith.constant 32 : index
    %swap3A_40 = tpu.vector_load %arg7[%swap3A_39] {strides = array<i32>} : memref<96xi32, #tpu.memory_space<vmem>>, vector<16xi32>,
    %swap3A_41 = vector.shape_cast %swap3A_40 : vector<16xi32> to vector<16xi32>
    %swap3A_42 = vector.shape_cast %scan3A_18#8 : vector<16xi32> to vector<16xi32>
    tpu.vector_store %arg7[%swap3A_39], %swap3A_42 {strides = array<i32>} : memref<96xi32, #tpu.memory_space<vmem>>, vector<16xi32>,
    %swap3A_43 = arith.constant 48 : index
    %swap3A_44 = tpu.vector_load %arg6[%swap3A_43] {strides = array<i32>} : memref<96xf32, #tpu.memory_space<vmem>>, vector<16xf32>,
    %swap3A_45 = vector.shape_cast %swap3A_44 : vector<16xf32> to vector<16xf32>
    %swap3A_46 = vector.shape_cast %scan3A_18#3 : vector<16xf32> to vector<16xf32>
    tpu.vector_store %arg6[%swap3A_43], %swap3A_46 {strides = array<i32>} : memref<96xf32, #tpu.memory_space<vmem>>, vector<16xf32>,
    %swap3A_47 = arith.constant 48 : index
    %swap3A_48 = tpu.vector_load %arg7[%swap3A_47] {strides = array<i32>} : memref<96xi32, #tpu.memory_space<vmem>>, vector<16xi32>,
    %swap3A_49 = vector.shape_cast %swap3A_48 : vector<16xi32> to vector<16xi32>
    %swap3A_50 = vector.shape_cast %scan3A_18#9 : vector<16xi32> to vector<16xi32>
    tpu.vector_store %arg7[%swap3A_47], %swap3A_50 {strides = array<i32>} : memref<96xi32, #tpu.memory_space<vmem>>, vector<16xi32>,
    %swap3A_51 = arith.constant 64 : index
    %swap3A_52 = tpu.vector_load %arg6[%swap3A_51] {strides = array<i32>} : memref<96xf32, #tpu.memory_space<vmem>>, vector<16xf32>,
    %swap3A_53 = vector.shape_cast %swap3A_52 : vector<16xf32> to vector<16xf32>
    %swap3A_54 = vector.shape_cast %scan3A_18#4 : vector<16xf32> to vector<16xf32>
    tpu.vector_store %arg6[%swap3A_51], %swap3A_54 {strides = array<i32>} : memref<96xf32, #tpu.memory_space<vmem>>, vector<16xf32>,
    %swap3A_55 = arith.constant 64 : index
    %swap3A_56 = tpu.vector_load %arg7[%swap3A_55] {strides = array<i32>} : memref<96xi32, #tpu.memory_space<vmem>>, vector<16xi32>,
    %swap3A_57 = vector.shape_cast %swap3A_56 : vector<16xi32> to vector<16xi32>
    %swap3A_58 = vector.shape_cast %scan3A_18#10 : vector<16xi32> to vector<16xi32>
    tpu.vector_store %arg7[%swap3A_55], %swap3A_58 {strides = array<i32>} : memref<96xi32, #tpu.memory_space<vmem>>, vector<16xi32>,
    %swap3A_59 = arith.constant 80 : index
    %swap3A_60 = tpu.vector_load %arg6[%swap3A_59] {strides = array<i32>} : memref<96xf32, #tpu.memory_space<vmem>>, vector<16xf32>,
    %swap3A_61 = vector.shape_cast %swap3A_60 : vector<16xf32> to vector<16xf32>
    %swap3A_62 = vector.shape_cast %scan3A_18#5 : vector<16xf32> to vector<16xf32>
    tpu.vector_store %arg6[%swap3A_59], %swap3A_62 {strides = array<i32>} : memref<96xf32, #tpu.memory_space<vmem>>, vector<16xf32>,
    %swap3A_63 = arith.constant 80 : index
    %swap3A_64 = tpu.vector_load %arg7[%swap3A_63] {strides = array<i32>} : memref<96xi32, #tpu.memory_space<vmem>>, vector<16xi32>,
    %swap3A_65 = vector.shape_cast %swap3A_64 : vector<16xi32> to vector<16xi32>
    %swap3A_66 = vector.shape_cast %scan3A_18#11 : vector<16xi32> to vector<16xi32>
    tpu.vector_store %arg7[%swap3A_63], %swap3A_66 {strides = array<i32>} : memref<96xi32, #tpu.memory_space<vmem>>, vector<16xi32>,
    %mul3A_67 = arith.constant 96 : i32
    %mul3A_68 = arith.muli %arg1, %mul3A_67 : i32
    "tpu.region"() ({
      %run_scoped3A = tpu.sem_alloc : memref<!tpu.dma_semaphore, #tpu.memory_space<semaphore_mem>>
      %dma_start3A_73 = tpu.memref_slice %arg8[%mul3A_68] : memref<1536xf32, #tpu.memory_space<vmem_shared>> -> memref<96xf32, #tpu.memory_space<vmem_shared>>
      %dma_start3A_74 = tpu.memref_slice %arg8[%mul3A_68] : memref<1536xf32, #tpu.memory_space<vmem_shared>> -> memref<96xf32, #tpu.memory_space<vmem_shared>>
      tpu.enqueue_dma source(%arg6 : memref<96xf32, #tpu.memory_space<vmem>>) target(%dma_start3A_74 : memref<96xf32, #tpu.memory_space<vmem_shared>>) target_semaphore(%run_scoped3A : memref<!tpu.dma_semaphore, #tpu.memory_space<semaphore_mem>>)
      %dma_wait3A = tpu.memref_slice %arg8[%mul3A_68] : memref<1536xf32, #tpu.memory_space<vmem_shared>> -> memref<96xf32, #tpu.memory_space<vmem_shared>>
      %dma_wait3A_75 = tpu.memref_slice %arg8[%mul3A_68] : memref<1536xf32, #tpu.memory_space<vmem_shared>> -> memref<96xf32, #tpu.memory_space<vmem_shared>>
      tpu.wait_dma2 semaphore(%run_scoped3A : memref<!tpu.dma_semaphore, #tpu.memory_space<semaphore_mem>>) src(%arg6 : memref<96xf32, #tpu.memory_space<vmem>>) dst(%dma_wait3A_75 : memref<96xf32, #tpu.memory_space<vmem_shared>>)
      tpu.yield
    }) : () -> ()
    %mul3A_69 = arith.constant 96 : i32
    %mul3A_70 = arith.muli %arg1, %mul3A_69 : i32
    "tpu.region"() ({
      %run_scoped3A = tpu.sem_alloc : memref<!tpu.dma_semaphore, #tpu.memory_space<semaphore_mem>>
      %dma_start3A_73 = tpu.memref_slice %arg9[%mul3A_70] : memref<1536xi32, #tpu.memory_space<vmem_shared>> -> memref<96xi32, #tpu.memory_space<vmem_shared>>
      %dma_start3A_74 = tpu.memref_slice %arg9[%mul3A_70] : memref<1536xi32, #tpu.memory_space<vmem_shared>> -> memref<96xi32, #tpu.memory_space<vmem_shared>>
      tpu.enqueue_dma source(%arg7 : memref<96xi32, #tpu.memory_space<vmem>>) target(%dma_start3A_74 : memref<96xi32, #tpu.memory_space<vmem_shared>>) target_semaphore(%run_scoped3A : memref<!tpu.dma_semaphore, #tpu.memory_space<semaphore_mem>>)
      %dma_wait3A = tpu.memref_slice %arg9[%mul3A_70] : memref<1536xi32, #tpu.memory_space<vmem_shared>> -> memref<96xi32, #tpu.memory_space<vmem_shared>>
      %dma_wait3A_75 = tpu.memref_slice %arg9[%mul3A_70] : memref<1536xi32, #tpu.memory_space<vmem_shared>> -> memref<96xi32, #tpu.memory_space<vmem_shared>>
      tpu.wait_dma2 semaphore(%run_scoped3A : memref<!tpu.dma_semaphore, #tpu.memory_space<semaphore_mem>>) src(%arg7 : memref<96xi32, #tpu.memory_space<vmem>>) dst(%dma_wait3A_75 : memref<96xi32, #tpu.memory_space<vmem_shared>>)
      tpu.yield
    }) : () -> ()
    %barrier3A = arith.constant 0 : index
    tpu.barrier barrier_id(%barrier3A)
    %eq3A = arith.constant 0 : i32
    %eq3A_71 = arith.cmpi eq, %arg1, %eq3A : i32
    %convert_element_type3A = arith.extui %eq3A_71 : i1 to i32
    %cond3A = arith.constant 0 : i32
    %cond3A_72 = arith.cmpi ne, %convert_element_type3A, %cond3A : i32
    scf.if %cond3A_72 {
      "tpu.region"() ({
        %run_scoped3A = tpu.sem_alloc : memref<!tpu.dma_semaphore, #tpu.memory_space<semaphore_mem>>
        tpu.enqueue_dma source(%arg8 : memref<1536xf32, #tpu.memory_space<vmem_shared>>) target(%arg10 : memref<1536xf32, #tpu.memory_space<vmem>>) target_semaphore(%run_scoped3A : memref<!tpu.dma_semaphore, #tpu.memory_space<semaphore_mem>>)
        tpu.wait_dma2 semaphore(%run_scoped3A : memref<!tpu.dma_semaphore, #tpu.memory_space<semaphore_mem>>) src(%arg8 : memref<1536xf32, #tpu.memory_space<vmem_shared>>) dst(%arg10 : memref<1536xf32, #tpu.memory_space<vmem>>)
        tpu.yield
      }) : () -> ()
      "tpu.region"() ({
        %run_scoped3A = tpu.sem_alloc : memref<!tpu.dma_semaphore, #tpu.memory_space<semaphore_mem>>
        tpu.enqueue_dma source(%arg9 : memref<1536xi32, #tpu.memory_space<vmem_shared>>) target(%arg11 : memref<1536xi32, #tpu.memory_space<vmem>>) target_semaphore(%run_scoped3A : memref<!tpu.dma_semaphore, #tpu.memory_space<semaphore_mem>>)
        tpu.wait_dma2 semaphore(%run_scoped3A : memref<!tpu.dma_semaphore, #tpu.memory_space<semaphore_mem>>) src(%arg9 : memref<1536xi32, #tpu.memory_space<vmem_shared>>) dst(%arg11 : memref<1536xi32, #tpu.memory_space<vmem>>)
        tpu.yield
      }) : () -> ()
      %get3A = arith.constant 0 : index
      %get3A_73 = tpu.vector_load %arg10[%get3A] {strides = array<i32>} : memref<1536xf32, #tpu.memory_space<vmem>>, vector<16xf32>,
      %get3A_74 = vector.shape_cast %get3A_73 : vector<16xf32> to vector<16xf32>
      %get3A_75 = arith.constant 0 : index
      %get3A_76 = tpu.vector_load %arg11[%get3A_75] {strides = array<i32>} : memref<1536xi32, #tpu.memory_space<vmem>>, vector<16xi32>,
      %get3A_77 = vector.shape_cast %get3A_76 : vector<16xi32> to vector<16xi32>
      %get3A_78 = arith.constant 96 : index
      %get3A_79 = tpu.vector_load %arg10[%get3A_78] {strides = array<i32>} : memref<1536xf32, #tpu.memory_space<vmem>>, vector<16xf32>,
      %get3A_80 = vector.shape_cast %get3A_79 : vector<16xf32> to vector<16xf32>
      %get3A_81 = arith.constant 96 : index
      %get3A_82 = tpu.vector_load %arg11[%get3A_81] {strides = array<i32>} : memref<1536xi32, #tpu.memory_space<vmem>>, vector<16xi32>,
      %get3A_83 = vector.shape_cast %get3A_82 : vector<16xi32> to vector<16xi32>
      %gt3A = arith.cmpf ogt, %get3A_80, %get3A_74 : vector<16xf32>
      %select_n3A = arith.select %gt3A, %get3A_80, %get3A_74 : vector<16xi1>, vector<16xf32>
      %select_n3A_84 = arith.select %gt3A, %get3A_83, %get3A_77 : vector<16xi1>, vector<16xi32>
      %get3A_85 = arith.constant 192 : index
      %get3A_86 = tpu.vector_load %arg10[%get3A_85] {strides = array<i32>} : memref<1536xf32, #tpu.memory_space<vmem>>, vector<16xf32>,
      %get3A_87 = vector.shape_cast %get3A_86 : vector<16xf32> to vector<16xf32>
      %get3A_88 = arith.constant 192 : index
      %get3A_89 = tpu.vector_load %arg11[%get3A_88] {strides = array<i32>} : memref<1536xi32, #tpu.memory_space<vmem>>, vector<16xi32>,
      %get3A_90 = vector.shape_cast %get3A_89 : vector<16xi32> to vector<16xi32>
      %gt3A_91 = arith.cmpf ogt, %get3A_87, %select_n3A : vector<16xf32>
      %select_n3A_92 = arith.select %gt3A_91, %get3A_87, %select_n3A : vector<16xi1>, vector<16xf32>
      %select_n3A_93 = arith.select %gt3A_91, %get3A_90, %select_n3A_84 : vector<16xi1>, vector<16xi32>
      %get3A_94 = arith.constant 288 : index
      %get3A_95 = tpu.vector_load %arg10[%get3A_94] {strides = array<i32>} : memref<1536xf32, #tpu.memory_space<vmem>>, vector<16xf32>,
      %get3A_96 = vector.shape_cast %get3A_95 : vector<16xf32> to vector<16xf32>
      %get3A_97 = arith.constant 288 : index
      %get3A_98 = tpu.vector_load %arg11[%get3A_97] {strides = array<i32>} : memref<1536xi32, #tpu.memory_space<vmem>>, vector<16xi32>,
      %get3A_99 = vector.shape_cast %get3A_98 : vector<16xi32> to vector<16xi32>
      %gt3A_100 = arith.cmpf ogt, %get3A_96, %select_n3A_92 : vector<16xf32>
      %select_n3A_101 = arith.select %gt3A_100, %get3A_96, %select_n3A_92 : vector<16xi1>, vector<16xf32>
      %select_n3A_102 = arith.select %gt3A_100, %get3A_99, %select_n3A_93 : vector<16xi1>, vector<16xi32>
      %get3A_103 = arith.constant 384 : index
      %get3A_104 = tpu.vector_load %arg10[%get3A_103] {strides = array<i32>} : memref<1536xf32, #tpu.memory_space<vmem>>, vector<16xf32>,
      %get3A_105 = vector.shape_cast %get3A_104 : vector<16xf32> to vector<16xf32>
      %get3A_106 = arith.constant 384 : index
      %get3A_107 = tpu.vector_load %arg11[%get3A_106] {strides = array<i32>} : memref<1536xi32, #tpu.memory_space<vmem>>, vector<16xi32>,
      %get3A_108 = vector.shape_cast %get3A_107 : vector<16xi32> to vector<16xi32>
      %gt3A_109 = arith.cmpf ogt, %get3A_105, %select_n3A_101 : vector<16xf32>
      %select_n3A_110 = arith.select %gt3A_109, %get3A_105, %select_n3A_101 : vector<16xi1>, vector<16xf32>
      %select_n3A_111 = arith.select %gt3A_109, %get3A_108, %select_n3A_102 : vector<16xi1>, vector<16xi32>
      %get3A_112 = arith.constant 480 : index
      %get3A_113 = tpu.vector_load %arg10[%get3A_112] {strides = array<i32>} : memref<1536xf32, #tpu.memory_space<vmem>>, vector<16xf32>,
      %get3A_114 = vector.shape_cast %get3A_113 : vector<16xf32> to vector<16xf32>
      %get3A_115 = arith.constant 480 : index
      %get3A_116 = tpu.vector_load %arg11[%get3A_115] {strides = array<i32>} : memref<1536xi32, #tpu.memory_space<vmem>>, vector<16xi32>,
      %get3A_117 = vector.shape_cast %get3A_116 : vector<16xi32> to vector<16xi32>
      %gt3A_118 = arith.cmpf ogt, %get3A_114, %select_n3A_110 : vector<16xf32>
      %select_n3A_119 = arith.select %gt3A_118, %get3A_114, %select_n3A_110 : vector<16xi1>, vector<16xf32>
      %select_n3A_120 = arith.select %gt3A_118, %get3A_117, %select_n3A_111 : vector<16xi1>, vector<16xi32>
      %get3A_121 = arith.constant 576 : index
      %get3A_122 = tpu.vector_load %arg10[%get3A_121] {strides = array<i32>} : memref<1536xf32, #tpu.memory_space<vmem>>, vector<16xf32>,
      %get3A_123 = vector.shape_cast %get3A_122 : vector<16xf32> to vector<16xf32>
      %get3A_124 = arith.constant 576 : index
      %get3A_125 = tpu.vector_load %arg11[%get3A_124] {strides = array<i32>} : memref<1536xi32, #tpu.memory_space<vmem>>, vector<16xi32>,
      %get3A_126 = vector.shape_cast %get3A_125 : vector<16xi32> to vector<16xi32>
      %gt3A_127 = arith.cmpf ogt, %get3A_123, %select_n3A_119 : vector<16xf32>
      %select_n3A_128 = arith.select %gt3A_127, %get3A_123, %select_n3A_119 : vector<16xi1>, vector<16xf32>
      %select_n3A_129 = arith.select %gt3A_127, %get3A_126, %select_n3A_120 : vector<16xi1>, vector<16xi32>
      %get3A_130 = arith.constant 672 : index
      %get3A_131 = tpu.vector_load %arg10[%get3A_130] {strides = array<i32>} : memref<1536xf32, #tpu.memory_space<vmem>>, vector<16xf32>,
      %get3A_132 = vector.shape_cast %get3A_131 : vector<16xf32> to vector<16xf32>
      %get3A_133 = arith.constant 672 : index
      %get3A_134 = tpu.vector_load %arg11[%get3A_133] {strides = array<i32>} : memref<1536xi32, #tpu.memory_space<vmem>>, vector<16xi32>,
      %get3A_135 = vector.shape_cast %get3A_134 : vector<16xi32> to vector<16xi32>
      %gt3A_136 = arith.cmpf ogt, %get3A_132, %select_n3A_128 : vector<16xf32>
      %select_n3A_137 = arith.select %gt3A_136, %get3A_132, %select_n3A_128 : vector<16xi1>, vector<16xf32>
      %select_n3A_138 = arith.select %gt3A_136, %get3A_135, %select_n3A_129 : vector<16xi1>, vector<16xi32>
      %get3A_139 = arith.constant 768 : index
      %get3A_140 = tpu.vector_load %arg10[%get3A_139] {strides = array<i32>} : memref<1536xf32, #tpu.memory_space<vmem>>, vector<16xf32>,
      %get3A_141 = vector.shape_cast %get3A_140 : vector<16xf32> to vector<16xf32>
      %get3A_142 = arith.constant 768 : index
      %get3A_143 = tpu.vector_load %arg11[%get3A_142] {strides = array<i32>} : memref<1536xi32, #tpu.memory_space<vmem>>, vector<16xi32>,
      %get3A_144 = vector.shape_cast %get3A_143 : vector<16xi32> to vector<16xi32>
      %gt3A_145 = arith.cmpf ogt, %get3A_141, %select_n3A_137 : vector<16xf32>
      %select_n3A_146 = arith.select %gt3A_145, %get3A_141, %select_n3A_137 : vector<16xi1>, vector<16xf32>
      %select_n3A_147 = arith.select %gt3A_145, %get3A_144, %select_n3A_138 : vector<16xi1>, vector<16xi32>
      %get3A_148 = arith.constant 864 : index
      %get3A_149 = tpu.vector_load %arg10[%get3A_148] {strides = array<i32>} : memref<1536xf32, #tpu.memory_space<vmem>>, vector<16xf32>,
      %get3A_150 = vector.shape_cast %get3A_149 : vector<16xf32> to vector<16xf32>
      %get3A_151 = arith.constant 864 : index
      %get3A_152 = tpu.vector_load %arg11[%get3A_151] {strides = array<i32>} : memref<1536xi32, #tpu.memory_space<vmem>>, vector<16xi32>,
      %get3A_153 = vector.shape_cast %get3A_152 : vector<16xi32> to vector<16xi32>
      %gt3A_154 = arith.cmpf ogt, %get3A_150, %select_n3A_146 : vector<16xf32>
      %select_n3A_155 = arith.select %gt3A_154, %get3A_150, %select_n3A_146 : vector<16xi1>, vector<16xf32>
      %select_n3A_156 = arith.select %gt3A_154, %get3A_153, %select_n3A_147 : vector<16xi1>, vector<16xi32>
      %get3A_157 = arith.constant 960 : index
      %get3A_158 = tpu.vector_load %arg10[%get3A_157] {strides = array<i32>} : memref<1536xf32, #tpu.memory_space<vmem>>, vector<16xf32>,
      %get3A_159 = vector.shape_cast %get3A_158 : vector<16xf32> to vector<16xf32>
      %get3A_160 = arith.constant 960 : index
      %get3A_161 = tpu.vector_load %arg11[%get3A_160] {strides = array<i32>} : memref<1536xi32, #tpu.memory_space<vmem>>, vector<16xi32>,
      %get3A_162 = vector.shape_cast %get3A_161 : vector<16xi32> to vector<16xi32>
      %gt3A_163 = arith.cmpf ogt, %get3A_159, %select_n3A_155 : vector<16xf32>
      %select_n3A_164 = arith.select %gt3A_163, %get3A_159, %select_n3A_155 : vector<16xi1>, vector<16xf32>
      %select_n3A_165 = arith.select %gt3A_163, %get3A_162, %select_n3A_156 : vector<16xi1>, vector<16xi32>
      %get3A_166 = arith.constant 1056 : index
      %get3A_167 = tpu.vector_load %arg10[%get3A_166] {strides = array<i32>} : memref<1536xf32, #tpu.memory_space<vmem>>, vector<16xf32>,
      %get3A_168 = vector.shape_cast %get3A_167 : vector<16xf32> to vector<16xf32>
      %get3A_169 = arith.constant 1056 : index
      %get3A_170 = tpu.vector_load %arg11[%get3A_169] {strides = array<i32>} : memref<1536xi32, #tpu.memory_space<vmem>>, vector<16xi32>,
      %get3A_171 = vector.shape_cast %get3A_170 : vector<16xi32> to vector<16xi32>
      %gt3A_172 = arith.cmpf ogt, %get3A_168, %select_n3A_164 : vector<16xf32>
      %select_n3A_173 = arith.select %gt3A_172, %get3A_168, %select_n3A_164 : vector<16xi1>, vector<16xf32>
      %select_n3A_174 = arith.select %gt3A_172, %get3A_171, %select_n3A_165 : vector<16xi1>, vector<16xi32>
      %get3A_175 = arith.constant 1152 : index
      %get3A_176 = tpu.vector_load %arg10[%get3A_175] {strides = array<i32>} : memref<1536xf32, #tpu.memory_space<vmem>>, vector<16xf32>,
      %get3A_177 = vector.shape_cast %get3A_176 : vector<16xf32> to vector<16xf32>
      %get3A_178 = arith.constant 1152 : index
      %get3A_179 = tpu.vector_load %arg11[%get3A_178] {strides = array<i32>} : memref<1536xi32, #tpu.memory_space<vmem>>, vector<16xi32>,
      %get3A_180 = vector.shape_cast %get3A_179 : vector<16xi32> to vector<16xi32>
      %gt3A_181 = arith.cmpf ogt, %get3A_177, %select_n3A_173 : vector<16xf32>
      %select_n3A_182 = arith.select %gt3A_181, %get3A_177, %select_n3A_173 : vector<16xi1>, vector<16xf32>
      %select_n3A_183 = arith.select %gt3A_181, %get3A_180, %select_n3A_174 : vector<16xi1>, vector<16xi32>
      %get3A_184 = arith.constant 1248 : index
      %get3A_185 = tpu.vector_load %arg10[%get3A_184] {strides = array<i32>} : memref<1536xf32, #tpu.memory_space<vmem>>, vector<16xf32>,
      %get3A_186 = vector.shape_cast %get3A_185 : vector<16xf32> to vector<16xf32>
      %get3A_187 = arith.constant 1248 : index
      %get3A_188 = tpu.vector_load %arg11[%get3A_187] {strides = array<i32>} : memref<1536xi32, #tpu.memory_space<vmem>>, vector<16xi32>,
      %get3A_189 = vector.shape_cast %get3A_188 : vector<16xi32> to vector<16xi32>
      %gt3A_190 = arith.cmpf ogt, %get3A_186, %select_n3A_182 : vector<16xf32>
      %select_n3A_191 = arith.select %gt3A_190, %get3A_186, %select_n3A_182 : vector<16xi1>, vector<16xf32>
      %select_n3A_192 = arith.select %gt3A_190, %get3A_189, %select_n3A_183 : vector<16xi1>, vector<16xi32>
      %get3A_193 = arith.constant 1344 : index
      %get3A_194 = tpu.vector_load %arg10[%get3A_193] {strides = array<i32>} : memref<1536xf32, #tpu.memory_space<vmem>>, vector<16xf32>,
      %get3A_195 = vector.shape_cast %get3A_194 : vector<16xf32> to vector<16xf32>
      %get3A_196 = arith.constant 1344 : index
      %get3A_197 = tpu.vector_load %arg11[%get3A_196] {strides = array<i32>} : memref<1536xi32, #tpu.memory_space<vmem>>, vector<16xi32>,
      %get3A_198 = vector.shape_cast %get3A_197 : vector<16xi32> to vector<16xi32>
      %gt3A_199 = arith.cmpf ogt, %get3A_195, %select_n3A_191 : vector<16xf32>
      %select_n3A_200 = arith.select %gt3A_199, %get3A_195, %select_n3A_191 : vector<16xi1>, vector<16xf32>
      %select_n3A_201 = arith.select %gt3A_199, %get3A_198, %select_n3A_192 : vector<16xi1>, vector<16xi32>
      %get3A_202 = arith.constant 1440 : index
      %get3A_203 = tpu.vector_load %arg10[%get3A_202] {strides = array<i32>} : memref<1536xf32, #tpu.memory_space<vmem>>, vector<16xf32>,
      %get3A_204 = vector.shape_cast %get3A_203 : vector<16xf32> to vector<16xf32>
      %get3A_205 = arith.constant 1440 : index
      %get3A_206 = tpu.vector_load %arg11[%get3A_205] {strides = array<i32>} : memref<1536xi32, #tpu.memory_space<vmem>>, vector<16xi32>,
      %get3A_207 = vector.shape_cast %get3A_206 : vector<16xi32> to vector<16xi32>
      %gt3A_208 = arith.cmpf ogt, %get3A_204, %select_n3A_200 : vector<16xf32>
      %select_n3A_209 = arith.select %gt3A_208, %get3A_204, %select_n3A_200 : vector<16xi1>, vector<16xf32>
      %select_n3A_210 = arith.select %gt3A_208, %get3A_207, %select_n3A_201 : vector<16xi1>, vector<16xi32>
      %shift_right_logical3A = arith.constant 7 : i32
      %shift_right_logical3A_211 = vector.broadcast %shift_right_logical3A : i32 to vector<16xi32>
      %shift_right_logical3A_212 = arith.shrui %select_n3A_210, %shift_right_logical3A_211 : vector<16xi32>
      %mul3A_213 = arith.constant 21846 : i32
      %mul3A_214 = vector.broadcast %mul3A_213 : i32 to vector<16xi32>
      %mul3A_215 = arith.muli %shift_right_logical3A_212, %mul3A_214 : vector<16xi32>
      %shift_right_logical3A_216 = arith.constant 16 : i32
      %shift_right_logical3A_217 = vector.broadcast %shift_right_logical3A_216 : i32 to vector<16xi32>
      %shift_right_logical3A_218 = arith.shrui %mul3A_215, %shift_right_logical3A_217 : vector<16xi32>
      %mul3A_219 = arith.constant 384 : i32
      %mul3A_220 = vector.broadcast %mul3A_219 : i32 to vector<16xi32>
      %mul3A_221 = arith.muli %shift_right_logical3A_218, %mul3A_220 : vector<16xi32>
      %sub3A = arith.subi %select_n3A_210, %mul3A_221 : vector<16xi32>
      %convert_element_type3A_222 = arith.sitofp %shift_right_logical3A_218 : vector<16xi32> to vector<16xf32>
      %swap3A_223 = arith.constant 0 : index
      %swap3A_224 = tpu.vector_load %arg12[%swap3A_223] {strides = array<i32>} : memref<288xf32, #tpu.memory_space<vmem>>, vector<16xf32>,
      %swap3A_225 = vector.shape_cast %swap3A_224 : vector<16xf32> to vector<16xf32>
      %swap3A_226 = vector.shape_cast %convert_element_type3A_222 : vector<16xf32> to vector<16xf32>
      tpu.vector_store %arg12[%swap3A_223], %swap3A_226 {strides = array<i32>} : memref<288xf32, #tpu.memory_space<vmem>>, vector<16xf32>,
      %convert_element_type3A_227 = arith.sitofp %sub3A : vector<16xi32> to vector<16xf32>
      %swap3A_228 = arith.constant 96 : index
      %swap3A_229 = tpu.vector_load %arg12[%swap3A_228] {strides = array<i32>} : memref<288xf32, #tpu.memory_space<vmem>>, vector<16xf32>,
      %swap3A_230 = vector.shape_cast %swap3A_229 : vector<16xf32> to vector<16xf32>
      %swap3A_231 = vector.shape_cast %convert_element_type3A_227 : vector<16xf32> to vector<16xf32>
      tpu.vector_store %arg12[%swap3A_228], %swap3A_231 {strides = array<i32>} : memref<288xf32, #tpu.memory_space<vmem>>, vector<16xf32>,
      %swap3A_232 = arith.constant 192 : index
      %swap3A_233 = tpu.vector_load %arg12[%swap3A_232] {strides = array<i32>} : memref<288xf32, #tpu.memory_space<vmem>>, vector<16xf32>,
      %swap3A_234 = vector.shape_cast %swap3A_233 : vector<16xf32> to vector<16xf32>
      %swap3A_235 = vector.shape_cast %select_n3A_209 : vector<16xf32> to vector<16xf32>
      tpu.vector_store %arg12[%swap3A_232], %swap3A_235 {strides = array<i32>} : memref<288xf32, #tpu.memory_space<vmem>>, vector<16xf32>,
      %get3A_236 = arith.constant 16 : index
      %get3A_237 = tpu.vector_load %arg10[%get3A_236] {strides = array<i32>} : memref<1536xf32, #tpu.memory_space<vmem>>, vector<16xf32>,
      %get3A_238 = vector.shape_cast %get3A_237 : vector<16xf32> to vector<16xf32>
      %get3A_239 = arith.constant 16 : index
      %get3A_240 = tpu.vector_load %arg11[%get3A_239] {strides = array<i32>} : memref<1536xi32, #tpu.memory_space<vmem>>, vector<16xi32>,
      %get3A_241 = vector.shape_cast %get3A_240 : vector<16xi32> to vector<16xi32>
      %get3A_242 = arith.constant 112 : index
      %get3A_243 = tpu.vector_load %arg10[%get3A_242] {strides = array<i32>} : memref<1536xf32, #tpu.memory_space<vmem>>, vector<16xf32>,
      %get3A_244 = vector.shape_cast %get3A_243 : vector<16xf32> to vector<16xf32>
      %get3A_245 = arith.constant 112 : index
      %get3A_246 = tpu.vector_load %arg11[%get3A_245] {strides = array<i32>} : memref<1536xi32, #tpu.memory_space<vmem>>, vector<16xi32>,
      %get3A_247 = vector.shape_cast %get3A_246 : vector<16xi32> to vector<16xi32>
      %gt3A_248 = arith.cmpf ogt, %get3A_244, %get3A_238 : vector<16xf32>
      %select_n3A_249 = arith.select %gt3A_248, %get3A_244, %get3A_238 : vector<16xi1>, vector<16xf32>
      %select_n3A_250 = arith.select %gt3A_248, %get3A_247, %get3A_241 : vector<16xi1>, vector<16xi32>
      %get3A_251 = arith.constant 208 : index
      %get3A_252 = tpu.vector_load %arg10[%get3A_251] {strides = array<i32>} : memref<1536xf32, #tpu.memory_space<vmem>>, vector<16xf32>,
      %get3A_253 = vector.shape_cast %get3A_252 : vector<16xf32> to vector<16xf32>
      %get3A_254 = arith.constant 208 : index
      %get3A_255 = tpu.vector_load %arg11[%get3A_254] {strides = array<i32>} : memref<1536xi32, #tpu.memory_space<vmem>>, vector<16xi32>,
      %get3A_256 = vector.shape_cast %get3A_255 : vector<16xi32> to vector<16xi32>
      %gt3A_257 = arith.cmpf ogt, %get3A_253, %select_n3A_249 : vector<16xf32>
      %select_n3A_258 = arith.select %gt3A_257, %get3A_253, %select_n3A_249 : vector<16xi1>, vector<16xf32>
      %select_n3A_259 = arith.select %gt3A_257, %get3A_256, %select_n3A_250 : vector<16xi1>, vector<16xi32>
      %get3A_260 = arith.constant 304 : index
      %get3A_261 = tpu.vector_load %arg10[%get3A_260] {strides = array<i32>} : memref<1536xf32, #tpu.memory_space<vmem>>, vector<16xf32>,
      %get3A_262 = vector.shape_cast %get3A_261 : vector<16xf32> to vector<16xf32>
      %get3A_263 = arith.constant 304 : index
      %get3A_264 = tpu.vector_load %arg11[%get3A_263] {strides = array<i32>} : memref<1536xi32, #tpu.memory_space<vmem>>, vector<16xi32>,
      %get3A_265 = vector.shape_cast %get3A_264 : vector<16xi32> to vector<16xi32>
      %gt3A_266 = arith.cmpf ogt, %get3A_262, %select_n3A_258 : vector<16xf32>
      %select_n3A_267 = arith.select %gt3A_266, %get3A_262, %select_n3A_258 : vector<16xi1>, vector<16xf32>
      %select_n3A_268 = arith.select %gt3A_266, %get3A_265, %select_n3A_259 : vector<16xi1>, vector<16xi32>
      %get3A_269 = arith.constant 400 : index
      %get3A_270 = tpu.vector_load %arg10[%get3A_269] {strides = array<i32>} : memref<1536xf32, #tpu.memory_space<vmem>>, vector<16xf32>,
      %get3A_271 = vector.shape_cast %get3A_270 : vector<16xf32> to vector<16xf32>
      %get3A_272 = arith.constant 400 : index
      %get3A_273 = tpu.vector_load %arg11[%get3A_272] {strides = array<i32>} : memref<1536xi32, #tpu.memory_space<vmem>>, vector<16xi32>,
      %get3A_274 = vector.shape_cast %get3A_273 : vector<16xi32> to vector<16xi32>
      %gt3A_275 = arith.cmpf ogt, %get3A_271, %select_n3A_267 : vector<16xf32>
      %select_n3A_276 = arith.select %gt3A_275, %get3A_271, %select_n3A_267 : vector<16xi1>, vector<16xf32>
      %select_n3A_277 = arith.select %gt3A_275, %get3A_274, %select_n3A_268 : vector<16xi1>, vector<16xi32>
      %get3A_278 = arith.constant 496 : index
      %get3A_279 = tpu.vector_load %arg10[%get3A_278] {strides = array<i32>} : memref<1536xf32, #tpu.memory_space<vmem>>, vector<16xf32>,
      %get3A_280 = vector.shape_cast %get3A_279 : vector<16xf32> to vector<16xf32>
      %get3A_281 = arith.constant 496 : index
      %get3A_282 = tpu.vector_load %arg11[%get3A_281] {strides = array<i32>} : memref<1536xi32, #tpu.memory_space<vmem>>, vector<16xi32>,
      %get3A_283 = vector.shape_cast %get3A_282 : vector<16xi32> to vector<16xi32>
      %gt3A_284 = arith.cmpf ogt, %get3A_280, %select_n3A_276 : vector<16xf32>
      %select_n3A_285 = arith.select %gt3A_284, %get3A_280, %select_n3A_276 : vector<16xi1>, vector<16xf32>
      %select_n3A_286 = arith.select %gt3A_284, %get3A_283, %select_n3A_277 : vector<16xi1>, vector<16xi32>
      %get3A_287 = arith.constant 592 : index
      %get3A_288 = tpu.vector_load %arg10[%get3A_287] {strides = array<i32>} : memref<1536xf32, #tpu.memory_space<vmem>>, vector<16xf32>,
      %get3A_289 = vector.shape_cast %get3A_288 : vector<16xf32> to vector<16xf32>
      %get3A_290 = arith.constant 592 : index
      %get3A_291 = tpu.vector_load %arg11[%get3A_290] {strides = array<i32>} : memref<1536xi32, #tpu.memory_space<vmem>>, vector<16xi32>,
      %get3A_292 = vector.shape_cast %get3A_291 : vector<16xi32> to vector<16xi32>
      %gt3A_293 = arith.cmpf ogt, %get3A_289, %select_n3A_285 : vector<16xf32>
      %select_n3A_294 = arith.select %gt3A_293, %get3A_289, %select_n3A_285 : vector<16xi1>, vector<16xf32>
      %select_n3A_295 = arith.select %gt3A_293, %get3A_292, %select_n3A_286 : vector<16xi1>, vector<16xi32>
      %get3A_296 = arith.constant 688 : index
      %get3A_297 = tpu.vector_load %arg10[%get3A_296] {strides = array<i32>} : memref<1536xf32, #tpu.memory_space<vmem>>, vector<16xf32>,
      %get3A_298 = vector.shape_cast %get3A_297 : vector<16xf32> to vector<16xf32>
      %get3A_299 = arith.constant 688 : index
      %get3A_300 = tpu.vector_load %arg11[%get3A_299] {strides = array<i32>} : memref<1536xi32, #tpu.memory_space<vmem>>, vector<16xi32>,
      %get3A_301 = vector.shape_cast %get3A_300 : vector<16xi32> to vector<16xi32>
      %gt3A_302 = arith.cmpf ogt, %get3A_298, %select_n3A_294 : vector<16xf32>
      %select_n3A_303 = arith.select %gt3A_302, %get3A_298, %select_n3A_294 : vector<16xi1>, vector<16xf32>
      %select_n3A_304 = arith.select %gt3A_302, %get3A_301, %select_n3A_295 : vector<16xi1>, vector<16xi32>
      %get3A_305 = arith.constant 784 : index
      %get3A_306 = tpu.vector_load %arg10[%get3A_305] {strides = array<i32>} : memref<1536xf32, #tpu.memory_space<vmem>>, vector<16xf32>,
      %get3A_307 = vector.shape_cast %get3A_306 : vector<16xf32> to vector<16xf32>
      %get3A_308 = arith.constant 784 : index
      %get3A_309 = tpu.vector_load %arg11[%get3A_308] {strides = array<i32>} : memref<1536xi32, #tpu.memory_space<vmem>>, vector<16xi32>,
      %get3A_310 = vector.shape_cast %get3A_309 : vector<16xi32> to vector<16xi32>
      %gt3A_311 = arith.cmpf ogt, %get3A_307, %select_n3A_303 : vector<16xf32>
      %select_n3A_312 = arith.select %gt3A_311, %get3A_307, %select_n3A_303 : vector<16xi1>, vector<16xf32>
      %select_n3A_313 = arith.select %gt3A_311, %get3A_310, %select_n3A_304 : vector<16xi1>, vector<16xi32>
      %get3A_314 = arith.constant 880 : index
      %get3A_315 = tpu.vector_load %arg10[%get3A_314] {strides = array<i32>} : memref<1536xf32, #tpu.memory_space<vmem>>, vector<16xf32>,
      %get3A_316 = vector.shape_cast %get3A_315 : vector<16xf32> to vector<16xf32>
      %get3A_317 = arith.constant 880 : index
      %get3A_318 = tpu.vector_load %arg11[%get3A_317] {strides = array<i32>} : memref<1536xi32, #tpu.memory_space<vmem>>, vector<16xi32>,
      %get3A_319 = vector.shape_cast %get3A_318 : vector<16xi32> to vector<16xi32>
      %gt3A_320 = arith.cmpf ogt, %get3A_316, %select_n3A_312 : vector<16xf32>
      %select_n3A_321 = arith.select %gt3A_320, %get3A_316, %select_n3A_312 : vector<16xi1>, vector<16xf32>
      %select_n3A_322 = arith.select %gt3A_320, %get3A_319, %select_n3A_313 : vector<16xi1>, vector<16xi32>
      %get3A_323 = arith.constant 976 : index
      %get3A_324 = tpu.vector_load %arg10[%get3A_323] {strides = array<i32>} : memref<1536xf32, #tpu.memory_space<vmem>>, vector<16xf32>,
      %get3A_325 = vector.shape_cast %get3A_324 : vector<16xf32> to vector<16xf32>
      %get3A_326 = arith.constant 976 : index
      %get3A_327 = tpu.vector_load %arg11[%get3A_326] {strides = array<i32>} : memref<1536xi32, #tpu.memory_space<vmem>>, vector<16xi32>,
      %get3A_328 = vector.shape_cast %get3A_327 : vector<16xi32> to vector<16xi32>
      %gt3A_329 = arith.cmpf ogt, %get3A_325, %select_n3A_321 : vector<16xf32>
      %select_n3A_330 = arith.select %gt3A_329, %get3A_325, %select_n3A_321 : vector<16xi1>, vector<16xf32>
      %select_n3A_331 = arith.select %gt3A_329, %get3A_328, %select_n3A_322 : vector<16xi1>, vector<16xi32>
      %get3A_332 = arith.constant 1072 : index
      %get3A_333 = tpu.vector_load %arg10[%get3A_332] {strides = array<i32>} : memref<1536xf32, #tpu.memory_space<vmem>>, vector<16xf32>,
      %get3A_334 = vector.shape_cast %get3A_333 : vector<16xf32> to vector<16xf32>
      %get3A_335 = arith.constant 1072 : index
      %get3A_336 = tpu.vector_load %arg11[%get3A_335] {strides = array<i32>} : memref<1536xi32, #tpu.memory_space<vmem>>, vector<16xi32>,
      %get3A_337 = vector.shape_cast %get3A_336 : vector<16xi32> to vector<16xi32>
      %gt3A_338 = arith.cmpf ogt, %get3A_334, %select_n3A_330 : vector<16xf32>
      %select_n3A_339 = arith.select %gt3A_338, %get3A_334, %select_n3A_330 : vector<16xi1>, vector<16xf32>
      %select_n3A_340 = arith.select %gt3A_338, %get3A_337, %select_n3A_331 : vector<16xi1>, vector<16xi32>
      %get3A_341 = arith.constant 1168 : index
      %get3A_342 = tpu.vector_load %arg10[%get3A_341] {strides = array<i32>} : memref<1536xf32, #tpu.memory_space<vmem>>, vector<16xf32>,
      %get3A_343 = vector.shape_cast %get3A_342 : vector<16xf32> to vector<16xf32>
      %get3A_344 = arith.constant 1168 : index
      %get3A_345 = tpu.vector_load %arg11[%get3A_344] {strides = array<i32>} : memref<1536xi32, #tpu.memory_space<vmem>>, vector<16xi32>,
      %get3A_346 = vector.shape_cast %get3A_345 : vector<16xi32> to vector<16xi32>
      %gt3A_347 = arith.cmpf ogt, %get3A_343, %select_n3A_339 : vector<16xf32>
      %select_n3A_348 = arith.select %gt3A_347, %get3A_343, %select_n3A_339 : vector<16xi1>, vector<16xf32>
      %select_n3A_349 = arith.select %gt3A_347, %get3A_346, %select_n3A_340 : vector<16xi1>, vector<16xi32>
      %get3A_350 = arith.constant 1264 : index
      %get3A_351 = tpu.vector_load %arg10[%get3A_350] {strides = array<i32>} : memref<1536xf32, #tpu.memory_space<vmem>>, vector<16xf32>,
      %get3A_352 = vector.shape_cast %get3A_351 : vector<16xf32> to vector<16xf32>
      %get3A_353 = arith.constant 1264 : index
      %get3A_354 = tpu.vector_load %arg11[%get3A_353] {strides = array<i32>} : memref<1536xi32, #tpu.memory_space<vmem>>, vector<16xi32>,
      %get3A_355 = vector.shape_cast %get3A_354 : vector<16xi32> to vector<16xi32>
      %gt3A_356 = arith.cmpf ogt, %get3A_352, %select_n3A_348 : vector<16xf32>
      %select_n3A_357 = arith.select %gt3A_356, %get3A_352, %select_n3A_348 : vector<16xi1>, vector<16xf32>
      %select_n3A_358 = arith.select %gt3A_356, %get3A_355, %select_n3A_349 : vector<16xi1>, vector<16xi32>
      %get3A_359 = arith.constant 1360 : index
      %get3A_360 = tpu.vector_load %arg10[%get3A_359] {strides = array<i32>} : memref<1536xf32, #tpu.memory_space<vmem>>, vector<16xf32>,
      %get3A_361 = vector.shape_cast %get3A_360 : vector<16xf32> to vector<16xf32>
      %get3A_362 = arith.constant 1360 : index
      %get3A_363 = tpu.vector_load %arg11[%get3A_362] {strides = array<i32>} : memref<1536xi32, #tpu.memory_space<vmem>>, vector<16xi32>,
      %get3A_364 = vector.shape_cast %get3A_363 : vector<16xi32> to vector<16xi32>
      %gt3A_365 = arith.cmpf ogt, %get3A_361, %select_n3A_357 : vector<16xf32>
      %select_n3A_366 = arith.select %gt3A_365, %get3A_361, %select_n3A_357 : vector<16xi1>, vector<16xf32>
      %select_n3A_367 = arith.select %gt3A_365, %get3A_364, %select_n3A_358 : vector<16xi1>, vector<16xi32>
      %get3A_368 = arith.constant 1456 : index
      %get3A_369 = tpu.vector_load %arg10[%get3A_368] {strides = array<i32>} : memref<1536xf32, #tpu.memory_space<vmem>>, vector<16xf32>,
      %get3A_370 = vector.shape_cast %get3A_369 : vector<16xf32> to vector<16xf32>
      %get3A_371 = arith.constant 1456 : index
      %get3A_372 = tpu.vector_load %arg11[%get3A_371] {strides = array<i32>} : memref<1536xi32, #tpu.memory_space<vmem>>, vector<16xi32>,
      %get3A_373 = vector.shape_cast %get3A_372 : vector<16xi32> to vector<16xi32>
      %gt3A_374 = arith.cmpf ogt, %get3A_370, %select_n3A_366 : vector<16xf32>
      %select_n3A_375 = arith.select %gt3A_374, %get3A_370, %select_n3A_366 : vector<16xi1>, vector<16xf32>
      %select_n3A_376 = arith.select %gt3A_374, %get3A_373, %select_n3A_367 : vector<16xi1>, vector<16xi32>
      %shift_right_logical3A_377 = arith.constant 7 : i32
      %shift_right_logical3A_378 = vector.broadcast %shift_right_logical3A_377 : i32 to vector<16xi32>
      %shift_right_logical3A_379 = arith.shrui %select_n3A_376, %shift_right_logical3A_378 : vector<16xi32>
      %mul3A_380 = arith.constant 21846 : i32
      %mul3A_381 = vector.broadcast %mul3A_380 : i32 to vector<16xi32>
      %mul3A_382 = arith.muli %shift_right_logical3A_379, %mul3A_381 : vector<16xi32>
      %shift_right_logical3A_383 = arith.constant 16 : i32
      %shift_right_logical3A_384 = vector.broadcast %shift_right_logical3A_383 : i32 to vector<16xi32>
      %shift_right_logical3A_385 = arith.shrui %mul3A_382, %shift_right_logical3A_384 : vector<16xi32>
      %mul3A_386 = arith.constant 384 : i32
      %mul3A_387 = vector.broadcast %mul3A_386 : i32 to vector<16xi32>
      %mul3A_388 = arith.muli %shift_right_logical3A_385, %mul3A_387 : vector<16xi32>
      %sub3A_389 = arith.subi %select_n3A_376, %mul3A_388 : vector<16xi32>
      %convert_element_type3A_390 = arith.sitofp %shift_right_logical3A_385 : vector<16xi32> to vector<16xf32>
      %swap3A_391 = arith.constant 16 : index
      %swap3A_392 = tpu.vector_load %arg12[%swap3A_391] {strides = array<i32>} : memref<288xf32, #tpu.memory_space<vmem>>, vector<16xf32>,
      %swap3A_393 = vector.shape_cast %swap3A_392 : vector<16xf32> to vector<16xf32>
      %swap3A_394 = vector.shape_cast %convert_element_type3A_390 : vector<16xf32> to vector<16xf32>
      tpu.vector_store %arg12[%swap3A_391], %swap3A_394 {strides = array<i32>} : memref<288xf32, #tpu.memory_space<vmem>>, vector<16xf32>,
      %convert_element_type3A_395 = arith.sitofp %sub3A_389 : vector<16xi32> to vector<16xf32>
      %swap3A_396 = arith.constant 112 : index
      %swap3A_397 = tpu.vector_load %arg12[%swap3A_396] {strides = array<i32>} : memref<288xf32, #tpu.memory_space<vmem>>, vector<16xf32>,
      %swap3A_398 = vector.shape_cast %swap3A_397 : vector<16xf32> to vector<16xf32>
      %swap3A_399 = vector.shape_cast %convert_element_type3A_395 : vector<16xf32> to vector<16xf32>
      tpu.vector_store %arg12[%swap3A_396], %swap3A_399 {strides = array<i32>} : memref<288xf32, #tpu.memory_space<vmem>>, vector<16xf32>,
      %swap3A_400 = arith.constant 208 : index
      %swap3A_401 = tpu.vector_load %arg12[%swap3A_400] {strides = array<i32>} : memref<288xf32, #tpu.memory_space<vmem>>, vector<16xf32>,
      %swap3A_402 = vector.shape_cast %swap3A_401 : vector<16xf32> to vector<16xf32>
      %swap3A_403 = vector.shape_cast %select_n3A_375 : vector<16xf32> to vector<16xf32>
      tpu.vector_store %arg12[%swap3A_400], %swap3A_403 {strides = array<i32>} : memref<288xf32, #tpu.memory_space<vmem>>, vector<16xf32>,
      %get3A_404 = arith.constant 32 : index
      %get3A_405 = tpu.vector_load %arg10[%get3A_404] {strides = array<i32>} : memref<1536xf32, #tpu.memory_space<vmem>>, vector<16xf32>,
      %get3A_406 = vector.shape_cast %get3A_405 : vector<16xf32> to vector<16xf32>
      %get3A_407 = arith.constant 32 : index
      %get3A_408 = tpu.vector_load %arg11[%get3A_407] {strides = array<i32>} : memref<1536xi32, #tpu.memory_space<vmem>>, vector<16xi32>,
      %get3A_409 = vector.shape_cast %get3A_408 : vector<16xi32> to vector<16xi32>
      %get3A_410 = arith.constant 128 : index
      %get3A_411 = tpu.vector_load %arg10[%get3A_410] {strides = array<i32>} : memref<1536xf32, #tpu.memory_space<vmem>>, vector<16xf32>,
      %get3A_412 = vector.shape_cast %get3A_411 : vector<16xf32> to vector<16xf32>
      %get3A_413 = arith.constant 128 : index
      %get3A_414 = tpu.vector_load %arg11[%get3A_413] {strides = array<i32>} : memref<1536xi32, #tpu.memory_space<vmem>>, vector<16xi32>,
      %get3A_415 = vector.shape_cast %get3A_414 : vector<16xi32> to vector<16xi32>
      %gt3A_416 = arith.cmpf ogt, %get3A_412, %get3A_406 : vector<16xf32>
      %select_n3A_417 = arith.select %gt3A_416, %get3A_412, %get3A_406 : vector<16xi1>, vector<16xf32>
      %select_n3A_418 = arith.select %gt3A_416, %get3A_415, %get3A_409 : vector<16xi1>, vector<16xi32>
      %get3A_419 = arith.constant 224 : index
      %get3A_420 = tpu.vector_load %arg10[%get3A_419] {strides = array<i32>} : memref<1536xf32, #tpu.memory_space<vmem>>, vector<16xf32>,
      %get3A_421 = vector.shape_cast %get3A_420 : vector<16xf32> to vector<16xf32>
      %get3A_422 = arith.constant 224 : index
      %get3A_423 = tpu.vector_load %arg11[%get3A_422] {strides = array<i32>} : memref<1536xi32, #tpu.memory_space<vmem>>, vector<16xi32>,
      %get3A_424 = vector.shape_cast %get3A_423 : vector<16xi32> to vector<16xi32>
      %gt3A_425 = arith.cmpf ogt, %get3A_421, %select_n3A_417 : vector<16xf32>
      %select_n3A_426 = arith.select %gt3A_425, %get3A_421, %select_n3A_417 : vector<16xi1>, vector<16xf32>
      %select_n3A_427 = arith.select %gt3A_425, %get3A_424, %select_n3A_418 : vector<16xi1>, vector<16xi32>
      %get3A_428 = arith.constant 320 : index
      %get3A_429 = tpu.vector_load %arg10[%get3A_428] {strides = array<i32>} : memref<1536xf32, #tpu.memory_space<vmem>>, vector<16xf32>,
      %get3A_430 = vector.shape_cast %get3A_429 : vector<16xf32> to vector<16xf32>
      %get3A_431 = arith.constant 320 : index
      %get3A_432 = tpu.vector_load %arg11[%get3A_431] {strides = array<i32>} : memref<1536xi32, #tpu.memory_space<vmem>>, vector<16xi32>,
      %get3A_433 = vector.shape_cast %get3A_432 : vector<16xi32> to vector<16xi32>
      %gt3A_434 = arith.cmpf ogt, %get3A_430, %select_n3A_426 : vector<16xf32>
      %select_n3A_435 = arith.select %gt3A_434, %get3A_430, %select_n3A_426 : vector<16xi1>, vector<16xf32>
      %select_n3A_436 = arith.select %gt3A_434, %get3A_433, %select_n3A_427 : vector<16xi1>, vector<16xi32>
      %get3A_437 = arith.constant 416 : index
      %get3A_438 = tpu.vector_load %arg10[%get3A_437] {strides = array<i32>} : memref<1536xf32, #tpu.memory_space<vmem>>, vector<16xf32>,
      %get3A_439 = vector.shape_cast %get3A_438 : vector<16xf32> to vector<16xf32>
      %get3A_440 = arith.constant 416 : index
      %get3A_441 = tpu.vector_load %arg11[%get3A_440] {strides = array<i32>} : memref<1536xi32, #tpu.memory_space<vmem>>, vector<16xi32>,
      %get3A_442 = vector.shape_cast %get3A_441 : vector<16xi32> to vector<16xi32>
      %gt3A_443 = arith.cmpf ogt, %get3A_439, %select_n3A_435 : vector<16xf32>
      %select_n3A_444 = arith.select %gt3A_443, %get3A_439, %select_n3A_435 : vector<16xi1>, vector<16xf32>
      %select_n3A_445 = arith.select %gt3A_443, %get3A_442, %select_n3A_436 : vector<16xi1>, vector<16xi32>
      %get3A_446 = arith.constant 512 : index
      %get3A_447 = tpu.vector_load %arg10[%get3A_446] {strides = array<i32>} : memref<1536xf32, #tpu.memory_space<vmem>>, vector<16xf32>,
      %get3A_448 = vector.shape_cast %get3A_447 : vector<16xf32> to vector<16xf32>
      %get3A_449 = arith.constant 512 : index
      %get3A_450 = tpu.vector_load %arg11[%get3A_449] {strides = array<i32>} : memref<1536xi32, #tpu.memory_space<vmem>>, vector<16xi32>,
      %get3A_451 = vector.shape_cast %get3A_450 : vector<16xi32> to vector<16xi32>
      %gt3A_452 = arith.cmpf ogt, %get3A_448, %select_n3A_444 : vector<16xf32>
      %select_n3A_453 = arith.select %gt3A_452, %get3A_448, %select_n3A_444 : vector<16xi1>, vector<16xf32>
      %select_n3A_454 = arith.select %gt3A_452, %get3A_451, %select_n3A_445 : vector<16xi1>, vector<16xi32>
      %get3A_455 = arith.constant 608 : index
      %get3A_456 = tpu.vector_load %arg10[%get3A_455] {strides = array<i32>} : memref<1536xf32, #tpu.memory_space<vmem>>, vector<16xf32>,
      %get3A_457 = vector.shape_cast %get3A_456 : vector<16xf32> to vector<16xf32>
      %get3A_458 = arith.constant 608 : index
      %get3A_459 = tpu.vector_load %arg11[%get3A_458] {strides = array<i32>} : memref<1536xi32, #tpu.memory_space<vmem>>, vector<16xi32>,
      %get3A_460 = vector.shape_cast %get3A_459 : vector<16xi32> to vector<16xi32>
      %gt3A_461 = arith.cmpf ogt, %get3A_457, %select_n3A_453 : vector<16xf32>
      %select_n3A_462 = arith.select %gt3A_461, %get3A_457, %select_n3A_453 : vector<16xi1>, vector<16xf32>
      %select_n3A_463 = arith.select %gt3A_461, %get3A_460, %select_n3A_454 : vector<16xi1>, vector<16xi32>
      %get3A_464 = arith.constant 704 : index
      %get3A_465 = tpu.vector_load %arg10[%get3A_464] {strides = array<i32>} : memref<1536xf32, #tpu.memory_space<vmem>>, vector<16xf32>,
      %get3A_466 = vector.shape_cast %get3A_465 : vector<16xf32> to vector<16xf32>
      %get3A_467 = arith.constant 704 : index
      %get3A_468 = tpu.vector_load %arg11[%get3A_467] {strides = array<i32>} : memref<1536xi32, #tpu.memory_space<vmem>>, vector<16xi32>,
      %get3A_469 = vector.shape_cast %get3A_468 : vector<16xi32> to vector<16xi32>
      %gt3A_470 = arith.cmpf ogt, %get3A_466, %select_n3A_462 : vector<16xf32>
      %select_n3A_471 = arith.select %gt3A_470, %get3A_466, %select_n3A_462 : vector<16xi1>, vector<16xf32>
      %select_n3A_472 = arith.select %gt3A_470, %get3A_469, %select_n3A_463 : vector<16xi1>, vector<16xi32>
      %get3A_473 = arith.constant 800 : index
      %get3A_474 = tpu.vector_load %arg10[%get3A_473] {strides = array<i32>} : memref<1536xf32, #tpu.memory_space<vmem>>, vector<16xf32>,
      %get3A_475 = vector.shape_cast %get3A_474 : vector<16xf32> to vector<16xf32>
      %get3A_476 = arith.constant 800 : index
      %get3A_477 = tpu.vector_load %arg11[%get3A_476] {strides = array<i32>} : memref<1536xi32, #tpu.memory_space<vmem>>, vector<16xi32>,
      %get3A_478 = vector.shape_cast %get3A_477 : vector<16xi32> to vector<16xi32>
      %gt3A_479 = arith.cmpf ogt, %get3A_475, %select_n3A_471 : vector<16xf32>
      %select_n3A_480 = arith.select %gt3A_479, %get3A_475, %select_n3A_471 : vector<16xi1>, vector<16xf32>
      %select_n3A_481 = arith.select %gt3A_479, %get3A_478, %select_n3A_472 : vector<16xi1>, vector<16xi32>
      %get3A_482 = arith.constant 896 : index
      %get3A_483 = tpu.vector_load %arg10[%get3A_482] {strides = array<i32>} : memref<1536xf32, #tpu.memory_space<vmem>>, vector<16xf32>,
      %get3A_484 = vector.shape_cast %get3A_483 : vector<16xf32> to vector<16xf32>
      %get3A_485 = arith.constant 896 : index
      %get3A_486 = tpu.vector_load %arg11[%get3A_485] {strides = array<i32>} : memref<1536xi32, #tpu.memory_space<vmem>>, vector<16xi32>,
      %get3A_487 = vector.shape_cast %get3A_486 : vector<16xi32> to vector<16xi32>
      %gt3A_488 = arith.cmpf ogt, %get3A_484, %select_n3A_480 : vector<16xf32>
      %select_n3A_489 = arith.select %gt3A_488, %get3A_484, %select_n3A_480 : vector<16xi1>, vector<16xf32>
      %select_n3A_490 = arith.select %gt3A_488, %get3A_487, %select_n3A_481 : vector<16xi1>, vector<16xi32>
      %get3A_491 = arith.constant 992 : index
      %get3A_492 = tpu.vector_load %arg10[%get3A_491] {strides = array<i32>} : memref<1536xf32, #tpu.memory_space<vmem>>, vector<16xf32>,
      %get3A_493 = vector.shape_cast %get3A_492 : vector<16xf32> to vector<16xf32>
      %get3A_494 = arith.constant 992 : index
      %get3A_495 = tpu.vector_load %arg11[%get3A_494] {strides = array<i32>} : memref<1536xi32, #tpu.memory_space<vmem>>, vector<16xi32>,
      %get3A_496 = vector.shape_cast %get3A_495 : vector<16xi32> to vector<16xi32>
      %gt3A_497 = arith.cmpf ogt, %get3A_493, %select_n3A_489 : vector<16xf32>
      %select_n3A_498 = arith.select %gt3A_497, %get3A_493, %select_n3A_489 : vector<16xi1>, vector<16xf32>
      %select_n3A_499 = arith.select %gt3A_497, %get3A_496, %select_n3A_490 : vector<16xi1>, vector<16xi32>
      %get3A_500 = arith.constant 1088 : index
      %get3A_501 = tpu.vector_load %arg10[%get3A_500] {strides = array<i32>} : memref<1536xf32, #tpu.memory_space<vmem>>, vector<16xf32>,
      %get3A_502 = vector.shape_cast %get3A_501 : vector<16xf32> to vector<16xf32>
      %get3A_503 = arith.constant 1088 : index
      %get3A_504 = tpu.vector_load %arg11[%get3A_503] {strides = array<i32>} : memref<1536xi32, #tpu.memory_space<vmem>>, vector<16xi32>,
      %get3A_505 = vector.shape_cast %get3A_504 : vector<16xi32> to vector<16xi32>
      %gt3A_506 = arith.cmpf ogt, %get3A_502, %select_n3A_498 : vector<16xf32>
      %select_n3A_507 = arith.select %gt3A_506, %get3A_502, %select_n3A_498 : vector<16xi1>, vector<16xf32>
      %select_n3A_508 = arith.select %gt3A_506, %get3A_505, %select_n3A_499 : vector<16xi1>, vector<16xi32>
      %get3A_509 = arith.constant 1184 : index
      %get3A_510 = tpu.vector_load %arg10[%get3A_509] {strides = array<i32>} : memref<1536xf32, #tpu.memory_space<vmem>>, vector<16xf32>,
      %get3A_511 = vector.shape_cast %get3A_510 : vector<16xf32> to vector<16xf32>
      %get3A_512 = arith.constant 1184 : index
      %get3A_513 = tpu.vector_load %arg11[%get3A_512] {strides = array<i32>} : memref<1536xi32, #tpu.memory_space<vmem>>, vector<16xi32>,
      %get3A_514 = vector.shape_cast %get3A_513 : vector<16xi32> to vector<16xi32>
      %gt3A_515 = arith.cmpf ogt, %get3A_511, %select_n3A_507 : vector<16xf32>
      %select_n3A_516 = arith.select %gt3A_515, %get3A_511, %select_n3A_507 : vector<16xi1>, vector<16xf32>
      %select_n3A_517 = arith.select %gt3A_515, %get3A_514, %select_n3A_508 : vector<16xi1>, vector<16xi32>
      %get3A_518 = arith.constant 1280 : index
      %get3A_519 = tpu.vector_load %arg10[%get3A_518] {strides = array<i32>} : memref<1536xf32, #tpu.memory_space<vmem>>, vector<16xf32>,
      %get3A_520 = vector.shape_cast %get3A_519 : vector<16xf32> to vector<16xf32>
      %get3A_521 = arith.constant 1280 : index
      %get3A_522 = tpu.vector_load %arg11[%get3A_521] {strides = array<i32>} : memref<1536xi32, #tpu.memory_space<vmem>>, vector<16xi32>,
      %get3A_523 = vector.shape_cast %get3A_522 : vector<16xi32> to vector<16xi32>
      %gt3A_524 = arith.cmpf ogt, %get3A_520, %select_n3A_516 : vector<16xf32>
      %select_n3A_525 = arith.select %gt3A_524, %get3A_520, %select_n3A_516 : vector<16xi1>, vector<16xf32>
      %select_n3A_526 = arith.select %gt3A_524, %get3A_523, %select_n3A_517 : vector<16xi1>, vector<16xi32>
      %get3A_527 = arith.constant 1376 : index
      %get3A_528 = tpu.vector_load %arg10[%get3A_527] {strides = array<i32>} : memref<1536xf32, #tpu.memory_space<vmem>>, vector<16xf32>,
      %get3A_529 = vector.shape_cast %get3A_528 : vector<16xf32> to vector<16xf32>
      %get3A_530 = arith.constant 1376 : index
      %get3A_531 = tpu.vector_load %arg11[%get3A_530] {strides = array<i32>} : memref<1536xi32, #tpu.memory_space<vmem>>, vector<16xi32>,
      %get3A_532 = vector.shape_cast %get3A_531 : vector<16xi32> to vector<16xi32>
      %gt3A_533 = arith.cmpf ogt, %get3A_529, %select_n3A_525 : vector<16xf32>
      %select_n3A_534 = arith.select %gt3A_533, %get3A_529, %select_n3A_525 : vector<16xi1>, vector<16xf32>
      %select_n3A_535 = arith.select %gt3A_533, %get3A_532, %select_n3A_526 : vector<16xi1>, vector<16xi32>
      %get3A_536 = arith.constant 1472 : index
      %get3A_537 = tpu.vector_load %arg10[%get3A_536] {strides = array<i32>} : memref<1536xf32, #tpu.memory_space<vmem>>, vector<16xf32>,
      %get3A_538 = vector.shape_cast %get3A_537 : vector<16xf32> to vector<16xf32>
      %get3A_539 = arith.constant 1472 : index
      %get3A_540 = tpu.vector_load %arg11[%get3A_539] {strides = array<i32>} : memref<1536xi32, #tpu.memory_space<vmem>>, vector<16xi32>,
      %get3A_541 = vector.shape_cast %get3A_540 : vector<16xi32> to vector<16xi32>
      %gt3A_542 = arith.cmpf ogt, %get3A_538, %select_n3A_534 : vector<16xf32>
      %select_n3A_543 = arith.select %gt3A_542, %get3A_538, %select_n3A_534 : vector<16xi1>, vector<16xf32>
      %select_n3A_544 = arith.select %gt3A_542, %get3A_541, %select_n3A_535 : vector<16xi1>, vector<16xi32>
      %shift_right_logical3A_545 = arith.constant 7 : i32
      %shift_right_logical3A_546 = vector.broadcast %shift_right_logical3A_545 : i32 to vector<16xi32>
      %shift_right_logical3A_547 = arith.shrui %select_n3A_544, %shift_right_logical3A_546 : vector<16xi32>
      %mul3A_548 = arith.constant 21846 : i32
      %mul3A_549 = vector.broadcast %mul3A_548 : i32 to vector<16xi32>
      %mul3A_550 = arith.muli %shift_right_logical3A_547, %mul3A_549 : vector<16xi32>
      %shift_right_logical3A_551 = arith.constant 16 : i32
      %shift_right_logical3A_552 = vector.broadcast %shift_right_logical3A_551 : i32 to vector<16xi32>
      %shift_right_logical3A_553 = arith.shrui %mul3A_550, %shift_right_logical3A_552 : vector<16xi32>
      %mul3A_554 = arith.constant 384 : i32
      %mul3A_555 = vector.broadcast %mul3A_554 : i32 to vector<16xi32>
      %mul3A_556 = arith.muli %shift_right_logical3A_553, %mul3A_555 : vector<16xi32>
      %sub3A_557 = arith.subi %select_n3A_544, %mul3A_556 : vector<16xi32>
      %convert_element_type3A_558 = arith.sitofp %shift_right_logical3A_553 : vector<16xi32> to vector<16xf32>
      %swap3A_559 = arith.constant 32 : index
      %swap3A_560 = tpu.vector_load %arg12[%swap3A_559] {strides = array<i32>} : memref<288xf32, #tpu.memory_space<vmem>>, vector<16xf32>,
      %swap3A_561 = vector.shape_cast %swap3A_560 : vector<16xf32> to vector<16xf32>
      %swap3A_562 = vector.shape_cast %convert_element_type3A_558 : vector<16xf32> to vector<16xf32>
      tpu.vector_store %arg12[%swap3A_559], %swap3A_562 {strides = array<i32>} : memref<288xf32, #tpu.memory_space<vmem>>, vector<16xf32>,
      %convert_element_type3A_563 = arith.sitofp %sub3A_557 : vector<16xi32> to vector<16xf32>
      %swap3A_564 = arith.constant 128 : index
      %swap3A_565 = tpu.vector_load %arg12[%swap3A_564] {strides = array<i32>} : memref<288xf32, #tpu.memory_space<vmem>>, vector<16xf32>,
      %swap3A_566 = vector.shape_cast %swap3A_565 : vector<16xf32> to vector<16xf32>
      %swap3A_567 = vector.shape_cast %convert_element_type3A_563 : vector<16xf32> to vector<16xf32>
      tpu.vector_store %arg12[%swap3A_564], %swap3A_567 {strides = array<i32>} : memref<288xf32, #tpu.memory_space<vmem>>, vector<16xf32>,
      %swap3A_568 = arith.constant 224 : index
      %swap3A_569 = tpu.vector_load %arg12[%swap3A_568] {strides = array<i32>} : memref<288xf32, #tpu.memory_space<vmem>>, vector<16xf32>,
      %swap3A_570 = vector.shape_cast %swap3A_569 : vector<16xf32> to vector<16xf32>
      %swap3A_571 = vector.shape_cast %select_n3A_543 : vector<16xf32> to vector<16xf32>
      tpu.vector_store %arg12[%swap3A_568], %swap3A_571 {strides = array<i32>} : memref<288xf32, #tpu.memory_space<vmem>>, vector<16xf32>,
      %get3A_572 = arith.constant 48 : index
      %get3A_573 = tpu.vector_load %arg10[%get3A_572] {strides = array<i32>} : memref<1536xf32, #tpu.memory_space<vmem>>, vector<16xf32>,
      %get3A_574 = vector.shape_cast %get3A_573 : vector<16xf32> to vector<16xf32>
      %get3A_575 = arith.constant 48 : index
      %get3A_576 = tpu.vector_load %arg11[%get3A_575] {strides = array<i32>} : memref<1536xi32, #tpu.memory_space<vmem>>, vector<16xi32>,
      %get3A_577 = vector.shape_cast %get3A_576 : vector<16xi32> to vector<16xi32>
      %get3A_578 = arith.constant 144 : index
      %get3A_579 = tpu.vector_load %arg10[%get3A_578] {strides = array<i32>} : memref<1536xf32, #tpu.memory_space<vmem>>, vector<16xf32>,
      %get3A_580 = vector.shape_cast %get3A_579 : vector<16xf32> to vector<16xf32>
      %get3A_581 = arith.constant 144 : index
      %get3A_582 = tpu.vector_load %arg11[%get3A_581] {strides = array<i32>} : memref<1536xi32, #tpu.memory_space<vmem>>, vector<16xi32>,
      %get3A_583 = vector.shape_cast %get3A_582 : vector<16xi32> to vector<16xi32>
      %gt3A_584 = arith.cmpf ogt, %get3A_580, %get3A_574 : vector<16xf32>
      %select_n3A_585 = arith.select %gt3A_584, %get3A_580, %get3A_574 : vector<16xi1>, vector<16xf32>
      %select_n3A_586 = arith.select %gt3A_584, %get3A_583, %get3A_577 : vector<16xi1>, vector<16xi32>
      %get3A_587 = arith.constant 240 : index
      %get3A_588 = tpu.vector_load %arg10[%get3A_587] {strides = array<i32>} : memref<1536xf32, #tpu.memory_space<vmem>>, vector<16xf32>,
      %get3A_589 = vector.shape_cast %get3A_588 : vector<16xf32> to vector<16xf32>
      %get3A_590 = arith.constant 240 : index
      %get3A_591 = tpu.vector_load %arg11[%get3A_590] {strides = array<i32>} : memref<1536xi32, #tpu.memory_space<vmem>>, vector<16xi32>,
      %get3A_592 = vector.shape_cast %get3A_591 : vector<16xi32> to vector<16xi32>
      %gt3A_593 = arith.cmpf ogt, %get3A_589, %select_n3A_585 : vector<16xf32>
      %select_n3A_594 = arith.select %gt3A_593, %get3A_589, %select_n3A_585 : vector<16xi1>, vector<16xf32>
      %select_n3A_595 = arith.select %gt3A_593, %get3A_592, %select_n3A_586 : vector<16xi1>, vector<16xi32>
      %get3A_596 = arith.constant 336 : index
      %get3A_597 = tpu.vector_load %arg10[%get3A_596] {strides = array<i32>} : memref<1536xf32, #tpu.memory_space<vmem>>, vector<16xf32>,
      %get3A_598 = vector.shape_cast %get3A_597 : vector<16xf32> to vector<16xf32>
      %get3A_599 = arith.constant 336 : index
      %get3A_600 = tpu.vector_load %arg11[%get3A_599] {strides = array<i32>} : memref<1536xi32, #tpu.memory_space<vmem>>, vector<16xi32>,
      %get3A_601 = vector.shape_cast %get3A_600 : vector<16xi32> to vector<16xi32>
      %gt3A_602 = arith.cmpf ogt, %get3A_598, %select_n3A_594 : vector<16xf32>
      %select_n3A_603 = arith.select %gt3A_602, %get3A_598, %select_n3A_594 : vector<16xi1>, vector<16xf32>
      %select_n3A_604 = arith.select %gt3A_602, %get3A_601, %select_n3A_595 : vector<16xi1>, vector<16xi32>
      %get3A_605 = arith.constant 432 : index
      %get3A_606 = tpu.vector_load %arg10[%get3A_605] {strides = array<i32>} : memref<1536xf32, #tpu.memory_space<vmem>>, vector<16xf32>,
      %get3A_607 = vector.shape_cast %get3A_606 : vector<16xf32> to vector<16xf32>
      %get3A_608 = arith.constant 432 : index
      %get3A_609 = tpu.vector_load %arg11[%get3A_608] {strides = array<i32>} : memref<1536xi32, #tpu.memory_space<vmem>>, vector<16xi32>,
      %get3A_610 = vector.shape_cast %get3A_609 : vector<16xi32> to vector<16xi32>
      %gt3A_611 = arith.cmpf ogt, %get3A_607, %select_n3A_603 : vector<16xf32>
      %select_n3A_612 = arith.select %gt3A_611, %get3A_607, %select_n3A_603 : vector<16xi1>, vector<16xf32>
      %select_n3A_613 = arith.select %gt3A_611, %get3A_610, %select_n3A_604 : vector<16xi1>, vector<16xi32>
      %get3A_614 = arith.constant 528 : index
      %get3A_615 = tpu.vector_load %arg10[%get3A_614] {strides = array<i32>} : memref<1536xf32, #tpu.memory_space<vmem>>, vector<16xf32>,
      %get3A_616 = vector.shape_cast %get3A_615 : vector<16xf32> to vector<16xf32>
      %get3A_617 = arith.constant 528 : index
      %get3A_618 = tpu.vector_load %arg11[%get3A_617] {strides = array<i32>} : memref<1536xi32, #tpu.memory_space<vmem>>, vector<16xi32>,
      %get3A_619 = vector.shape_cast %get3A_618 : vector<16xi32> to vector<16xi32>
      %gt3A_620 = arith.cmpf ogt, %get3A_616, %select_n3A_612 : vector<16xf32>
      %select_n3A_621 = arith.select %gt3A_620, %get3A_616, %select_n3A_612 : vector<16xi1>, vector<16xf32>
      %select_n3A_622 = arith.select %gt3A_620, %get3A_619, %select_n3A_613 : vector<16xi1>, vector<16xi32>
      %get3A_623 = arith.constant 624 : index
      %get3A_624 = tpu.vector_load %arg10[%get3A_623] {strides = array<i32>} : memref<1536xf32, #tpu.memory_space<vmem>>, vector<16xf32>,
      %get3A_625 = vector.shape_cast %get3A_624 : vector<16xf32> to vector<16xf32>
      %get3A_626 = arith.constant 624 : index
      %get3A_627 = tpu.vector_load %arg11[%get3A_626] {strides = array<i32>} : memref<1536xi32, #tpu.memory_space<vmem>>, vector<16xi32>,
      %get3A_628 = vector.shape_cast %get3A_627 : vector<16xi32> to vector<16xi32>
      %gt3A_629 = arith.cmpf ogt, %get3A_625, %select_n3A_621 : vector<16xf32>
      %select_n3A_630 = arith.select %gt3A_629, %get3A_625, %select_n3A_621 : vector<16xi1>, vector<16xf32>
      %select_n3A_631 = arith.select %gt3A_629, %get3A_628, %select_n3A_622 : vector<16xi1>, vector<16xi32>
      %get3A_632 = arith.constant 720 : index
      %get3A_633 = tpu.vector_load %arg10[%get3A_632] {strides = array<i32>} : memref<1536xf32, #tpu.memory_space<vmem>>, vector<16xf32>,
      %get3A_634 = vector.shape_cast %get3A_633 : vector<16xf32> to vector<16xf32>
      %get3A_635 = arith.constant 720 : index
      %get3A_636 = tpu.vector_load %arg11[%get3A_635] {strides = array<i32>} : memref<1536xi32, #tpu.memory_space<vmem>>, vector<16xi32>,
      %get3A_637 = vector.shape_cast %get3A_636 : vector<16xi32> to vector<16xi32>
      %gt3A_638 = arith.cmpf ogt, %get3A_634, %select_n3A_630 : vector<16xf32>
      %select_n3A_639 = arith.select %gt3A_638, %get3A_634, %select_n3A_630 : vector<16xi1>, vector<16xf32>
      %select_n3A_640 = arith.select %gt3A_638, %get3A_637, %select_n3A_631 : vector<16xi1>, vector<16xi32>
      %get3A_641 = arith.constant 816 : index
      %get3A_642 = tpu.vector_load %arg10[%get3A_641] {strides = array<i32>} : memref<1536xf32, #tpu.memory_space<vmem>>, vector<16xf32>,
      %get3A_643 = vector.shape_cast %get3A_642 : vector<16xf32> to vector<16xf32>
      %get3A_644 = arith.constant 816 : index
      %get3A_645 = tpu.vector_load %arg11[%get3A_644] {strides = array<i32>} : memref<1536xi32, #tpu.memory_space<vmem>>, vector<16xi32>,
      %get3A_646 = vector.shape_cast %get3A_645 : vector<16xi32> to vector<16xi32>
      %gt3A_647 = arith.cmpf ogt, %get3A_643, %select_n3A_639 : vector<16xf32>
      %select_n3A_648 = arith.select %gt3A_647, %get3A_643, %select_n3A_639 : vector<16xi1>, vector<16xf32>
      %select_n3A_649 = arith.select %gt3A_647, %get3A_646, %select_n3A_640 : vector<16xi1>, vector<16xi32>
      %get3A_650 = arith.constant 912 : index
      %get3A_651 = tpu.vector_load %arg10[%get3A_650] {strides = array<i32>} : memref<1536xf32, #tpu.memory_space<vmem>>, vector<16xf32>,
      %get3A_652 = vector.shape_cast %get3A_651 : vector<16xf32> to vector<16xf32>
      %get3A_653 = arith.constant 912 : index
      %get3A_654 = tpu.vector_load %arg11[%get3A_653] {strides = array<i32>} : memref<1536xi32, #tpu.memory_space<vmem>>, vector<16xi32>,
      %get3A_655 = vector.shape_cast %get3A_654 : vector<16xi32> to vector<16xi32>
      %gt3A_656 = arith.cmpf ogt, %get3A_652, %select_n3A_648 : vector<16xf32>
      %select_n3A_657 = arith.select %gt3A_656, %get3A_652, %select_n3A_648 : vector<16xi1>, vector<16xf32>
      %select_n3A_658 = arith.select %gt3A_656, %get3A_655, %select_n3A_649 : vector<16xi1>, vector<16xi32>
      %get3A_659 = arith.constant 1008 : index
      %get3A_660 = tpu.vector_load %arg10[%get3A_659] {strides = array<i32>} : memref<1536xf32, #tpu.memory_space<vmem>>, vector<16xf32>,
      %get3A_661 = vector.shape_cast %get3A_660 : vector<16xf32> to vector<16xf32>
      %get3A_662 = arith.constant 1008 : index
      %get3A_663 = tpu.vector_load %arg11[%get3A_662] {strides = array<i32>} : memref<1536xi32, #tpu.memory_space<vmem>>, vector<16xi32>,
      %get3A_664 = vector.shape_cast %get3A_663 : vector<16xi32> to vector<16xi32>
      %gt3A_665 = arith.cmpf ogt, %get3A_661, %select_n3A_657 : vector<16xf32>
      %select_n3A_666 = arith.select %gt3A_665, %get3A_661, %select_n3A_657 : vector<16xi1>, vector<16xf32>
      %select_n3A_667 = arith.select %gt3A_665, %get3A_664, %select_n3A_658 : vector<16xi1>, vector<16xi32>
      %get3A_668 = arith.constant 1104 : index
      %get3A_669 = tpu.vector_load %arg10[%get3A_668] {strides = array<i32>} : memref<1536xf32, #tpu.memory_space<vmem>>, vector<16xf32>,
      %get3A_670 = vector.shape_cast %get3A_669 : vector<16xf32> to vector<16xf32>
      %get3A_671 = arith.constant 1104 : index
      %get3A_672 = tpu.vector_load %arg11[%get3A_671] {strides = array<i32>} : memref<1536xi32, #tpu.memory_space<vmem>>, vector<16xi32>,
      %get3A_673 = vector.shape_cast %get3A_672 : vector<16xi32> to vector<16xi32>
      %gt3A_674 = arith.cmpf ogt, %get3A_670, %select_n3A_666 : vector<16xf32>
      %select_n3A_675 = arith.select %gt3A_674, %get3A_670, %select_n3A_666 : vector<16xi1>, vector<16xf32>
      %select_n3A_676 = arith.select %gt3A_674, %get3A_673, %select_n3A_667 : vector<16xi1>, vector<16xi32>
      %get3A_677 = arith.constant 1200 : index
      %get3A_678 = tpu.vector_load %arg10[%get3A_677] {strides = array<i32>} : memref<1536xf32, #tpu.memory_space<vmem>>, vector<16xf32>,
      %get3A_679 = vector.shape_cast %get3A_678 : vector<16xf32> to vector<16xf32>
      %get3A_680 = arith.constant 1200 : index
      %get3A_681 = tpu.vector_load %arg11[%get3A_680] {strides = array<i32>} : memref<1536xi32, #tpu.memory_space<vmem>>, vector<16xi32>,
      %get3A_682 = vector.shape_cast %get3A_681 : vector<16xi32> to vector<16xi32>
      %gt3A_683 = arith.cmpf ogt, %get3A_679, %select_n3A_675 : vector<16xf32>
      %select_n3A_684 = arith.select %gt3A_683, %get3A_679, %select_n3A_675 : vector<16xi1>, vector<16xf32>
      %select_n3A_685 = arith.select %gt3A_683, %get3A_682, %select_n3A_676 : vector<16xi1>, vector<16xi32>
      %get3A_686 = arith.constant 1296 : index
      %get3A_687 = tpu.vector_load %arg10[%get3A_686] {strides = array<i32>} : memref<1536xf32, #tpu.memory_space<vmem>>, vector<16xf32>,
      %get3A_688 = vector.shape_cast %get3A_687 : vector<16xf32> to vector<16xf32>
      %get3A_689 = arith.constant 1296 : index
      %get3A_690 = tpu.vector_load %arg11[%get3A_689] {strides = array<i32>} : memref<1536xi32, #tpu.memory_space<vmem>>, vector<16xi32>,
      %get3A_691 = vector.shape_cast %get3A_690 : vector<16xi32> to vector<16xi32>
      %gt3A_692 = arith.cmpf ogt, %get3A_688, %select_n3A_684 : vector<16xf32>
      %select_n3A_693 = arith.select %gt3A_692, %get3A_688, %select_n3A_684 : vector<16xi1>, vector<16xf32>
      %select_n3A_694 = arith.select %gt3A_692, %get3A_691, %select_n3A_685 : vector<16xi1>, vector<16xi32>
      %get3A_695 = arith.constant 1392 : index
      %get3A_696 = tpu.vector_load %arg10[%get3A_695] {strides = array<i32>} : memref<1536xf32, #tpu.memory_space<vmem>>, vector<16xf32>,
      %get3A_697 = vector.shape_cast %get3A_696 : vector<16xf32> to vector<16xf32>
      %get3A_698 = arith.constant 1392 : index
      %get3A_699 = tpu.vector_load %arg11[%get3A_698] {strides = array<i32>} : memref<1536xi32, #tpu.memory_space<vmem>>, vector<16xi32>,
      %get3A_700 = vector.shape_cast %get3A_699 : vector<16xi32> to vector<16xi32>
      %gt3A_701 = arith.cmpf ogt, %get3A_697, %select_n3A_693 : vector<16xf32>
      %select_n3A_702 = arith.select %gt3A_701, %get3A_697, %select_n3A_693 : vector<16xi1>, vector<16xf32>
      %select_n3A_703 = arith.select %gt3A_701, %get3A_700, %select_n3A_694 : vector<16xi1>, vector<16xi32>
      %get3A_704 = arith.constant 1488 : index
      %get3A_705 = tpu.vector_load %arg10[%get3A_704] {strides = array<i32>} : memref<1536xf32, #tpu.memory_space<vmem>>, vector<16xf32>,
      %get3A_706 = vector.shape_cast %get3A_705 : vector<16xf32> to vector<16xf32>
      %get3A_707 = arith.constant 1488 : index
      %get3A_708 = tpu.vector_load %arg11[%get3A_707] {strides = array<i32>} : memref<1536xi32, #tpu.memory_space<vmem>>, vector<16xi32>,
      %get3A_709 = vector.shape_cast %get3A_708 : vector<16xi32> to vector<16xi32>
      %gt3A_710 = arith.cmpf ogt, %get3A_706, %select_n3A_702 : vector<16xf32>
      %select_n3A_711 = arith.select %gt3A_710, %get3A_706, %select_n3A_702 : vector<16xi1>, vector<16xf32>
      %select_n3A_712 = arith.select %gt3A_710, %get3A_709, %select_n3A_703 : vector<16xi1>, vector<16xi32>
      %shift_right_logical3A_713 = arith.constant 7 : i32
      %shift_right_logical3A_714 = vector.broadcast %shift_right_logical3A_713 : i32 to vector<16xi32>
      %shift_right_logical3A_715 = arith.shrui %select_n3A_712, %shift_right_logical3A_714 : vector<16xi32>
      %mul3A_716 = arith.constant 21846 : i32
      %mul3A_717 = vector.broadcast %mul3A_716 : i32 to vector<16xi32>
      %mul3A_718 = arith.muli %shift_right_logical3A_715, %mul3A_717 : vector<16xi32>
      %shift_right_logical3A_719 = arith.constant 16 : i32
      %shift_right_logical3A_720 = vector.broadcast %shift_right_logical3A_719 : i32 to vector<16xi32>
      %shift_right_logical3A_721 = arith.shrui %mul3A_718, %shift_right_logical3A_720 : vector<16xi32>
      %mul3A_722 = arith.constant 384 : i32
      %mul3A_723 = vector.broadcast %mul3A_722 : i32 to vector<16xi32>
      %mul3A_724 = arith.muli %shift_right_logical3A_721, %mul3A_723 : vector<16xi32>
      %sub3A_725 = arith.subi %select_n3A_712, %mul3A_724 : vector<16xi32>
      %convert_element_type3A_726 = arith.sitofp %shift_right_logical3A_721 : vector<16xi32> to vector<16xf32>
      %swap3A_727 = arith.constant 48 : index
      %swap3A_728 = tpu.vector_load %arg12[%swap3A_727] {strides = array<i32>} : memref<288xf32, #tpu.memory_space<vmem>>, vector<16xf32>,
      %swap3A_729 = vector.shape_cast %swap3A_728 : vector<16xf32> to vector<16xf32>
      %swap3A_730 = vector.shape_cast %convert_element_type3A_726 : vector<16xf32> to vector<16xf32>
      tpu.vector_store %arg12[%swap3A_727], %swap3A_730 {strides = array<i32>} : memref<288xf32, #tpu.memory_space<vmem>>, vector<16xf32>,
      %convert_element_type3A_731 = arith.sitofp %sub3A_725 : vector<16xi32> to vector<16xf32>
      %swap3A_732 = arith.constant 144 : index
      %swap3A_733 = tpu.vector_load %arg12[%swap3A_732] {strides = array<i32>} : memref<288xf32, #tpu.memory_space<vmem>>, vector<16xf32>,
      %swap3A_734 = vector.shape_cast %swap3A_733 : vector<16xf32> to vector<16xf32>
      %swap3A_735 = vector.shape_cast %convert_element_type3A_731 : vector<16xf32> to vector<16xf32>
      tpu.vector_store %arg12[%swap3A_732], %swap3A_735 {strides = array<i32>} : memref<288xf32, #tpu.memory_space<vmem>>, vector<16xf32>,
      %swap3A_736 = arith.constant 240 : index
      %swap3A_737 = tpu.vector_load %arg12[%swap3A_736] {strides = array<i32>} : memref<288xf32, #tpu.memory_space<vmem>>, vector<16xf32>,
      %swap3A_738 = vector.shape_cast %swap3A_737 : vector<16xf32> to vector<16xf32>
      %swap3A_739 = vector.shape_cast %select_n3A_711 : vector<16xf32> to vector<16xf32>
      tpu.vector_store %arg12[%swap3A_736], %swap3A_739 {strides = array<i32>} : memref<288xf32, #tpu.memory_space<vmem>>, vector<16xf32>,
      %get3A_740 = arith.constant 64 : index
      %get3A_741 = tpu.vector_load %arg10[%get3A_740] {strides = array<i32>} : memref<1536xf32, #tpu.memory_space<vmem>>, vector<16xf32>,
      %get3A_742 = vector.shape_cast %get3A_741 : vector<16xf32> to vector<16xf32>
      %get3A_743 = arith.constant 64 : index
      %get3A_744 = tpu.vector_load %arg11[%get3A_743] {strides = array<i32>} : memref<1536xi32, #tpu.memory_space<vmem>>, vector<16xi32>,
      %get3A_745 = vector.shape_cast %get3A_744 : vector<16xi32> to vector<16xi32>
      %get3A_746 = arith.constant 160 : index
      %get3A_747 = tpu.vector_load %arg10[%get3A_746] {strides = array<i32>} : memref<1536xf32, #tpu.memory_space<vmem>>, vector<16xf32>,
      %get3A_748 = vector.shape_cast %get3A_747 : vector<16xf32> to vector<16xf32>
      %get3A_749 = arith.constant 160 : index
      %get3A_750 = tpu.vector_load %arg11[%get3A_749] {strides = array<i32>} : memref<1536xi32, #tpu.memory_space<vmem>>, vector<16xi32>,
      %get3A_751 = vector.shape_cast %get3A_750 : vector<16xi32> to vector<16xi32>
      %gt3A_752 = arith.cmpf ogt, %get3A_748, %get3A_742 : vector<16xf32>
      %select_n3A_753 = arith.select %gt3A_752, %get3A_748, %get3A_742 : vector<16xi1>, vector<16xf32>
      %select_n3A_754 = arith.select %gt3A_752, %get3A_751, %get3A_745 : vector<16xi1>, vector<16xi32>
      %get3A_755 = arith.constant 256 : index
      %get3A_756 = tpu.vector_load %arg10[%get3A_755] {strides = array<i32>} : memref<1536xf32, #tpu.memory_space<vmem>>, vector<16xf32>,
      %get3A_757 = vector.shape_cast %get3A_756 : vector<16xf32> to vector<16xf32>
      %get3A_758 = arith.constant 256 : index
      %get3A_759 = tpu.vector_load %arg11[%get3A_758] {strides = array<i32>} : memref<1536xi32, #tpu.memory_space<vmem>>, vector<16xi32>,
      %get3A_760 = vector.shape_cast %get3A_759 : vector<16xi32> to vector<16xi32>
      %gt3A_761 = arith.cmpf ogt, %get3A_757, %select_n3A_753 : vector<16xf32>
      %select_n3A_762 = arith.select %gt3A_761, %get3A_757, %select_n3A_753 : vector<16xi1>, vector<16xf32>
      %select_n3A_763 = arith.select %gt3A_761, %get3A_760, %select_n3A_754 : vector<16xi1>, vector<16xi32>
      %get3A_764 = arith.constant 352 : index
      %get3A_765 = tpu.vector_load %arg10[%get3A_764] {strides = array<i32>} : memref<1536xf32, #tpu.memory_space<vmem>>, vector<16xf32>,
      %get3A_766 = vector.shape_cast %get3A_765 : vector<16xf32> to vector<16xf32>
      %get3A_767 = arith.constant 352 : index
      %get3A_768 = tpu.vector_load %arg11[%get3A_767] {strides = array<i32>} : memref<1536xi32, #tpu.memory_space<vmem>>, vector<16xi32>,
      %get3A_769 = vector.shape_cast %get3A_768 : vector<16xi32> to vector<16xi32>
      %gt3A_770 = arith.cmpf ogt, %get3A_766, %select_n3A_762 : vector<16xf32>
      %select_n3A_771 = arith.select %gt3A_770, %get3A_766, %select_n3A_762 : vector<16xi1>, vector<16xf32>
      %select_n3A_772 = arith.select %gt3A_770, %get3A_769, %select_n3A_763 : vector<16xi1>, vector<16xi32>
      %get3A_773 = arith.constant 448 : index
      %get3A_774 = tpu.vector_load %arg10[%get3A_773] {strides = array<i32>} : memref<1536xf32, #tpu.memory_space<vmem>>, vector<16xf32>,
      %get3A_775 = vector.shape_cast %get3A_774 : vector<16xf32> to vector<16xf32>
      %get3A_776 = arith.constant 448 : index
      %get3A_777 = tpu.vector_load %arg11[%get3A_776] {strides = array<i32>} : memref<1536xi32, #tpu.memory_space<vmem>>, vector<16xi32>,
      %get3A_778 = vector.shape_cast %get3A_777 : vector<16xi32> to vector<16xi32>
      %gt3A_779 = arith.cmpf ogt, %get3A_775, %select_n3A_771 : vector<16xf32>
      %select_n3A_780 = arith.select %gt3A_779, %get3A_775, %select_n3A_771 : vector<16xi1>, vector<16xf32>
      %select_n3A_781 = arith.select %gt3A_779, %get3A_778, %select_n3A_772 : vector<16xi1>, vector<16xi32>
      %get3A_782 = arith.constant 544 : index
      %get3A_783 = tpu.vector_load %arg10[%get3A_782] {strides = array<i32>} : memref<1536xf32, #tpu.memory_space<vmem>>, vector<16xf32>,
      %get3A_784 = vector.shape_cast %get3A_783 : vector<16xf32> to vector<16xf32>
      %get3A_785 = arith.constant 544 : index
      %get3A_786 = tpu.vector_load %arg11[%get3A_785] {strides = array<i32>} : memref<1536xi32, #tpu.memory_space<vmem>>, vector<16xi32>,
      %get3A_787 = vector.shape_cast %get3A_786 : vector<16xi32> to vector<16xi32>
      %gt3A_788 = arith.cmpf ogt, %get3A_784, %select_n3A_780 : vector<16xf32>
      %select_n3A_789 = arith.select %gt3A_788, %get3A_784, %select_n3A_780 : vector<16xi1>, vector<16xf32>
      %select_n3A_790 = arith.select %gt3A_788, %get3A_787, %select_n3A_781 : vector<16xi1>, vector<16xi32>
      %get3A_791 = arith.constant 640 : index
      %get3A_792 = tpu.vector_load %arg10[%get3A_791] {strides = array<i32>} : memref<1536xf32, #tpu.memory_space<vmem>>, vector<16xf32>,
      %get3A_793 = vector.shape_cast %get3A_792 : vector<16xf32> to vector<16xf32>
      %get3A_794 = arith.constant 640 : index
      %get3A_795 = tpu.vector_load %arg11[%get3A_794] {strides = array<i32>} : memref<1536xi32, #tpu.memory_space<vmem>>, vector<16xi32>,
      %get3A_796 = vector.shape_cast %get3A_795 : vector<16xi32> to vector<16xi32>
      %gt3A_797 = arith.cmpf ogt, %get3A_793, %select_n3A_789 : vector<16xf32>
      %select_n3A_798 = arith.select %gt3A_797, %get3A_793, %select_n3A_789 : vector<16xi1>, vector<16xf32>
      %select_n3A_799 = arith.select %gt3A_797, %get3A_796, %select_n3A_790 : vector<16xi1>, vector<16xi32>
      %get3A_800 = arith.constant 736 : index
      %get3A_801 = tpu.vector_load %arg10[%get3A_800] {strides = array<i32>} : memref<1536xf32, #tpu.memory_space<vmem>>, vector<16xf32>,
      %get3A_802 = vector.shape_cast %get3A_801 : vector<16xf32> to vector<16xf32>
      %get3A_803 = arith.constant 736 : index
      %get3A_804 = tpu.vector_load %arg11[%get3A_803] {strides = array<i32>} : memref<1536xi32, #tpu.memory_space<vmem>>, vector<16xi32>,
      %get3A_805 = vector.shape_cast %get3A_804 : vector<16xi32> to vector<16xi32>
      %gt3A_806 = arith.cmpf ogt, %get3A_802, %select_n3A_798 : vector<16xf32>
      %select_n3A_807 = arith.select %gt3A_806, %get3A_802, %select_n3A_798 : vector<16xi1>, vector<16xf32>
      %select_n3A_808 = arith.select %gt3A_806, %get3A_805, %select_n3A_799 : vector<16xi1>, vector<16xi32>
      %get3A_809 = arith.constant 832 : index
      %get3A_810 = tpu.vector_load %arg10[%get3A_809] {strides = array<i32>} : memref<1536xf32, #tpu.memory_space<vmem>>, vector<16xf32>,
      %get3A_811 = vector.shape_cast %get3A_810 : vector<16xf32> to vector<16xf32>
      %get3A_812 = arith.constant 832 : index
      %get3A_813 = tpu.vector_load %arg11[%get3A_812] {strides = array<i32>} : memref<1536xi32, #tpu.memory_space<vmem>>, vector<16xi32>,
      %get3A_814 = vector.shape_cast %get3A_813 : vector<16xi32> to vector<16xi32>
      %gt3A_815 = arith.cmpf ogt, %get3A_811, %select_n3A_807 : vector<16xf32>
      %select_n3A_816 = arith.select %gt3A_815, %get3A_811, %select_n3A_807 : vector<16xi1>, vector<16xf32>
      %select_n3A_817 = arith.select %gt3A_815, %get3A_814, %select_n3A_808 : vector<16xi1>, vector<16xi32>
      %get3A_818 = arith.constant 928 : index
      %get3A_819 = tpu.vector_load %arg10[%get3A_818] {strides = array<i32>} : memref<1536xf32, #tpu.memory_space<vmem>>, vector<16xf32>,
      %get3A_820 = vector.shape_cast %get3A_819 : vector<16xf32> to vector<16xf32>
      %get3A_821 = arith.constant 928 : index
      %get3A_822 = tpu.vector_load %arg11[%get3A_821] {strides = array<i32>} : memref<1536xi32, #tpu.memory_space<vmem>>, vector<16xi32>,
      %get3A_823 = vector.shape_cast %get3A_822 : vector<16xi32> to vector<16xi32>
      %gt3A_824 = arith.cmpf ogt, %get3A_820, %select_n3A_816 : vector<16xf32>
      %select_n3A_825 = arith.select %gt3A_824, %get3A_820, %select_n3A_816 : vector<16xi1>, vector<16xf32>
      %select_n3A_826 = arith.select %gt3A_824, %get3A_823, %select_n3A_817 : vector<16xi1>, vector<16xi32>
      %get3A_827 = arith.constant 1024 : index
      %get3A_828 = tpu.vector_load %arg10[%get3A_827] {strides = array<i32>} : memref<1536xf32, #tpu.memory_space<vmem>>, vector<16xf32>,
      %get3A_829 = vector.shape_cast %get3A_828 : vector<16xf32> to vector<16xf32>
      %get3A_830 = arith.constant 1024 : index
      %get3A_831 = tpu.vector_load %arg11[%get3A_830] {strides = array<i32>} : memref<1536xi32, #tpu.memory_space<vmem>>, vector<16xi32>,
      %get3A_832 = vector.shape_cast %get3A_831 : vector<16xi32> to vector<16xi32>
      %gt3A_833 = arith.cmpf ogt, %get3A_829, %select_n3A_825 : vector<16xf32>
      %select_n3A_834 = arith.select %gt3A_833, %get3A_829, %select_n3A_825 : vector<16xi1>, vector<16xf32>
      %select_n3A_835 = arith.select %gt3A_833, %get3A_832, %select_n3A_826 : vector<16xi1>, vector<16xi32>
      %get3A_836 = arith.constant 1120 : index
      %get3A_837 = tpu.vector_load %arg10[%get3A_836] {strides = array<i32>} : memref<1536xf32, #tpu.memory_space<vmem>>, vector<16xf32>,
      %get3A_838 = vector.shape_cast %get3A_837 : vector<16xf32> to vector<16xf32>
      %get3A_839 = arith.constant 1120 : index
      %get3A_840 = tpu.vector_load %arg11[%get3A_839] {strides = array<i32>} : memref<1536xi32, #tpu.memory_space<vmem>>, vector<16xi32>,
      %get3A_841 = vector.shape_cast %get3A_840 : vector<16xi32> to vector<16xi32>
      %gt3A_842 = arith.cmpf ogt, %get3A_838, %select_n3A_834 : vector<16xf32>
      %select_n3A_843 = arith.select %gt3A_842, %get3A_838, %select_n3A_834 : vector<16xi1>, vector<16xf32>
      %select_n3A_844 = arith.select %gt3A_842, %get3A_841, %select_n3A_835 : vector<16xi1>, vector<16xi32>
      %get3A_845 = arith.constant 1216 : index
      %get3A_846 = tpu.vector_load %arg10[%get3A_845] {strides = array<i32>} : memref<1536xf32, #tpu.memory_space<vmem>>, vector<16xf32>,
      %get3A_847 = vector.shape_cast %get3A_846 : vector<16xf32> to vector<16xf32>
      %get3A_848 = arith.constant 1216 : index
      %get3A_849 = tpu.vector_load %arg11[%get3A_848] {strides = array<i32>} : memref<1536xi32, #tpu.memory_space<vmem>>, vector<16xi32>,
      %get3A_850 = vector.shape_cast %get3A_849 : vector<16xi32> to vector<16xi32>
      %gt3A_851 = arith.cmpf ogt, %get3A_847, %select_n3A_843 : vector<16xf32>
      %select_n3A_852 = arith.select %gt3A_851, %get3A_847, %select_n3A_843 : vector<16xi1>, vector<16xf32>
      %select_n3A_853 = arith.select %gt3A_851, %get3A_850, %select_n3A_844 : vector<16xi1>, vector<16xi32>
      %get3A_854 = arith.constant 1312 : index
      %get3A_855 = tpu.vector_load %arg10[%get3A_854] {strides = array<i32>} : memref<1536xf32, #tpu.memory_space<vmem>>, vector<16xf32>,
      %get3A_856 = vector.shape_cast %get3A_855 : vector<16xf32> to vector<16xf32>
      %get3A_857 = arith.constant 1312 : index
      %get3A_858 = tpu.vector_load %arg11[%get3A_857] {strides = array<i32>} : memref<1536xi32, #tpu.memory_space<vmem>>, vector<16xi32>,
      %get3A_859 = vector.shape_cast %get3A_858 : vector<16xi32> to vector<16xi32>
      %gt3A_860 = arith.cmpf ogt, %get3A_856, %select_n3A_852 : vector<16xf32>
      %select_n3A_861 = arith.select %gt3A_860, %get3A_856, %select_n3A_852 : vector<16xi1>, vector<16xf32>
      %select_n3A_862 = arith.select %gt3A_860, %get3A_859, %select_n3A_853 : vector<16xi1>, vector<16xi32>
      %get3A_863 = arith.constant 1408 : index
      %get3A_864 = tpu.vector_load %arg10[%get3A_863] {strides = array<i32>} : memref<1536xf32, #tpu.memory_space<vmem>>, vector<16xf32>,
      %get3A_865 = vector.shape_cast %get3A_864 : vector<16xf32> to vector<16xf32>
      %get3A_866 = arith.constant 1408 : index
      %get3A_867 = tpu.vector_load %arg11[%get3A_866] {strides = array<i32>} : memref<1536xi32, #tpu.memory_space<vmem>>, vector<16xi32>,
      %get3A_868 = vector.shape_cast %get3A_867 : vector<16xi32> to vector<16xi32>
      %gt3A_869 = arith.cmpf ogt, %get3A_865, %select_n3A_861 : vector<16xf32>
      %select_n3A_870 = arith.select %gt3A_869, %get3A_865, %select_n3A_861 : vector<16xi1>, vector<16xf32>
      %select_n3A_871 = arith.select %gt3A_869, %get3A_868, %select_n3A_862 : vector<16xi1>, vector<16xi32>
      %get3A_872 = arith.constant 1504 : index
      %get3A_873 = tpu.vector_load %arg10[%get3A_872] {strides = array<i32>} : memref<1536xf32, #tpu.memory_space<vmem>>, vector<16xf32>,
      %get3A_874 = vector.shape_cast %get3A_873 : vector<16xf32> to vector<16xf32>
      %get3A_875 = arith.constant 1504 : index
      %get3A_876 = tpu.vector_load %arg11[%get3A_875] {strides = array<i32>} : memref<1536xi32, #tpu.memory_space<vmem>>, vector<16xi32>,
      %get3A_877 = vector.shape_cast %get3A_876 : vector<16xi32> to vector<16xi32>
      %gt3A_878 = arith.cmpf ogt, %get3A_874, %select_n3A_870 : vector<16xf32>
      %select_n3A_879 = arith.select %gt3A_878, %get3A_874, %select_n3A_870 : vector<16xi1>, vector<16xf32>
      %select_n3A_880 = arith.select %gt3A_878, %get3A_877, %select_n3A_871 : vector<16xi1>, vector<16xi32>
      %shift_right_logical3A_881 = arith.constant 7 : i32
      %shift_right_logical3A_882 = vector.broadcast %shift_right_logical3A_881 : i32 to vector<16xi32>
      %shift_right_logical3A_883 = arith.shrui %select_n3A_880, %shift_right_logical3A_882 : vector<16xi32>
      %mul3A_884 = arith.constant 21846 : i32
      %mul3A_885 = vector.broadcast %mul3A_884 : i32 to vector<16xi32>
      %mul3A_886 = arith.muli %shift_right_logical3A_883, %mul3A_885 : vector<16xi32>
      %shift_right_logical3A_887 = arith.constant 16 : i32
      %shift_right_logical3A_888 = vector.broadcast %shift_right_logical3A_887 : i32 to vector<16xi32>
      %shift_right_logical3A_889 = arith.shrui %mul3A_886, %shift_right_logical3A_888 : vector<16xi32>
      %mul3A_890 = arith.constant 384 : i32
      %mul3A_891 = vector.broadcast %mul3A_890 : i32 to vector<16xi32>
      %mul3A_892 = arith.muli %shift_right_logical3A_889, %mul3A_891 : vector<16xi32>
      %sub3A_893 = arith.subi %select_n3A_880, %mul3A_892 : vector<16xi32>
      %convert_element_type3A_894 = arith.sitofp %shift_right_logical3A_889 : vector<16xi32> to vector<16xf32>
      %swap3A_895 = arith.constant 64 : index
      %swap3A_896 = tpu.vector_load %arg12[%swap3A_895] {strides = array<i32>} : memref<288xf32, #tpu.memory_space<vmem>>, vector<16xf32>,
      %swap3A_897 = vector.shape_cast %swap3A_896 : vector<16xf32> to vector<16xf32>
      %swap3A_898 = vector.shape_cast %convert_element_type3A_894 : vector<16xf32> to vector<16xf32>
      tpu.vector_store %arg12[%swap3A_895], %swap3A_898 {strides = array<i32>} : memref<288xf32, #tpu.memory_space<vmem>>, vector<16xf32>,
      %convert_element_type3A_899 = arith.sitofp %sub3A_893 : vector<16xi32> to vector<16xf32>
      %swap3A_900 = arith.constant 160 : index
      %swap3A_901 = tpu.vector_load %arg12[%swap3A_900] {strides = array<i32>} : memref<288xf32, #tpu.memory_space<vmem>>, vector<16xf32>,
      %swap3A_902 = vector.shape_cast %swap3A_901 : vector<16xf32> to vector<16xf32>
      %swap3A_903 = vector.shape_cast %convert_element_type3A_899 : vector<16xf32> to vector<16xf32>
      tpu.vector_store %arg12[%swap3A_900], %swap3A_903 {strides = array<i32>} : memref<288xf32, #tpu.memory_space<vmem>>, vector<16xf32>,
      %swap3A_904 = arith.constant 256 : index
      %swap3A_905 = tpu.vector_load %arg12[%swap3A_904] {strides = array<i32>} : memref<288xf32, #tpu.memory_space<vmem>>, vector<16xf32>,
      %swap3A_906 = vector.shape_cast %swap3A_905 : vector<16xf32> to vector<16xf32>
      %swap3A_907 = vector.shape_cast %select_n3A_879 : vector<16xf32> to vector<16xf32>
      tpu.vector_store %arg12[%swap3A_904], %swap3A_907 {strides = array<i32>} : memref<288xf32, #tpu.memory_space<vmem>>, vector<16xf32>,
      %get3A_908 = arith.constant 80 : index
      %get3A_909 = tpu.vector_load %arg10[%get3A_908] {strides = array<i32>} : memref<1536xf32, #tpu.memory_space<vmem>>, vector<16xf32>,
      %get3A_910 = vector.shape_cast %get3A_909 : vector<16xf32> to vector<16xf32>
      %get3A_911 = arith.constant 80 : index
      %get3A_912 = tpu.vector_load %arg11[%get3A_911] {strides = array<i32>} : memref<1536xi32, #tpu.memory_space<vmem>>, vector<16xi32>,
      %get3A_913 = vector.shape_cast %get3A_912 : vector<16xi32> to vector<16xi32>
      %get3A_914 = arith.constant 176 : index
      %get3A_915 = tpu.vector_load %arg10[%get3A_914] {strides = array<i32>} : memref<1536xf32, #tpu.memory_space<vmem>>, vector<16xf32>,
      %get3A_916 = vector.shape_cast %get3A_915 : vector<16xf32> to vector<16xf32>
      %get3A_917 = arith.constant 176 : index
      %get3A_918 = tpu.vector_load %arg11[%get3A_917] {strides = array<i32>} : memref<1536xi32, #tpu.memory_space<vmem>>, vector<16xi32>,
      %get3A_919 = vector.shape_cast %get3A_918 : vector<16xi32> to vector<16xi32>
      %gt3A_920 = arith.cmpf ogt, %get3A_916, %get3A_910 : vector<16xf32>
      %select_n3A_921 = arith.select %gt3A_920, %get3A_916, %get3A_910 : vector<16xi1>, vector<16xf32>
      %select_n3A_922 = arith.select %gt3A_920, %get3A_919, %get3A_913 : vector<16xi1>, vector<16xi32>
      %get3A_923 = arith.constant 272 : index
      %get3A_924 = tpu.vector_load %arg10[%get3A_923] {strides = array<i32>} : memref<1536xf32, #tpu.memory_space<vmem>>, vector<16xf32>,
      %get3A_925 = vector.shape_cast %get3A_924 : vector<16xf32> to vector<16xf32>
      %get3A_926 = arith.constant 272 : index
      %get3A_927 = tpu.vector_load %arg11[%get3A_926] {strides = array<i32>} : memref<1536xi32, #tpu.memory_space<vmem>>, vector<16xi32>,
      %get3A_928 = vector.shape_cast %get3A_927 : vector<16xi32> to vector<16xi32>
      %gt3A_929 = arith.cmpf ogt, %get3A_925, %select_n3A_921 : vector<16xf32>
      %select_n3A_930 = arith.select %gt3A_929, %get3A_925, %select_n3A_921 : vector<16xi1>, vector<16xf32>
      %select_n3A_931 = arith.select %gt3A_929, %get3A_928, %select_n3A_922 : vector<16xi1>, vector<16xi32>
      %get3A_932 = arith.constant 368 : index
      %get3A_933 = tpu.vector_load %arg10[%get3A_932] {strides = array<i32>} : memref<1536xf32, #tpu.memory_space<vmem>>, vector<16xf32>,
      %get3A_934 = vector.shape_cast %get3A_933 : vector<16xf32> to vector<16xf32>
      %get3A_935 = arith.constant 368 : index
      %get3A_936 = tpu.vector_load %arg11[%get3A_935] {strides = array<i32>} : memref<1536xi32, #tpu.memory_space<vmem>>, vector<16xi32>,
      %get3A_937 = vector.shape_cast %get3A_936 : vector<16xi32> to vector<16xi32>
      %gt3A_938 = arith.cmpf ogt, %get3A_934, %select_n3A_930 : vector<16xf32>
      %select_n3A_939 = arith.select %gt3A_938, %get3A_934, %select_n3A_930 : vector<16xi1>, vector<16xf32>
      %select_n3A_940 = arith.select %gt3A_938, %get3A_937, %select_n3A_931 : vector<16xi1>, vector<16xi32>
      %get3A_941 = arith.constant 464 : index
      %get3A_942 = tpu.vector_load %arg10[%get3A_941] {strides = array<i32>} : memref<1536xf32, #tpu.memory_space<vmem>>, vector<16xf32>,
      %get3A_943 = vector.shape_cast %get3A_942 : vector<16xf32> to vector<16xf32>
      %get3A_944 = arith.constant 464 : index
      %get3A_945 = tpu.vector_load %arg11[%get3A_944] {strides = array<i32>} : memref<1536xi32, #tpu.memory_space<vmem>>, vector<16xi32>,
      %get3A_946 = vector.shape_cast %get3A_945 : vector<16xi32> to vector<16xi32>
      %gt3A_947 = arith.cmpf ogt, %get3A_943, %select_n3A_939 : vector<16xf32>
      %select_n3A_948 = arith.select %gt3A_947, %get3A_943, %select_n3A_939 : vector<16xi1>, vector<16xf32>
      %select_n3A_949 = arith.select %gt3A_947, %get3A_946, %select_n3A_940 : vector<16xi1>, vector<16xi32>
      %get3A_950 = arith.constant 560 : index
      %get3A_951 = tpu.vector_load %arg10[%get3A_950] {strides = array<i32>} : memref<1536xf32, #tpu.memory_space<vmem>>, vector<16xf32>,
      %get3A_952 = vector.shape_cast %get3A_951 : vector<16xf32> to vector<16xf32>
      %get3A_953 = arith.constant 560 : index
      %get3A_954 = tpu.vector_load %arg11[%get3A_953] {strides = array<i32>} : memref<1536xi32, #tpu.memory_space<vmem>>, vector<16xi32>,
      %get3A_955 = vector.shape_cast %get3A_954 : vector<16xi32> to vector<16xi32>
      %gt3A_956 = arith.cmpf ogt, %get3A_952, %select_n3A_948 : vector<16xf32>
      %select_n3A_957 = arith.select %gt3A_956, %get3A_952, %select_n3A_948 : vector<16xi1>, vector<16xf32>
      %select_n3A_958 = arith.select %gt3A_956, %get3A_955, %select_n3A_949 : vector<16xi1>, vector<16xi32>
      %get3A_959 = arith.constant 656 : index
      %get3A_960 = tpu.vector_load %arg10[%get3A_959] {strides = array<i32>} : memref<1536xf32, #tpu.memory_space<vmem>>, vector<16xf32>,
      %get3A_961 = vector.shape_cast %get3A_960 : vector<16xf32> to vector<16xf32>
      %get3A_962 = arith.constant 656 : index
      %get3A_963 = tpu.vector_load %arg11[%get3A_962] {strides = array<i32>} : memref<1536xi32, #tpu.memory_space<vmem>>, vector<16xi32>,
      %get3A_964 = vector.shape_cast %get3A_963 : vector<16xi32> to vector<16xi32>
      %gt3A_965 = arith.cmpf ogt, %get3A_961, %select_n3A_957 : vector<16xf32>
      %select_n3A_966 = arith.select %gt3A_965, %get3A_961, %select_n3A_957 : vector<16xi1>, vector<16xf32>
      %select_n3A_967 = arith.select %gt3A_965, %get3A_964, %select_n3A_958 : vector<16xi1>, vector<16xi32>
      %get3A_968 = arith.constant 752 : index
      %get3A_969 = tpu.vector_load %arg10[%get3A_968] {strides = array<i32>} : memref<1536xf32, #tpu.memory_space<vmem>>, vector<16xf32>,
      %get3A_970 = vector.shape_cast %get3A_969 : vector<16xf32> to vector<16xf32>
      %get3A_971 = arith.constant 752 : index
      %get3A_972 = tpu.vector_load %arg11[%get3A_971] {strides = array<i32>} : memref<1536xi32, #tpu.memory_space<vmem>>, vector<16xi32>,
      %get3A_973 = vector.shape_cast %get3A_972 : vector<16xi32> to vector<16xi32>
      %gt3A_974 = arith.cmpf ogt, %get3A_970, %select_n3A_966 : vector<16xf32>
      %select_n3A_975 = arith.select %gt3A_974, %get3A_970, %select_n3A_966 : vector<16xi1>, vector<16xf32>
      %select_n3A_976 = arith.select %gt3A_974, %get3A_973, %select_n3A_967 : vector<16xi1>, vector<16xi32>
      %get3A_977 = arith.constant 848 : index
      %get3A_978 = tpu.vector_load %arg10[%get3A_977] {strides = array<i32>} : memref<1536xf32, #tpu.memory_space<vmem>>, vector<16xf32>,
      %get3A_979 = vector.shape_cast %get3A_978 : vector<16xf32> to vector<16xf32>
      %get3A_980 = arith.constant 848 : index
      %get3A_981 = tpu.vector_load %arg11[%get3A_980] {strides = array<i32>} : memref<1536xi32, #tpu.memory_space<vmem>>, vector<16xi32>,
      %get3A_982 = vector.shape_cast %get3A_981 : vector<16xi32> to vector<16xi32>
      %gt3A_983 = arith.cmpf ogt, %get3A_979, %select_n3A_975 : vector<16xf32>
      %select_n3A_984 = arith.select %gt3A_983, %get3A_979, %select_n3A_975 : vector<16xi1>, vector<16xf32>
      %select_n3A_985 = arith.select %gt3A_983, %get3A_982, %select_n3A_976 : vector<16xi1>, vector<16xi32>
      %get3A_986 = arith.constant 944 : index
      %get3A_987 = tpu.vector_load %arg10[%get3A_986] {strides = array<i32>} : memref<1536xf32, #tpu.memory_space<vmem>>, vector<16xf32>,
      %get3A_988 = vector.shape_cast %get3A_987 : vector<16xf32> to vector<16xf32>
      %get3A_989 = arith.constant 944 : index
      %get3A_990 = tpu.vector_load %arg11[%get3A_989] {strides = array<i32>} : memref<1536xi32, #tpu.memory_space<vmem>>, vector<16xi32>,
      %get3A_991 = vector.shape_cast %get3A_990 : vector<16xi32> to vector<16xi32>
      %gt3A_992 = arith.cmpf ogt, %get3A_988, %select_n3A_984 : vector<16xf32>
      %select_n3A_993 = arith.select %gt3A_992, %get3A_988, %select_n3A_984 : vector<16xi1>, vector<16xf32>
      %select_n3A_994 = arith.select %gt3A_992, %get3A_991, %select_n3A_985 : vector<16xi1>, vector<16xi32>
      %get3A_995 = arith.constant 1040 : index
      %get3A_996 = tpu.vector_load %arg10[%get3A_995] {strides = array<i32>} : memref<1536xf32, #tpu.memory_space<vmem>>, vector<16xf32>,
      %get3A_997 = vector.shape_cast %get3A_996 : vector<16xf32> to vector<16xf32>
      %get3A_998 = arith.constant 1040 : index
      %get3A_999 = tpu.vector_load %arg11[%get3A_998] {strides = array<i32>} : memref<1536xi32, #tpu.memory_space<vmem>>, vector<16xi32>,
      %get3A_1000 = vector.shape_cast %get3A_999 : vector<16xi32> to vector<16xi32>
      %gt3A_1001 = arith.cmpf ogt, %get3A_997, %select_n3A_993 : vector<16xf32>
      %select_n3A_1002 = arith.select %gt3A_1001, %get3A_997, %select_n3A_993 : vector<16xi1>, vector<16xf32>
      %select_n3A_1003 = arith.select %gt3A_1001, %get3A_1000, %select_n3A_994 : vector<16xi1>, vector<16xi32>
      %get3A_1004 = arith.constant 1136 : index
      %get3A_1005 = tpu.vector_load %arg10[%get3A_1004] {strides = array<i32>} : memref<1536xf32, #tpu.memory_space<vmem>>, vector<16xf32>,
      %get3A_1006 = vector.shape_cast %get3A_1005 : vector<16xf32> to vector<16xf32>
      %get3A_1007 = arith.constant 1136 : index
      %get3A_1008 = tpu.vector_load %arg11[%get3A_1007] {strides = array<i32>} : memref<1536xi32, #tpu.memory_space<vmem>>, vector<16xi32>,
      %get3A_1009 = vector.shape_cast %get3A_1008 : vector<16xi32> to vector<16xi32>
      %gt3A_1010 = arith.cmpf ogt, %get3A_1006, %select_n3A_1002 : vector<16xf32>
      %select_n3A_1011 = arith.select %gt3A_1010, %get3A_1006, %select_n3A_1002 : vector<16xi1>, vector<16xf32>
      %select_n3A_1012 = arith.select %gt3A_1010, %get3A_1009, %select_n3A_1003 : vector<16xi1>, vector<16xi32>
      %get3A_1013 = arith.constant 1232 : index
      %get3A_1014 = tpu.vector_load %arg10[%get3A_1013] {strides = array<i32>} : memref<1536xf32, #tpu.memory_space<vmem>>, vector<16xf32>,
      %get3A_1015 = vector.shape_cast %get3A_1014 : vector<16xf32> to vector<16xf32>
      %get3A_1016 = arith.constant 1232 : index
      %get3A_1017 = tpu.vector_load %arg11[%get3A_1016] {strides = array<i32>} : memref<1536xi32, #tpu.memory_space<vmem>>, vector<16xi32>,
      %get3A_1018 = vector.shape_cast %get3A_1017 : vector<16xi32> to vector<16xi32>
      %gt3A_1019 = arith.cmpf ogt, %get3A_1015, %select_n3A_1011 : vector<16xf32>
      %select_n3A_1020 = arith.select %gt3A_1019, %get3A_1015, %select_n3A_1011 : vector<16xi1>, vector<16xf32>
      %select_n3A_1021 = arith.select %gt3A_1019, %get3A_1018, %select_n3A_1012 : vector<16xi1>, vector<16xi32>
      %get3A_1022 = arith.constant 1328 : index
      %get3A_1023 = tpu.vector_load %arg10[%get3A_1022] {strides = array<i32>} : memref<1536xf32, #tpu.memory_space<vmem>>, vector<16xf32>,
      %get3A_1024 = vector.shape_cast %get3A_1023 : vector<16xf32> to vector<16xf32>
      %get3A_1025 = arith.constant 1328 : index
      %get3A_1026 = tpu.vector_load %arg11[%get3A_1025] {strides = array<i32>} : memref<1536xi32, #tpu.memory_space<vmem>>, vector<16xi32>,
      %get3A_1027 = vector.shape_cast %get3A_1026 : vector<16xi32> to vector<16xi32>
      %gt3A_1028 = arith.cmpf ogt, %get3A_1024, %select_n3A_1020 : vector<16xf32>
      %select_n3A_1029 = arith.select %gt3A_1028, %get3A_1024, %select_n3A_1020 : vector<16xi1>, vector<16xf32>
      %select_n3A_1030 = arith.select %gt3A_1028, %get3A_1027, %select_n3A_1021 : vector<16xi1>, vector<16xi32>
      %get3A_1031 = arith.constant 1424 : index
      %get3A_1032 = tpu.vector_load %arg10[%get3A_1031] {strides = array<i32>} : memref<1536xf32, #tpu.memory_space<vmem>>, vector<16xf32>,
      %get3A_1033 = vector.shape_cast %get3A_1032 : vector<16xf32> to vector<16xf32>
      %get3A_1034 = arith.constant 1424 : index
      %get3A_1035 = tpu.vector_load %arg11[%get3A_1034] {strides = array<i32>} : memref<1536xi32, #tpu.memory_space<vmem>>, vector<16xi32>,
      %get3A_1036 = vector.shape_cast %get3A_1035 : vector<16xi32> to vector<16xi32>
      %gt3A_1037 = arith.cmpf ogt, %get3A_1033, %select_n3A_1029 : vector<16xf32>
      %select_n3A_1038 = arith.select %gt3A_1037, %get3A_1033, %select_n3A_1029 : vector<16xi1>, vector<16xf32>
      %select_n3A_1039 = arith.select %gt3A_1037, %get3A_1036, %select_n3A_1030 : vector<16xi1>, vector<16xi32>
      %get3A_1040 = arith.constant 1520 : index
      %get3A_1041 = tpu.vector_load %arg10[%get3A_1040] {strides = array<i32>} : memref<1536xf32, #tpu.memory_space<vmem>>, vector<16xf32>,
      %get3A_1042 = vector.shape_cast %get3A_1041 : vector<16xf32> to vector<16xf32>
      %get3A_1043 = arith.constant 1520 : index
      %get3A_1044 = tpu.vector_load %arg11[%get3A_1043] {strides = array<i32>} : memref<1536xi32, #tpu.memory_space<vmem>>, vector<16xi32>,
      %get3A_1045 = vector.shape_cast %get3A_1044 : vector<16xi32> to vector<16xi32>
      %gt3A_1046 = arith.cmpf ogt, %get3A_1042, %select_n3A_1038 : vector<16xf32>
      %select_n3A_1047 = arith.select %gt3A_1046, %get3A_1042, %select_n3A_1038 : vector<16xi1>, vector<16xf32>
      %select_n3A_1048 = arith.select %gt3A_1046, %get3A_1045, %select_n3A_1039 : vector<16xi1>, vector<16xi32>
      %shift_right_logical3A_1049 = arith.constant 7 : i32
      %shift_right_logical3A_1050 = vector.broadcast %shift_right_logical3A_1049 : i32 to vector<16xi32>
      %shift_right_logical3A_1051 = arith.shrui %select_n3A_1048, %shift_right_logical3A_1050 : vector<16xi32>
      %mul3A_1052 = arith.constant 21846 : i32
      %mul3A_1053 = vector.broadcast %mul3A_1052 : i32 to vector<16xi32>
      %mul3A_1054 = arith.muli %shift_right_logical3A_1051, %mul3A_1053 : vector<16xi32>
      %shift_right_logical3A_1055 = arith.constant 16 : i32
      %shift_right_logical3A_1056 = vector.broadcast %shift_right_logical3A_1055 : i32 to vector<16xi32>
      %shift_right_logical3A_1057 = arith.shrui %mul3A_1054, %shift_right_logical3A_1056 : vector<16xi32>
      %mul3A_1058 = arith.constant 384 : i32
      %mul3A_1059 = vector.broadcast %mul3A_1058 : i32 to vector<16xi32>
      %mul3A_1060 = arith.muli %shift_right_logical3A_1057, %mul3A_1059 : vector<16xi32>
      %sub3A_1061 = arith.subi %select_n3A_1048, %mul3A_1060 : vector<16xi32>
      %convert_element_type3A_1062 = arith.sitofp %shift_right_logical3A_1057 : vector<16xi32> to vector<16xf32>
      %swap3A_1063 = arith.constant 80 : index
      %swap3A_1064 = tpu.vector_load %arg12[%swap3A_1063] {strides = array<i32>} : memref<288xf32, #tpu.memory_space<vmem>>, vector<16xf32>,
      %swap3A_1065 = vector.shape_cast %swap3A_1064 : vector<16xf32> to vector<16xf32>
      %swap3A_1066 = vector.shape_cast %convert_element_type3A_1062 : vector<16xf32> to vector<16xf32>
      tpu.vector_store %arg12[%swap3A_1063], %swap3A_1066 {strides = array<i32>} : memref<288xf32, #tpu.memory_space<vmem>>, vector<16xf32>,
      %convert_element_type3A_1067 = arith.sitofp %sub3A_1061 : vector<16xi32> to vector<16xf32>
      %swap3A_1068 = arith.constant 176 : index
      %swap3A_1069 = tpu.vector_load %arg12[%swap3A_1068] {strides = array<i32>} : memref<288xf32, #tpu.memory_space<vmem>>, vector<16xf32>,
      %swap3A_1070 = vector.shape_cast %swap3A_1069 : vector<16xf32> to vector<16xf32>
      %swap3A_1071 = vector.shape_cast %convert_element_type3A_1067 : vector<16xf32> to vector<16xf32>
      tpu.vector_store %arg12[%swap3A_1068], %swap3A_1071 {strides = array<i32>} : memref<288xf32, #tpu.memory_space<vmem>>, vector<16xf32>,
      %swap3A_1072 = arith.constant 272 : index
      %swap3A_1073 = tpu.vector_load %arg12[%swap3A_1072] {strides = array<i32>} : memref<288xf32, #tpu.memory_space<vmem>>, vector<16xf32>,
      %swap3A_1074 = vector.shape_cast %swap3A_1073 : vector<16xf32> to vector<16xf32>
      %swap3A_1075 = vector.shape_cast %select_n3A_1047 : vector<16xf32> to vector<16xf32>
      tpu.vector_store %arg12[%swap3A_1072], %swap3A_1075 {strides = array<i32>} : memref<288xf32, #tpu.memory_space<vmem>>, vector<16xf32>,
      "tpu.region"() ({
        %run_scoped3A = tpu.sem_alloc : memref<!tpu.dma_semaphore, #tpu.memory_space<semaphore_mem>>
        %dma_start3A_1076 = arith.constant 0 : i32
        %dma_start3A_1077 = tpu.memref_slice %arg3[%arg0, %dma_start3A_1076] : memref<2x288xf32, #tpu.memory_space<hbm>> -> memref<1x288xf32, #tpu.memory_space<hbm>>
        %dma_start3A_1078 = tpu.memref_squeeze %dma_start3A_1077 : memref<1x288xf32, #tpu.memory_space<hbm>> -> memref<288xf32, #tpu.memory_space<hbm>>
        %dma_start3A_1079 = arith.constant 0 : i32
        %dma_start3A_1080 = tpu.memref_slice %arg3[%arg0, %dma_start3A_1079] : memref<2x288xf32, #tpu.memory_space<hbm>> -> memref<1x288xf32, #tpu.memory_space<hbm>>
        %dma_start3A_1081 = tpu.memref_squeeze %dma_start3A_1080 : memref<1x288xf32, #tpu.memory_space<hbm>> -> memref<288xf32, #tpu.memory_space<hbm>>
        tpu.enqueue_dma source(%arg12 : memref<288xf32, #tpu.memory_space<vmem>>) target(%dma_start3A_1081 : memref<288xf32, #tpu.memory_space<hbm>>) target_semaphore(%run_scoped3A : memref<!tpu.dma_semaphore, #tpu.memory_space<semaphore_mem>>)
        %dma_wait3A = arith.constant 0 : i32
        %dma_wait3A_1082 = tpu.memref_slice %arg3[%arg0, %dma_wait3A] : memref<2x288xf32, #tpu.memory_space<hbm>> -> memref<1x288xf32, #tpu.memory_space<hbm>>
        %dma_wait3A_1083 = tpu.memref_squeeze %dma_wait3A_1082 : memref<1x288xf32, #tpu.memory_space<hbm>> -> memref<288xf32, #tpu.memory_space<hbm>>
        %dma_wait3A_1084 = arith.constant 0 : i32
        %dma_wait3A_1085 = tpu.memref_slice %arg3[%arg0, %dma_wait3A_1084] : memref<2x288xf32, #tpu.memory_space<hbm>> -> memref<1x288xf32, #tpu.memory_space<hbm>>
        %dma_wait3A_1086 = tpu.memref_squeeze %dma_wait3A_1085 : memref<1x288xf32, #tpu.memory_space<hbm>> -> memref<288xf32, #tpu.memory_space<hbm>>
        tpu.wait_dma2 semaphore(%run_scoped3A : memref<!tpu.dma_semaphore, #tpu.memory_space<semaphore_mem>>) src(%arg12 : memref<288xf32, #tpu.memory_space<vmem>>) dst(%dma_wait3A_1086 : memref<288xf32, #tpu.memory_space<hbm>>)
        tpu.yield
      }) : () -> ()
    } else {
    }
    return
  }
}

module attributes {stable_mosaic.version = 14 : i64} {
  func.func @_tc_body(%arg0: i32, %arg1: i32, %arg2: i32, %arg3: memref<1x128x8x384xf32, #tpu.memory_space<vmem>>, %arg4: memref<1x1x2x8xf32, #tpu.memory_space<vmem>>, %arg5: memref<8x8x384xf32, #tpu.memory_space<vmem>>, %arg6: memref<8x8x384xi32, #tpu.memory_space<vmem>>) attributes {dimension_semantics = [#tpu.dimension_semantics<parallel>, #tpu.dimension_semantics<parallel>, #tpu.dimension_semantics<arbitrary>], iteration_bounds = array<i64: 2, 12, 3>, scalar_prefetch = 0 : i64, scratch_operands = 2 : i64, tpu.core_type = #tpu.core_type<tc>, window_params = [{transform_indices = @transform_0, window_bounds = array<i64: 1, 128, 8, 384>}, {transform_indices = @transform_1, window_bounds = array<i64: 1, 1, 2, 8>}]} {
    %eq3A = arith.constant 0 : i32
    %eq3A_0 = arith.cmpi eq, %arg2, %eq3A : i32
    %convert_element_type3A = arith.extui %eq3A_0 : i1 to i32
    %cond3A = arith.constant 0 : i32
    %cond3A_1 = arith.cmpi ne, %convert_element_type3A, %cond3A : i32
    scf.if %cond3A_1 {
      %broadcast_in_dim3A_239 = arith.constant 0xFF800000 : f32
      %broadcast_in_dim3A_240 = vector.broadcast %broadcast_in_dim3A_239 : f32 to vector<8x8x384xf32>
      %swap3A_241 = arith.constant 0 : index
      %swap3A_242 = arith.constant 0 : index
      %swap3A_243 = arith.constant 0 : index
      %swap3A_244 = vector.load %arg5[%swap3A_241, %swap3A_242, %swap3A_243] : memref<8x8x384xf32, #tpu.memory_space<vmem>>, vector<8x8x384xf32>
      tpu.vector_store %arg5[%swap3A_241, %swap3A_242, %swap3A_243], %broadcast_in_dim3A_240 {strides = array<i32>} : memref<8x8x384xf32, #tpu.memory_space<vmem>>, vector<8x8x384xf32>,
      %broadcast_in_dim3A_245 = arith.constant 0 : i32
      %broadcast_in_dim3A_246 = vector.broadcast %broadcast_in_dim3A_245 : i32 to vector<8x8x384xi32>
      %swap3A_247 = arith.constant 0 : index
      %swap3A_248 = arith.constant 0 : index
      %swap3A_249 = arith.constant 0 : index
      %swap3A_250 = vector.load %arg6[%swap3A_247, %swap3A_248, %swap3A_249] : memref<8x8x384xi32, #tpu.memory_space<vmem>>, vector<8x8x384xi32>
      tpu.vector_store %arg6[%swap3A_247, %swap3A_248, %swap3A_249], %broadcast_in_dim3A_246 {strides = array<i32>} : memref<8x8x384xi32, #tpu.memory_space<vmem>>, vector<8x8x384xi32>,
    } else {
    }
    %get3A = arith.constant 0 : index
    %get3A_2 = arith.constant 0 : index
    %get3A_3 = arith.constant 0 : index
    %get3A_4 = vector.load %arg5[%get3A, %get3A_2, %get3A_3] : memref<8x8x384xf32, #tpu.memory_space<vmem>>, vector<8x8x384xf32>
    %get3A_5 = arith.constant 0 : index
    %get3A_6 = arith.constant 0 : index
    %get3A_7 = arith.constant 0 : index
    %get3A_8 = vector.load %arg6[%get3A_5, %get3A_6, %get3A_7] : memref<8x8x384xi32, #tpu.memory_space<vmem>>, vector<8x8x384xi32>
    %mul3A = arith.constant 16 : i32
    %mul3A_9 = arith.muli %arg2, %mul3A : i32
    %add3A = arith.constant 0 : i32
    %add3A_10 = arith.addi %mul3A_9, %add3A : i32
    %get3A_11 = arith.constant 0 : index
    %get3A_12 = arith.constant 0 : index
    %get3A_13 = arith.constant 0 : index
    %get3A_14 = arith.constant 0 : index
    %get3A_15 = vector.load %arg3[%get3A_11, %get3A_12, %get3A_13, %get3A_14] : memref<1x128x8x384xf32, #tpu.memory_space<vmem>>, vector<1x8x8x384xf32>
    %get3A_16 = vector.shape_cast %get3A_15 : vector<1x8x8x384xf32> to vector<8x8x384xf32>
    %gt3A = arith.cmpf ogt, %get3A_16, %get3A_4 : vector<8x8x384xf32>
    %max3A = arith.maximumf %get3A_16, %get3A_4 : vector<8x8x384xf32>
    %broadcast_in_dim3A = vector.broadcast %add3A_10 : i32 to vector<8x8x384xi32>
    %select_n3A = arith.select %gt3A, %broadcast_in_dim3A, %get3A_8 : vector<8x8x384xi1>, vector<8x8x384xi32>
    %mul3A_17 = arith.constant 16 : i32
    %mul3A_18 = arith.muli %arg2, %mul3A_17 : i32
    %add3A_19 = arith.constant 1 : i32
    %add3A_20 = arith.addi %mul3A_18, %add3A_19 : i32
    %get3A_21 = arith.constant 0 : index
    %get3A_22 = arith.constant 8 : index
    %get3A_23 = arith.constant 0 : index
    %get3A_24 = arith.constant 0 : index
    %get3A_25 = vector.load %arg3[%get3A_21, %get3A_22, %get3A_23, %get3A_24] : memref<1x128x8x384xf32, #tpu.memory_space<vmem>>, vector<1x8x8x384xf32>
    %get3A_26 = vector.shape_cast %get3A_25 : vector<1x8x8x384xf32> to vector<8x8x384xf32>
    %gt3A_27 = arith.cmpf ogt, %get3A_26, %max3A : vector<8x8x384xf32>
    %max3A_28 = arith.maximumf %get3A_26, %max3A : vector<8x8x384xf32>
    %broadcast_in_dim3A_29 = vector.broadcast %add3A_20 : i32 to vector<8x8x384xi32>
    %select_n3A_30 = arith.select %gt3A_27, %broadcast_in_dim3A_29, %select_n3A : vector<8x8x384xi1>, vector<8x8x384xi32>
    %mul3A_31 = arith.constant 16 : i32
    %mul3A_32 = arith.muli %arg2, %mul3A_31 : i32
    %add3A_33 = arith.constant 2 : i32
    %add3A_34 = arith.addi %mul3A_32, %add3A_33 : i32
    %get3A_35 = arith.constant 0 : index
    %get3A_36 = arith.constant 16 : index
    %get3A_37 = arith.constant 0 : index
    %get3A_38 = arith.constant 0 : index
    %get3A_39 = vector.load %arg3[%get3A_35, %get3A_36, %get3A_37, %get3A_38] : memref<1x128x8x384xf32, #tpu.memory_space<vmem>>, vector<1x8x8x384xf32>
    %get3A_40 = vector.shape_cast %get3A_39 : vector<1x8x8x384xf32> to vector<8x8x384xf32>
    %gt3A_41 = arith.cmpf ogt, %get3A_40, %max3A_28 : vector<8x8x384xf32>
    %max3A_42 = arith.maximumf %get3A_40, %max3A_28 : vector<8x8x384xf32>
    %broadcast_in_dim3A_43 = vector.broadcast %add3A_34 : i32 to vector<8x8x384xi32>
    %select_n3A_44 = arith.select %gt3A_41, %broadcast_in_dim3A_43, %select_n3A_30 : vector<8x8x384xi1>, vector<8x8x384xi32>
    %mul3A_45 = arith.constant 16 : i32
    %mul3A_46 = arith.muli %arg2, %mul3A_45 : i32
    %add3A_47 = arith.constant 3 : i32
    %add3A_48 = arith.addi %mul3A_46, %add3A_47 : i32
    %get3A_49 = arith.constant 0 : index
    %get3A_50 = arith.constant 24 : index
    %get3A_51 = arith.constant 0 : index
    %get3A_52 = arith.constant 0 : index
    %get3A_53 = vector.load %arg3[%get3A_49, %get3A_50, %get3A_51, %get3A_52] : memref<1x128x8x384xf32, #tpu.memory_space<vmem>>, vector<1x8x8x384xf32>
    %get3A_54 = vector.shape_cast %get3A_53 : vector<1x8x8x384xf32> to vector<8x8x384xf32>
    %gt3A_55 = arith.cmpf ogt, %get3A_54, %max3A_42 : vector<8x8x384xf32>
    %max3A_56 = arith.maximumf %get3A_54, %max3A_42 : vector<8x8x384xf32>
    %broadcast_in_dim3A_57 = vector.broadcast %add3A_48 : i32 to vector<8x8x384xi32>
    %select_n3A_58 = arith.select %gt3A_55, %broadcast_in_dim3A_57, %select_n3A_44 : vector<8x8x384xi1>, vector<8x8x384xi32>
    %mul3A_59 = arith.constant 16 : i32
    %mul3A_60 = arith.muli %arg2, %mul3A_59 : i32
    %add3A_61 = arith.constant 4 : i32
    %add3A_62 = arith.addi %mul3A_60, %add3A_61 : i32
    %get3A_63 = arith.constant 0 : index
    %get3A_64 = arith.constant 32 : index
    %get3A_65 = arith.constant 0 : index
    %get3A_66 = arith.constant 0 : index
    %get3A_67 = vector.load %arg3[%get3A_63, %get3A_64, %get3A_65, %get3A_66] : memref<1x128x8x384xf32, #tpu.memory_space<vmem>>, vector<1x8x8x384xf32>
    %get3A_68 = vector.shape_cast %get3A_67 : vector<1x8x8x384xf32> to vector<8x8x384xf32>
    %gt3A_69 = arith.cmpf ogt, %get3A_68, %max3A_56 : vector<8x8x384xf32>
    %max3A_70 = arith.maximumf %get3A_68, %max3A_56 : vector<8x8x384xf32>
    %broadcast_in_dim3A_71 = vector.broadcast %add3A_62 : i32 to vector<8x8x384xi32>
    %select_n3A_72 = arith.select %gt3A_69, %broadcast_in_dim3A_71, %select_n3A_58 : vector<8x8x384xi1>, vector<8x8x384xi32>
    %mul3A_73 = arith.constant 16 : i32
    %mul3A_74 = arith.muli %arg2, %mul3A_73 : i32
    %add3A_75 = arith.constant 5 : i32
    %add3A_76 = arith.addi %mul3A_74, %add3A_75 : i32
    %get3A_77 = arith.constant 0 : index
    %get3A_78 = arith.constant 40 : index
    %get3A_79 = arith.constant 0 : index
    %get3A_80 = arith.constant 0 : index
    %get3A_81 = vector.load %arg3[%get3A_77, %get3A_78, %get3A_79, %get3A_80] : memref<1x128x8x384xf32, #tpu.memory_space<vmem>>, vector<1x8x8x384xf32>
    %get3A_82 = vector.shape_cast %get3A_81 : vector<1x8x8x384xf32> to vector<8x8x384xf32>
    %gt3A_83 = arith.cmpf ogt, %get3A_82, %max3A_70 : vector<8x8x384xf32>
    %max3A_84 = arith.maximumf %get3A_82, %max3A_70 : vector<8x8x384xf32>
    %broadcast_in_dim3A_85 = vector.broadcast %add3A_76 : i32 to vector<8x8x384xi32>
    %select_n3A_86 = arith.select %gt3A_83, %broadcast_in_dim3A_85, %select_n3A_72 : vector<8x8x384xi1>, vector<8x8x384xi32>
    %mul3A_87 = arith.constant 16 : i32
    %mul3A_88 = arith.muli %arg2, %mul3A_87 : i32
    %add3A_89 = arith.constant 6 : i32
    %add3A_90 = arith.addi %mul3A_88, %add3A_89 : i32
    %get3A_91 = arith.constant 0 : index
    %get3A_92 = arith.constant 48 : index
    %get3A_93 = arith.constant 0 : index
    %get3A_94 = arith.constant 0 : index
    %get3A_95 = vector.load %arg3[%get3A_91, %get3A_92, %get3A_93, %get3A_94] : memref<1x128x8x384xf32, #tpu.memory_space<vmem>>, vector<1x8x8x384xf32>
    %get3A_96 = vector.shape_cast %get3A_95 : vector<1x8x8x384xf32> to vector<8x8x384xf32>
    %gt3A_97 = arith.cmpf ogt, %get3A_96, %max3A_84 : vector<8x8x384xf32>
    %max3A_98 = arith.maximumf %get3A_96, %max3A_84 : vector<8x8x384xf32>
    %broadcast_in_dim3A_99 = vector.broadcast %add3A_90 : i32 to vector<8x8x384xi32>
    %select_n3A_100 = arith.select %gt3A_97, %broadcast_in_dim3A_99, %select_n3A_86 : vector<8x8x384xi1>, vector<8x8x384xi32>
    %mul3A_101 = arith.constant 16 : i32
    %mul3A_102 = arith.muli %arg2, %mul3A_101 : i32
    %add3A_103 = arith.constant 7 : i32
    %add3A_104 = arith.addi %mul3A_102, %add3A_103 : i32
    %get3A_105 = arith.constant 0 : index
    %get3A_106 = arith.constant 56 : index
    %get3A_107 = arith.constant 0 : index
    %get3A_108 = arith.constant 0 : index
    %get3A_109 = vector.load %arg3[%get3A_105, %get3A_106, %get3A_107, %get3A_108] : memref<1x128x8x384xf32, #tpu.memory_space<vmem>>, vector<1x8x8x384xf32>
    %get3A_110 = vector.shape_cast %get3A_109 : vector<1x8x8x384xf32> to vector<8x8x384xf32>
    %gt3A_111 = arith.cmpf ogt, %get3A_110, %max3A_98 : vector<8x8x384xf32>
    %max3A_112 = arith.maximumf %get3A_110, %max3A_98 : vector<8x8x384xf32>
    %broadcast_in_dim3A_113 = vector.broadcast %add3A_104 : i32 to vector<8x8x384xi32>
    %select_n3A_114 = arith.select %gt3A_111, %broadcast_in_dim3A_113, %select_n3A_100 : vector<8x8x384xi1>, vector<8x8x384xi32>
    %mul3A_115 = arith.constant 16 : i32
    %mul3A_116 = arith.muli %arg2, %mul3A_115 : i32
    %add3A_117 = arith.constant 8 : i32
    %add3A_118 = arith.addi %mul3A_116, %add3A_117 : i32
    %get3A_119 = arith.constant 0 : index
    %get3A_120 = arith.constant 64 : index
    %get3A_121 = arith.constant 0 : index
    %get3A_122 = arith.constant 0 : index
    %get3A_123 = vector.load %arg3[%get3A_119, %get3A_120, %get3A_121, %get3A_122] : memref<1x128x8x384xf32, #tpu.memory_space<vmem>>, vector<1x8x8x384xf32>
    %get3A_124 = vector.shape_cast %get3A_123 : vector<1x8x8x384xf32> to vector<8x8x384xf32>
    %gt3A_125 = arith.cmpf ogt, %get3A_124, %max3A_112 : vector<8x8x384xf32>
    %max3A_126 = arith.maximumf %get3A_124, %max3A_112 : vector<8x8x384xf32>
    %broadcast_in_dim3A_127 = vector.broadcast %add3A_118 : i32 to vector<8x8x384xi32>
    %select_n3A_128 = arith.select %gt3A_125, %broadcast_in_dim3A_127, %select_n3A_114 : vector<8x8x384xi1>, vector<8x8x384xi32>
    %mul3A_129 = arith.constant 16 : i32
    %mul3A_130 = arith.muli %arg2, %mul3A_129 : i32
    %add3A_131 = arith.constant 9 : i32
    %add3A_132 = arith.addi %mul3A_130, %add3A_131 : i32
    %get3A_133 = arith.constant 0 : index
    %get3A_134 = arith.constant 72 : index
    %get3A_135 = arith.constant 0 : index
    %get3A_136 = arith.constant 0 : index
    %get3A_137 = vector.load %arg3[%get3A_133, %get3A_134, %get3A_135, %get3A_136] : memref<1x128x8x384xf32, #tpu.memory_space<vmem>>, vector<1x8x8x384xf32>
    %get3A_138 = vector.shape_cast %get3A_137 : vector<1x8x8x384xf32> to vector<8x8x384xf32>
    %gt3A_139 = arith.cmpf ogt, %get3A_138, %max3A_126 : vector<8x8x384xf32>
    %max3A_140 = arith.maximumf %get3A_138, %max3A_126 : vector<8x8x384xf32>
    %broadcast_in_dim3A_141 = vector.broadcast %add3A_132 : i32 to vector<8x8x384xi32>
    %select_n3A_142 = arith.select %gt3A_139, %broadcast_in_dim3A_141, %select_n3A_128 : vector<8x8x384xi1>, vector<8x8x384xi32>
    %mul3A_143 = arith.constant 16 : i32
    %mul3A_144 = arith.muli %arg2, %mul3A_143 : i32
    %add3A_145 = arith.constant 10 : i32
    %add3A_146 = arith.addi %mul3A_144, %add3A_145 : i32
    %get3A_147 = arith.constant 0 : index
    %get3A_148 = arith.constant 80 : index
    %get3A_149 = arith.constant 0 : index
    %get3A_150 = arith.constant 0 : index
    %get3A_151 = vector.load %arg3[%get3A_147, %get3A_148, %get3A_149, %get3A_150] : memref<1x128x8x384xf32, #tpu.memory_space<vmem>>, vector<1x8x8x384xf32>
    %get3A_152 = vector.shape_cast %get3A_151 : vector<1x8x8x384xf32> to vector<8x8x384xf32>
    %gt3A_153 = arith.cmpf ogt, %get3A_152, %max3A_140 : vector<8x8x384xf32>
    %max3A_154 = arith.maximumf %get3A_152, %max3A_140 : vector<8x8x384xf32>
    %broadcast_in_dim3A_155 = vector.broadcast %add3A_146 : i32 to vector<8x8x384xi32>
    %select_n3A_156 = arith.select %gt3A_153, %broadcast_in_dim3A_155, %select_n3A_142 : vector<8x8x384xi1>, vector<8x8x384xi32>
    %mul3A_157 = arith.constant 16 : i32
    %mul3A_158 = arith.muli %arg2, %mul3A_157 : i32
    %add3A_159 = arith.constant 11 : i32
    %add3A_160 = arith.addi %mul3A_158, %add3A_159 : i32
    %get3A_161 = arith.constant 0 : index
    %get3A_162 = arith.constant 88 : index
    %get3A_163 = arith.constant 0 : index
    %get3A_164 = arith.constant 0 : index
    %get3A_165 = vector.load %arg3[%get3A_161, %get3A_162, %get3A_163, %get3A_164] : memref<1x128x8x384xf32, #tpu.memory_space<vmem>>, vector<1x8x8x384xf32>
    %get3A_166 = vector.shape_cast %get3A_165 : vector<1x8x8x384xf32> to vector<8x8x384xf32>
    %gt3A_167 = arith.cmpf ogt, %get3A_166, %max3A_154 : vector<8x8x384xf32>
    %max3A_168 = arith.maximumf %get3A_166, %max3A_154 : vector<8x8x384xf32>
    %broadcast_in_dim3A_169 = vector.broadcast %add3A_160 : i32 to vector<8x8x384xi32>
    %select_n3A_170 = arith.select %gt3A_167, %broadcast_in_dim3A_169, %select_n3A_156 : vector<8x8x384xi1>, vector<8x8x384xi32>
    %mul3A_171 = arith.constant 16 : i32
    %mul3A_172 = arith.muli %arg2, %mul3A_171 : i32
    %add3A_173 = arith.constant 12 : i32
    %add3A_174 = arith.addi %mul3A_172, %add3A_173 : i32
    %get3A_175 = arith.constant 0 : index
    %get3A_176 = arith.constant 96 : index
    %get3A_177 = arith.constant 0 : index
    %get3A_178 = arith.constant 0 : index
    %get3A_179 = vector.load %arg3[%get3A_175, %get3A_176, %get3A_177, %get3A_178] : memref<1x128x8x384xf32, #tpu.memory_space<vmem>>, vector<1x8x8x384xf32>
    %get3A_180 = vector.shape_cast %get3A_179 : vector<1x8x8x384xf32> to vector<8x8x384xf32>
    %gt3A_181 = arith.cmpf ogt, %get3A_180, %max3A_168 : vector<8x8x384xf32>
    %max3A_182 = arith.maximumf %get3A_180, %max3A_168 : vector<8x8x384xf32>
    %broadcast_in_dim3A_183 = vector.broadcast %add3A_174 : i32 to vector<8x8x384xi32>
    %select_n3A_184 = arith.select %gt3A_181, %broadcast_in_dim3A_183, %select_n3A_170 : vector<8x8x384xi1>, vector<8x8x384xi32>
    %mul3A_185 = arith.constant 16 : i32
    %mul3A_186 = arith.muli %arg2, %mul3A_185 : i32
    %add3A_187 = arith.constant 13 : i32
    %add3A_188 = arith.addi %mul3A_186, %add3A_187 : i32
    %get3A_189 = arith.constant 0 : index
    %get3A_190 = arith.constant 104 : index
    %get3A_191 = arith.constant 0 : index
    %get3A_192 = arith.constant 0 : index
    %get3A_193 = vector.load %arg3[%get3A_189, %get3A_190, %get3A_191, %get3A_192] : memref<1x128x8x384xf32, #tpu.memory_space<vmem>>, vector<1x8x8x384xf32>
    %get3A_194 = vector.shape_cast %get3A_193 : vector<1x8x8x384xf32> to vector<8x8x384xf32>
    %gt3A_195 = arith.cmpf ogt, %get3A_194, %max3A_182 : vector<8x8x384xf32>
    %max3A_196 = arith.maximumf %get3A_194, %max3A_182 : vector<8x8x384xf32>
    %broadcast_in_dim3A_197 = vector.broadcast %add3A_188 : i32 to vector<8x8x384xi32>
    %select_n3A_198 = arith.select %gt3A_195, %broadcast_in_dim3A_197, %select_n3A_184 : vector<8x8x384xi1>, vector<8x8x384xi32>
    %mul3A_199 = arith.constant 16 : i32
    %mul3A_200 = arith.muli %arg2, %mul3A_199 : i32
    %add3A_201 = arith.constant 14 : i32
    %add3A_202 = arith.addi %mul3A_200, %add3A_201 : i32
    %get3A_203 = arith.constant 0 : index
    %get3A_204 = arith.constant 112 : index
    %get3A_205 = arith.constant 0 : index
    %get3A_206 = arith.constant 0 : index
    %get3A_207 = vector.load %arg3[%get3A_203, %get3A_204, %get3A_205, %get3A_206] : memref<1x128x8x384xf32, #tpu.memory_space<vmem>>, vector<1x8x8x384xf32>
    %get3A_208 = vector.shape_cast %get3A_207 : vector<1x8x8x384xf32> to vector<8x8x384xf32>
    %gt3A_209 = arith.cmpf ogt, %get3A_208, %max3A_196 : vector<8x8x384xf32>
    %max3A_210 = arith.maximumf %get3A_208, %max3A_196 : vector<8x8x384xf32>
    %broadcast_in_dim3A_211 = vector.broadcast %add3A_202 : i32 to vector<8x8x384xi32>
    %select_n3A_212 = arith.select %gt3A_209, %broadcast_in_dim3A_211, %select_n3A_198 : vector<8x8x384xi1>, vector<8x8x384xi32>
    %mul3A_213 = arith.constant 16 : i32
    %mul3A_214 = arith.muli %arg2, %mul3A_213 : i32
    %add3A_215 = arith.constant 15 : i32
    %add3A_216 = arith.addi %mul3A_214, %add3A_215 : i32
    %get3A_217 = arith.constant 0 : index
    %get3A_218 = arith.constant 120 : index
    %get3A_219 = arith.constant 0 : index
    %get3A_220 = arith.constant 0 : index
    %get3A_221 = vector.load %arg3[%get3A_217, %get3A_218, %get3A_219, %get3A_220] : memref<1x128x8x384xf32, #tpu.memory_space<vmem>>, vector<1x8x8x384xf32>
    %get3A_222 = vector.shape_cast %get3A_221 : vector<1x8x8x384xf32> to vector<8x8x384xf32>
    %gt3A_223 = arith.cmpf ogt, %get3A_222, %max3A_210 : vector<8x8x384xf32>
    %max3A_224 = arith.maximumf %get3A_222, %max3A_210 : vector<8x8x384xf32>
    %broadcast_in_dim3A_225 = vector.broadcast %add3A_216 : i32 to vector<8x8x384xi32>
    %select_n3A_226 = arith.select %gt3A_223, %broadcast_in_dim3A_225, %select_n3A_212 : vector<8x8x384xi1>, vector<8x8x384xi32>
    %swap3A = arith.constant 0 : index
    %swap3A_227 = arith.constant 0 : index
    %swap3A_228 = arith.constant 0 : index
    %swap3A_229 = vector.load %arg5[%swap3A, %swap3A_227, %swap3A_228] : memref<8x8x384xf32, #tpu.memory_space<vmem>>, vector<8x8x384xf32>
    tpu.vector_store %arg5[%swap3A, %swap3A_227, %swap3A_228], %max3A_224 {strides = array<i32>} : memref<8x8x384xf32, #tpu.memory_space<vmem>>, vector<8x8x384xf32>,
    %swap3A_230 = arith.constant 0 : index
    %swap3A_231 = arith.constant 0 : index
    %swap3A_232 = arith.constant 0 : index
    %swap3A_233 = vector.load %arg6[%swap3A_230, %swap3A_231, %swap3A_232] : memref<8x8x384xi32, #tpu.memory_space<vmem>>, vector<8x8x384xi32>
    tpu.vector_store %arg6[%swap3A_230, %swap3A_231, %swap3A_232], %select_n3A_226 {strides = array<i32>} : memref<8x8x384xi32, #tpu.memory_space<vmem>>, vector<8x8x384xi32>,
    %eq3A_234 = arith.constant 2 : i32
    %eq3A_235 = arith.cmpi eq, %arg2, %eq3A_234 : i32
    %convert_element_type3A_236 = arith.extui %eq3A_235 : i1 to i32
    %cond3A_237 = arith.constant 0 : i32
    %cond3A_238 = arith.cmpi ne, %convert_element_type3A_236, %cond3A_237 : i32
    scf.if %cond3A_238 {
      %iota3A = tpu.iota {dimensions = array<i32: 0>} : vector<8x8x384xi32>
      %iota3A_239 = tpu.iota {dimensions = array<i32: 2>} : vector<8x8x384xi32>
      %mul3A_240 = arith.constant 8 : i32
      %mul3A_241 = vector.broadcast %mul3A_240 : i32 to vector<8x8x384xi32>
      %mul3A_242 = arith.muli %select_n3A_226, %mul3A_241 : vector<8x8x384xi32>
      %add3A_243 = arith.addi %mul3A_242, %iota3A : vector<8x8x384xi32>
      %mul3A_244 = arith.constant 384 : i32
      %mul3A_245 = vector.broadcast %mul3A_244 : i32 to vector<8x8x384xi32>
      %mul3A_246 = arith.muli %add3A_243, %mul3A_245 : vector<8x8x384xi32>
      %add3A_247 = arith.addi %mul3A_246, %iota3A_239 : vector<8x8x384xi32>
      %reduce_max3A = arith.constant dense<0xFF800000> : vector<8xf32>
      %reduce_max3A_248 = vector.multi_reduction <maximumf>, %max3A_224, %reduce_max3A [0, 2] : vector<8x8x384xf32> to vector<8xf32>
      %broadcast_in_dim3A_249 = vector.shape_cast %reduce_max3A_248 : vector<8xf32> to vector<1x8x1xf32>
      %eq3A_250 = vector.broadcast %broadcast_in_dim3A_249 : vector<1x8x1xf32> to vector<8x8x384xf32>
      %eq3A_251 = arith.cmpf oeq, %max3A_224, %eq3A_250 : vector<8x8x384xf32>
      %jit3A = arith.constant 147456 : i32
      %broadcast_in_dim3A_252 = vector.broadcast %jit3A : i32 to vector<8x8x384xi32>
      %select_n3A_253 = arith.select %eq3A_251, %add3A_247, %broadcast_in_dim3A_252 : vector<8x8x384xi1>, vector<8x8x384xi32>
      %reduce_min3A = arith.constant dense<2147483647> : vector<8xi32>
      %reduce_min3A_254 = vector.multi_reduction <minsi>, %select_n3A_253, %reduce_min3A [0, 2] : vector<8x8x384xi32> to vector<8xi32>
      %jit3A_255 = arith.constant 384 : i32
      %div3A = vector.broadcast %jit3A_255 : i32 to vector<8xi32>
      %div3A_256 = arith.divsi %reduce_min3A_254, %div3A : vector<8xi32>
      %sign3A = arith.constant 0 : i32
      %sign3A_257 = vector.broadcast %sign3A : i32 to vector<8xi32>
      %sign3A_258 = arith.cmpi sgt, %reduce_min3A_254, %sign3A_257 : vector<8xi32>
      %sign3A_259 = arith.extui %sign3A_258 : vector<8xi1> to vector<8xi32>
      %sign3A_260 = arith.constant 0 : i32
      %sign3A_261 = vector.broadcast %sign3A_260 : i32 to vector<8xi32>
      %sign3A_262 = arith.cmpi slt, %reduce_min3A_254, %sign3A_261 : vector<8xi32>
      %sign3A_263 = arith.extui %sign3A_262 : vector<8xi1> to vector<8xi32>
      %sign3A_264 = arith.subi %sign3A_259, %sign3A_263 : vector<8xi32>
      %sign3A_265 = arith.constant 0 : i32
      %sign3A_266 = arith.cmpi sgt, %jit3A_255, %sign3A_265 : i32
      %sign3A_267 = arith.extui %sign3A_266 : i1 to i32
      %sign3A_268 = arith.constant 0 : i32
      %sign3A_269 = arith.cmpi slt, %jit3A_255, %sign3A_268 : i32
      %sign3A_270 = arith.extui %sign3A_269 : i1 to i32
      %sign3A_271 = arith.subi %sign3A_267, %sign3A_270 : i32
      %ne3A = vector.broadcast %sign3A_271 : i32 to vector<8xi32>
      %ne3A_272 = arith.cmpi ne, %sign3A_264, %ne3A : vector<8xi32>
      %rem3A = vector.broadcast %jit3A_255 : i32 to vector<8xi32>
      %rem3A_273 = arith.remsi %reduce_min3A_254, %rem3A : vector<8xi32>
      %ne3A_274 = arith.constant 0 : i32
      %ne3A_275 = vector.broadcast %ne3A_274 : i32 to vector<8xi32>
      %ne3A_276 = arith.cmpi ne, %rem3A_273, %ne3A_275 : vector<8xi32>
      %and3A = arith.andi %ne3A_272, %ne3A_276 : vector<8xi1>
      %sub3A = arith.constant 1 : i32
      %sub3A_277 = vector.broadcast %sub3A : i32 to vector<8xi32>
      %sub3A_278 = arith.subi %div3A_256, %sub3A_277 : vector<8xi32>
      %select_n3A_279 = arith.select %and3A, %sub3A_278, %div3A_256 : vector<8xi1>, vector<8xi32>
      %mul3A_280 = arith.constant 384 : i32
      %mul3A_281 = vector.broadcast %mul3A_280 : i32 to vector<8xi32>
      %mul3A_282 = arith.muli %select_n3A_279, %mul3A_281 : vector<8xi32>
      %sub3A_283 = arith.subi %reduce_min3A_254, %mul3A_282 : vector<8xi32>
      %convert_element_type3A_284 = arith.sitofp %select_n3A_279 : vector<8xi32> to vector<8xf32>
      %swap3A_285 = arith.constant 0 : index
      %swap3A_286 = arith.constant 0 : index
      %swap3A_287 = arith.constant 0 : index
      %swap3A_288 = arith.constant 0 : index
      %swap3A_289 = vector.load %arg4[%swap3A_285, %swap3A_286, %swap3A_287, %swap3A_288] : memref<1x1x2x8xf32, #tpu.memory_space<vmem>>, vector<1x1x1x8xf32>
      %swap3A_290 = vector.shape_cast %swap3A_289 : vector<1x1x1x8xf32> to vector<8xf32>
      %swap3A_291 = vector.shape_cast %convert_element_type3A_284 : vector<8xf32> to vector<1x1x1x8xf32>
      tpu.vector_store %arg4[%swap3A_285, %swap3A_286, %swap3A_287, %swap3A_288], %swap3A_291 {strides = array<i32>} : memref<1x1x2x8xf32, #tpu.memory_space<vmem>>, vector<1x1x1x8xf32>,
      %convert_element_type3A_292 = arith.sitofp %sub3A_283 : vector<8xi32> to vector<8xf32>
      %swap3A_293 = arith.constant 0 : index
      %swap3A_294 = arith.constant 0 : index
      %swap3A_295 = arith.constant 1 : index
      %swap3A_296 = arith.constant 0 : index
      %swap3A_297 = vector.load %arg4[%swap3A_293, %swap3A_294, %swap3A_295, %swap3A_296] : memref<1x1x2x8xf32, #tpu.memory_space<vmem>>, vector<1x1x1x8xf32>
      %swap3A_298 = vector.shape_cast %swap3A_297 : vector<1x1x1x8xf32> to vector<8xf32>
      %swap3A_299 = vector.shape_cast %convert_element_type3A_292 : vector<8xf32> to vector<1x1x1x8xf32>
      tpu.vector_store %arg4[%swap3A_293, %swap3A_294, %swap3A_295, %swap3A_296], %swap3A_299 {strides = array<i32>} : memref<1x1x2x8xf32, #tpu.memory_space<vmem>>, vector<1x1x1x8xf32>,
    } else {
    }
    return
  }
  func.func @transform_0(%arg0: i32, %arg1: i32, %arg2: i32) -> (i32, i32, i32, i32) {
    %add3A = arith.constant 1 : i32
    %add3A_0 = arith.addi %arg0, %add3A : i32
    %c0_i32 = arith.constant 0 : i32
    %c0_i32_1 = arith.constant 0 : i32
    return %add3A_0, %arg2, %arg1, %c0_i32 : i32, i32, i32, i32
  }
  func.func @transform_1(%arg0: i32, %arg1: i32, %arg2: i32) -> (i32, i32, i32, i32) {
    %c0_i32 = arith.constant 0 : i32
    %c0_i32_0 = arith.constant 0 : i32
    %c0_i32_1 = arith.constant 0 : i32
    return %arg0, %arg1, %c0_i32, %c0_i32_0 : i32, i32, i32, i32
  }
}

module attributes {stable_mosaic.version = 14 : i64} {
  func.func @_tc_body(%arg0: i32, %arg1: i32, %arg2: i32, %arg3: memref<1x128x8x384xf32, #tpu.memory_space<vmem>>, %arg4: memref<1x1x2x8xf32, #tpu.memory_space<vmem>>, %arg5: memref<8x8x384xf32, #tpu.memory_space<vmem>>, %arg6: memref<8x8x384xi32, #tpu.memory_space<vmem>>) attributes {dimension_semantics = [#tpu.dimension_semantics<parallel>, #tpu.dimension_semantics<parallel>, #tpu.dimension_semantics<arbitrary>], iteration_bounds = array<i64: 5, 12, 3>, scalar_prefetch = 0 : i64, scratch_operands = 2 : i64, tpu.core_type = #tpu.core_type<tc>, window_params = [{transform_indices = @transform_0, window_bounds = array<i64: 1, 128, 8, 384>}, {transform_indices = @transform_1, window_bounds = array<i64: 1, 1, 2, 8>}]} {
    %eq3A = arith.constant 0 : i32
    %eq3A_0 = arith.cmpi eq, %arg2, %eq3A : i32
    %convert_element_type3A = arith.extui %eq3A_0 : i1 to i32
    %cond3A = arith.constant 0 : i32
    %cond3A_1 = arith.cmpi ne, %convert_element_type3A, %cond3A : i32
    scf.if %cond3A_1 {
      %broadcast_in_dim3A_239 = arith.constant 0xFF800000 : f32
      %broadcast_in_dim3A_240 = vector.broadcast %broadcast_in_dim3A_239 : f32 to vector<8x8x384xf32>
      %swap3A_241 = arith.constant 0 : index
      %swap3A_242 = arith.constant 0 : index
      %swap3A_243 = arith.constant 0 : index
      %swap3A_244 = vector.load %arg5[%swap3A_241, %swap3A_242, %swap3A_243] : memref<8x8x384xf32, #tpu.memory_space<vmem>>, vector<8x8x384xf32>
      tpu.vector_store %arg5[%swap3A_241, %swap3A_242, %swap3A_243], %broadcast_in_dim3A_240 {strides = array<i32>} : memref<8x8x384xf32, #tpu.memory_space<vmem>>, vector<8x8x384xf32>,
      %broadcast_in_dim3A_245 = arith.constant 0 : i32
      %broadcast_in_dim3A_246 = vector.broadcast %broadcast_in_dim3A_245 : i32 to vector<8x8x384xi32>
      %swap3A_247 = arith.constant 0 : index
      %swap3A_248 = arith.constant 0 : index
      %swap3A_249 = arith.constant 0 : index
      %swap3A_250 = vector.load %arg6[%swap3A_247, %swap3A_248, %swap3A_249] : memref<8x8x384xi32, #tpu.memory_space<vmem>>, vector<8x8x384xi32>
      tpu.vector_store %arg6[%swap3A_247, %swap3A_248, %swap3A_249], %broadcast_in_dim3A_246 {strides = array<i32>} : memref<8x8x384xi32, #tpu.memory_space<vmem>>, vector<8x8x384xi32>,
    } else {
    }
    %get3A = arith.constant 0 : index
    %get3A_2 = arith.constant 0 : index
    %get3A_3 = arith.constant 0 : index
    %get3A_4 = vector.load %arg5[%get3A, %get3A_2, %get3A_3] : memref<8x8x384xf32, #tpu.memory_space<vmem>>, vector<8x8x384xf32>
    %get3A_5 = arith.constant 0 : index
    %get3A_6 = arith.constant 0 : index
    %get3A_7 = arith.constant 0 : index
    %get3A_8 = vector.load %arg6[%get3A_5, %get3A_6, %get3A_7] : memref<8x8x384xi32, #tpu.memory_space<vmem>>, vector<8x8x384xi32>
    %mul3A = arith.constant 16 : i32
    %mul3A_9 = arith.muli %arg2, %mul3A : i32
    %add3A = arith.constant 0 : i32
    %add3A_10 = arith.addi %mul3A_9, %add3A : i32
    %get3A_11 = arith.constant 0 : index
    %get3A_12 = arith.constant 0 : index
    %get3A_13 = arith.constant 0 : index
    %get3A_14 = arith.constant 0 : index
    %get3A_15 = vector.load %arg3[%get3A_11, %get3A_12, %get3A_13, %get3A_14] : memref<1x128x8x384xf32, #tpu.memory_space<vmem>>, vector<1x8x8x384xf32>
    %get3A_16 = vector.shape_cast %get3A_15 : vector<1x8x8x384xf32> to vector<8x8x384xf32>
    %gt3A = arith.cmpf ogt, %get3A_16, %get3A_4 : vector<8x8x384xf32>
    %max3A = arith.maximumf %get3A_16, %get3A_4 : vector<8x8x384xf32>
    %broadcast_in_dim3A = vector.broadcast %add3A_10 : i32 to vector<8x8x384xi32>
    %select_n3A = arith.select %gt3A, %broadcast_in_dim3A, %get3A_8 : vector<8x8x384xi1>, vector<8x8x384xi32>
    %mul3A_17 = arith.constant 16 : i32
    %mul3A_18 = arith.muli %arg2, %mul3A_17 : i32
    %add3A_19 = arith.constant 1 : i32
    %add3A_20 = arith.addi %mul3A_18, %add3A_19 : i32
    %get3A_21 = arith.constant 0 : index
    %get3A_22 = arith.constant 8 : index
    %get3A_23 = arith.constant 0 : index
    %get3A_24 = arith.constant 0 : index
    %get3A_25 = vector.load %arg3[%get3A_21, %get3A_22, %get3A_23, %get3A_24] : memref<1x128x8x384xf32, #tpu.memory_space<vmem>>, vector<1x8x8x384xf32>
    %get3A_26 = vector.shape_cast %get3A_25 : vector<1x8x8x384xf32> to vector<8x8x384xf32>
    %gt3A_27 = arith.cmpf ogt, %get3A_26, %max3A : vector<8x8x384xf32>
    %max3A_28 = arith.maximumf %get3A_26, %max3A : vector<8x8x384xf32>
    %broadcast_in_dim3A_29 = vector.broadcast %add3A_20 : i32 to vector<8x8x384xi32>
    %select_n3A_30 = arith.select %gt3A_27, %broadcast_in_dim3A_29, %select_n3A : vector<8x8x384xi1>, vector<8x8x384xi32>
    %mul3A_31 = arith.constant 16 : i32
    %mul3A_32 = arith.muli %arg2, %mul3A_31 : i32
    %add3A_33 = arith.constant 2 : i32
    %add3A_34 = arith.addi %mul3A_32, %add3A_33 : i32
    %get3A_35 = arith.constant 0 : index
    %get3A_36 = arith.constant 16 : index
    %get3A_37 = arith.constant 0 : index
    %get3A_38 = arith.constant 0 : index
    %get3A_39 = vector.load %arg3[%get3A_35, %get3A_36, %get3A_37, %get3A_38] : memref<1x128x8x384xf32, #tpu.memory_space<vmem>>, vector<1x8x8x384xf32>
    %get3A_40 = vector.shape_cast %get3A_39 : vector<1x8x8x384xf32> to vector<8x8x384xf32>
    %gt3A_41 = arith.cmpf ogt, %get3A_40, %max3A_28 : vector<8x8x384xf32>
    %max3A_42 = arith.maximumf %get3A_40, %max3A_28 : vector<8x8x384xf32>
    %broadcast_in_dim3A_43 = vector.broadcast %add3A_34 : i32 to vector<8x8x384xi32>
    %select_n3A_44 = arith.select %gt3A_41, %broadcast_in_dim3A_43, %select_n3A_30 : vector<8x8x384xi1>, vector<8x8x384xi32>
    %mul3A_45 = arith.constant 16 : i32
    %mul3A_46 = arith.muli %arg2, %mul3A_45 : i32
    %add3A_47 = arith.constant 3 : i32
    %add3A_48 = arith.addi %mul3A_46, %add3A_47 : i32
    %get3A_49 = arith.constant 0 : index
    %get3A_50 = arith.constant 24 : index
    %get3A_51 = arith.constant 0 : index
    %get3A_52 = arith.constant 0 : index
    %get3A_53 = vector.load %arg3[%get3A_49, %get3A_50, %get3A_51, %get3A_52] : memref<1x128x8x384xf32, #tpu.memory_space<vmem>>, vector<1x8x8x384xf32>
    %get3A_54 = vector.shape_cast %get3A_53 : vector<1x8x8x384xf32> to vector<8x8x384xf32>
    %gt3A_55 = arith.cmpf ogt, %get3A_54, %max3A_42 : vector<8x8x384xf32>
    %max3A_56 = arith.maximumf %get3A_54, %max3A_42 : vector<8x8x384xf32>
    %broadcast_in_dim3A_57 = vector.broadcast %add3A_48 : i32 to vector<8x8x384xi32>
    %select_n3A_58 = arith.select %gt3A_55, %broadcast_in_dim3A_57, %select_n3A_44 : vector<8x8x384xi1>, vector<8x8x384xi32>
    %mul3A_59 = arith.constant 16 : i32
    %mul3A_60 = arith.muli %arg2, %mul3A_59 : i32
    %add3A_61 = arith.constant 4 : i32
    %add3A_62 = arith.addi %mul3A_60, %add3A_61 : i32
    %get3A_63 = arith.constant 0 : index
    %get3A_64 = arith.constant 32 : index
    %get3A_65 = arith.constant 0 : index
    %get3A_66 = arith.constant 0 : index
    %get3A_67 = vector.load %arg3[%get3A_63, %get3A_64, %get3A_65, %get3A_66] : memref<1x128x8x384xf32, #tpu.memory_space<vmem>>, vector<1x8x8x384xf32>
    %get3A_68 = vector.shape_cast %get3A_67 : vector<1x8x8x384xf32> to vector<8x8x384xf32>
    %gt3A_69 = arith.cmpf ogt, %get3A_68, %max3A_56 : vector<8x8x384xf32>
    %max3A_70 = arith.maximumf %get3A_68, %max3A_56 : vector<8x8x384xf32>
    %broadcast_in_dim3A_71 = vector.broadcast %add3A_62 : i32 to vector<8x8x384xi32>
    %select_n3A_72 = arith.select %gt3A_69, %broadcast_in_dim3A_71, %select_n3A_58 : vector<8x8x384xi1>, vector<8x8x384xi32>
    %mul3A_73 = arith.constant 16 : i32
    %mul3A_74 = arith.muli %arg2, %mul3A_73 : i32
    %add3A_75 = arith.constant 5 : i32
    %add3A_76 = arith.addi %mul3A_74, %add3A_75 : i32
    %get3A_77 = arith.constant 0 : index
    %get3A_78 = arith.constant 40 : index
    %get3A_79 = arith.constant 0 : index
    %get3A_80 = arith.constant 0 : index
    %get3A_81 = vector.load %arg3[%get3A_77, %get3A_78, %get3A_79, %get3A_80] : memref<1x128x8x384xf32, #tpu.memory_space<vmem>>, vector<1x8x8x384xf32>
    %get3A_82 = vector.shape_cast %get3A_81 : vector<1x8x8x384xf32> to vector<8x8x384xf32>
    %gt3A_83 = arith.cmpf ogt, %get3A_82, %max3A_70 : vector<8x8x384xf32>
    %max3A_84 = arith.maximumf %get3A_82, %max3A_70 : vector<8x8x384xf32>
    %broadcast_in_dim3A_85 = vector.broadcast %add3A_76 : i32 to vector<8x8x384xi32>
    %select_n3A_86 = arith.select %gt3A_83, %broadcast_in_dim3A_85, %select_n3A_72 : vector<8x8x384xi1>, vector<8x8x384xi32>
    %mul3A_87 = arith.constant 16 : i32
    %mul3A_88 = arith.muli %arg2, %mul3A_87 : i32
    %add3A_89 = arith.constant 6 : i32
    %add3A_90 = arith.addi %mul3A_88, %add3A_89 : i32
    %get3A_91 = arith.constant 0 : index
    %get3A_92 = arith.constant 48 : index
    %get3A_93 = arith.constant 0 : index
    %get3A_94 = arith.constant 0 : index
    %get3A_95 = vector.load %arg3[%get3A_91, %get3A_92, %get3A_93, %get3A_94] : memref<1x128x8x384xf32, #tpu.memory_space<vmem>>, vector<1x8x8x384xf32>
    %get3A_96 = vector.shape_cast %get3A_95 : vector<1x8x8x384xf32> to vector<8x8x384xf32>
    %gt3A_97 = arith.cmpf ogt, %get3A_96, %max3A_84 : vector<8x8x384xf32>
    %max3A_98 = arith.maximumf %get3A_96, %max3A_84 : vector<8x8x384xf32>
    %broadcast_in_dim3A_99 = vector.broadcast %add3A_90 : i32 to vector<8x8x384xi32>
    %select_n3A_100 = arith.select %gt3A_97, %broadcast_in_dim3A_99, %select_n3A_86 : vector<8x8x384xi1>, vector<8x8x384xi32>
    %mul3A_101 = arith.constant 16 : i32
    %mul3A_102 = arith.muli %arg2, %mul3A_101 : i32
    %add3A_103 = arith.constant 7 : i32
    %add3A_104 = arith.addi %mul3A_102, %add3A_103 : i32
    %get3A_105 = arith.constant 0 : index
    %get3A_106 = arith.constant 56 : index
    %get3A_107 = arith.constant 0 : index
    %get3A_108 = arith.constant 0 : index
    %get3A_109 = vector.load %arg3[%get3A_105, %get3A_106, %get3A_107, %get3A_108] : memref<1x128x8x384xf32, #tpu.memory_space<vmem>>, vector<1x8x8x384xf32>
    %get3A_110 = vector.shape_cast %get3A_109 : vector<1x8x8x384xf32> to vector<8x8x384xf32>
    %gt3A_111 = arith.cmpf ogt, %get3A_110, %max3A_98 : vector<8x8x384xf32>
    %max3A_112 = arith.maximumf %get3A_110, %max3A_98 : vector<8x8x384xf32>
    %broadcast_in_dim3A_113 = vector.broadcast %add3A_104 : i32 to vector<8x8x384xi32>
    %select_n3A_114 = arith.select %gt3A_111, %broadcast_in_dim3A_113, %select_n3A_100 : vector<8x8x384xi1>, vector<8x8x384xi32>
    %mul3A_115 = arith.constant 16 : i32
    %mul3A_116 = arith.muli %arg2, %mul3A_115 : i32
    %add3A_117 = arith.constant 8 : i32
    %add3A_118 = arith.addi %mul3A_116, %add3A_117 : i32
    %get3A_119 = arith.constant 0 : index
    %get3A_120 = arith.constant 64 : index
    %get3A_121 = arith.constant 0 : index
    %get3A_122 = arith.constant 0 : index
    %get3A_123 = vector.load %arg3[%get3A_119, %get3A_120, %get3A_121, %get3A_122] : memref<1x128x8x384xf32, #tpu.memory_space<vmem>>, vector<1x8x8x384xf32>
    %get3A_124 = vector.shape_cast %get3A_123 : vector<1x8x8x384xf32> to vector<8x8x384xf32>
    %gt3A_125 = arith.cmpf ogt, %get3A_124, %max3A_112 : vector<8x8x384xf32>
    %max3A_126 = arith.maximumf %get3A_124, %max3A_112 : vector<8x8x384xf32>
    %broadcast_in_dim3A_127 = vector.broadcast %add3A_118 : i32 to vector<8x8x384xi32>
    %select_n3A_128 = arith.select %gt3A_125, %broadcast_in_dim3A_127, %select_n3A_114 : vector<8x8x384xi1>, vector<8x8x384xi32>
    %mul3A_129 = arith.constant 16 : i32
    %mul3A_130 = arith.muli %arg2, %mul3A_129 : i32
    %add3A_131 = arith.constant 9 : i32
    %add3A_132 = arith.addi %mul3A_130, %add3A_131 : i32
    %get3A_133 = arith.constant 0 : index
    %get3A_134 = arith.constant 72 : index
    %get3A_135 = arith.constant 0 : index
    %get3A_136 = arith.constant 0 : index
    %get3A_137 = vector.load %arg3[%get3A_133, %get3A_134, %get3A_135, %get3A_136] : memref<1x128x8x384xf32, #tpu.memory_space<vmem>>, vector<1x8x8x384xf32>
    %get3A_138 = vector.shape_cast %get3A_137 : vector<1x8x8x384xf32> to vector<8x8x384xf32>
    %gt3A_139 = arith.cmpf ogt, %get3A_138, %max3A_126 : vector<8x8x384xf32>
    %max3A_140 = arith.maximumf %get3A_138, %max3A_126 : vector<8x8x384xf32>
    %broadcast_in_dim3A_141 = vector.broadcast %add3A_132 : i32 to vector<8x8x384xi32>
    %select_n3A_142 = arith.select %gt3A_139, %broadcast_in_dim3A_141, %select_n3A_128 : vector<8x8x384xi1>, vector<8x8x384xi32>
    %mul3A_143 = arith.constant 16 : i32
    %mul3A_144 = arith.muli %arg2, %mul3A_143 : i32
    %add3A_145 = arith.constant 10 : i32
    %add3A_146 = arith.addi %mul3A_144, %add3A_145 : i32
    %get3A_147 = arith.constant 0 : index
    %get3A_148 = arith.constant 80 : index
    %get3A_149 = arith.constant 0 : index
    %get3A_150 = arith.constant 0 : index
    %get3A_151 = vector.load %arg3[%get3A_147, %get3A_148, %get3A_149, %get3A_150] : memref<1x128x8x384xf32, #tpu.memory_space<vmem>>, vector<1x8x8x384xf32>
    %get3A_152 = vector.shape_cast %get3A_151 : vector<1x8x8x384xf32> to vector<8x8x384xf32>
    %gt3A_153 = arith.cmpf ogt, %get3A_152, %max3A_140 : vector<8x8x384xf32>
    %max3A_154 = arith.maximumf %get3A_152, %max3A_140 : vector<8x8x384xf32>
    %broadcast_in_dim3A_155 = vector.broadcast %add3A_146 : i32 to vector<8x8x384xi32>
    %select_n3A_156 = arith.select %gt3A_153, %broadcast_in_dim3A_155, %select_n3A_142 : vector<8x8x384xi1>, vector<8x8x384xi32>
    %mul3A_157 = arith.constant 16 : i32
    %mul3A_158 = arith.muli %arg2, %mul3A_157 : i32
    %add3A_159 = arith.constant 11 : i32
    %add3A_160 = arith.addi %mul3A_158, %add3A_159 : i32
    %get3A_161 = arith.constant 0 : index
    %get3A_162 = arith.constant 88 : index
    %get3A_163 = arith.constant 0 : index
    %get3A_164 = arith.constant 0 : index
    %get3A_165 = vector.load %arg3[%get3A_161, %get3A_162, %get3A_163, %get3A_164] : memref<1x128x8x384xf32, #tpu.memory_space<vmem>>, vector<1x8x8x384xf32>
    %get3A_166 = vector.shape_cast %get3A_165 : vector<1x8x8x384xf32> to vector<8x8x384xf32>
    %gt3A_167 = arith.cmpf ogt, %get3A_166, %max3A_154 : vector<8x8x384xf32>
    %max3A_168 = arith.maximumf %get3A_166, %max3A_154 : vector<8x8x384xf32>
    %broadcast_in_dim3A_169 = vector.broadcast %add3A_160 : i32 to vector<8x8x384xi32>
    %select_n3A_170 = arith.select %gt3A_167, %broadcast_in_dim3A_169, %select_n3A_156 : vector<8x8x384xi1>, vector<8x8x384xi32>
    %mul3A_171 = arith.constant 16 : i32
    %mul3A_172 = arith.muli %arg2, %mul3A_171 : i32
    %add3A_173 = arith.constant 12 : i32
    %add3A_174 = arith.addi %mul3A_172, %add3A_173 : i32
    %get3A_175 = arith.constant 0 : index
    %get3A_176 = arith.constant 96 : index
    %get3A_177 = arith.constant 0 : index
    %get3A_178 = arith.constant 0 : index
    %get3A_179 = vector.load %arg3[%get3A_175, %get3A_176, %get3A_177, %get3A_178] : memref<1x128x8x384xf32, #tpu.memory_space<vmem>>, vector<1x8x8x384xf32>
    %get3A_180 = vector.shape_cast %get3A_179 : vector<1x8x8x384xf32> to vector<8x8x384xf32>
    %gt3A_181 = arith.cmpf ogt, %get3A_180, %max3A_168 : vector<8x8x384xf32>
    %max3A_182 = arith.maximumf %get3A_180, %max3A_168 : vector<8x8x384xf32>
    %broadcast_in_dim3A_183 = vector.broadcast %add3A_174 : i32 to vector<8x8x384xi32>
    %select_n3A_184 = arith.select %gt3A_181, %broadcast_in_dim3A_183, %select_n3A_170 : vector<8x8x384xi1>, vector<8x8x384xi32>
    %mul3A_185 = arith.constant 16 : i32
    %mul3A_186 = arith.muli %arg2, %mul3A_185 : i32
    %add3A_187 = arith.constant 13 : i32
    %add3A_188 = arith.addi %mul3A_186, %add3A_187 : i32
    %get3A_189 = arith.constant 0 : index
    %get3A_190 = arith.constant 104 : index
    %get3A_191 = arith.constant 0 : index
    %get3A_192 = arith.constant 0 : index
    %get3A_193 = vector.load %arg3[%get3A_189, %get3A_190, %get3A_191, %get3A_192] : memref<1x128x8x384xf32, #tpu.memory_space<vmem>>, vector<1x8x8x384xf32>
    %get3A_194 = vector.shape_cast %get3A_193 : vector<1x8x8x384xf32> to vector<8x8x384xf32>
    %gt3A_195 = arith.cmpf ogt, %get3A_194, %max3A_182 : vector<8x8x384xf32>
    %max3A_196 = arith.maximumf %get3A_194, %max3A_182 : vector<8x8x384xf32>
    %broadcast_in_dim3A_197 = vector.broadcast %add3A_188 : i32 to vector<8x8x384xi32>
    %select_n3A_198 = arith.select %gt3A_195, %broadcast_in_dim3A_197, %select_n3A_184 : vector<8x8x384xi1>, vector<8x8x384xi32>
    %mul3A_199 = arith.constant 16 : i32
    %mul3A_200 = arith.muli %arg2, %mul3A_199 : i32
    %add3A_201 = arith.constant 14 : i32
    %add3A_202 = arith.addi %mul3A_200, %add3A_201 : i32
    %get3A_203 = arith.constant 0 : index
    %get3A_204 = arith.constant 112 : index
    %get3A_205 = arith.constant 0 : index
    %get3A_206 = arith.constant 0 : index
    %get3A_207 = vector.load %arg3[%get3A_203, %get3A_204, %get3A_205, %get3A_206] : memref<1x128x8x384xf32, #tpu.memory_space<vmem>>, vector<1x8x8x384xf32>
    %get3A_208 = vector.shape_cast %get3A_207 : vector<1x8x8x384xf32> to vector<8x8x384xf32>
    %gt3A_209 = arith.cmpf ogt, %get3A_208, %max3A_196 : vector<8x8x384xf32>
    %max3A_210 = arith.maximumf %get3A_208, %max3A_196 : vector<8x8x384xf32>
    %broadcast_in_dim3A_211 = vector.broadcast %add3A_202 : i32 to vector<8x8x384xi32>
    %select_n3A_212 = arith.select %gt3A_209, %broadcast_in_dim3A_211, %select_n3A_198 : vector<8x8x384xi1>, vector<8x8x384xi32>
    %mul3A_213 = arith.constant 16 : i32
    %mul3A_214 = arith.muli %arg2, %mul3A_213 : i32
    %add3A_215 = arith.constant 15 : i32
    %add3A_216 = arith.addi %mul3A_214, %add3A_215 : i32
    %get3A_217 = arith.constant 0 : index
    %get3A_218 = arith.constant 120 : index
    %get3A_219 = arith.constant 0 : index
    %get3A_220 = arith.constant 0 : index
    %get3A_221 = vector.load %arg3[%get3A_217, %get3A_218, %get3A_219, %get3A_220] : memref<1x128x8x384xf32, #tpu.memory_space<vmem>>, vector<1x8x8x384xf32>
    %get3A_222 = vector.shape_cast %get3A_221 : vector<1x8x8x384xf32> to vector<8x8x384xf32>
    %gt3A_223 = arith.cmpf ogt, %get3A_222, %max3A_210 : vector<8x8x384xf32>
    %max3A_224 = arith.maximumf %get3A_222, %max3A_210 : vector<8x8x384xf32>
    %broadcast_in_dim3A_225 = vector.broadcast %add3A_216 : i32 to vector<8x8x384xi32>
    %select_n3A_226 = arith.select %gt3A_223, %broadcast_in_dim3A_225, %select_n3A_212 : vector<8x8x384xi1>, vector<8x8x384xi32>
    %swap3A = arith.constant 0 : index
    %swap3A_227 = arith.constant 0 : index
    %swap3A_228 = arith.constant 0 : index
    %swap3A_229 = vector.load %arg5[%swap3A, %swap3A_227, %swap3A_228] : memref<8x8x384xf32, #tpu.memory_space<vmem>>, vector<8x8x384xf32>
    tpu.vector_store %arg5[%swap3A, %swap3A_227, %swap3A_228], %max3A_224 {strides = array<i32>} : memref<8x8x384xf32, #tpu.memory_space<vmem>>, vector<8x8x384xf32>,
    %swap3A_230 = arith.constant 0 : index
    %swap3A_231 = arith.constant 0 : index
    %swap3A_232 = arith.constant 0 : index
    %swap3A_233 = vector.load %arg6[%swap3A_230, %swap3A_231, %swap3A_232] : memref<8x8x384xi32, #tpu.memory_space<vmem>>, vector<8x8x384xi32>
    tpu.vector_store %arg6[%swap3A_230, %swap3A_231, %swap3A_232], %select_n3A_226 {strides = array<i32>} : memref<8x8x384xi32, #tpu.memory_space<vmem>>, vector<8x8x384xi32>,
    %eq3A_234 = arith.constant 2 : i32
    %eq3A_235 = arith.cmpi eq, %arg2, %eq3A_234 : i32
    %convert_element_type3A_236 = arith.extui %eq3A_235 : i1 to i32
    %cond3A_237 = arith.constant 0 : i32
    %cond3A_238 = arith.cmpi ne, %convert_element_type3A_236, %cond3A_237 : i32
    scf.if %cond3A_238 {
      %iota3A = tpu.iota {dimensions = array<i32: 0>} : vector<8x8x384xi32>
      %iota3A_239 = tpu.iota {dimensions = array<i32: 2>} : vector<8x8x384xi32>
      %mul3A_240 = arith.constant 8 : i32
      %mul3A_241 = vector.broadcast %mul3A_240 : i32 to vector<8x8x384xi32>
      %mul3A_242 = arith.muli %select_n3A_226, %mul3A_241 : vector<8x8x384xi32>
      %add3A_243 = arith.addi %mul3A_242, %iota3A : vector<8x8x384xi32>
      %mul3A_244 = arith.constant 384 : i32
      %mul3A_245 = vector.broadcast %mul3A_244 : i32 to vector<8x8x384xi32>
      %mul3A_246 = arith.muli %add3A_243, %mul3A_245 : vector<8x8x384xi32>
      %add3A_247 = arith.addi %mul3A_246, %iota3A_239 : vector<8x8x384xi32>
      %reduce_max3A = arith.constant dense<0xFF800000> : vector<8xf32>
      %reduce_max3A_248 = vector.multi_reduction <maximumf>, %max3A_224, %reduce_max3A [0, 2] : vector<8x8x384xf32> to vector<8xf32>
      %broadcast_in_dim3A_249 = vector.shape_cast %reduce_max3A_248 : vector<8xf32> to vector<1x8x1xf32>
      %eq3A_250 = vector.broadcast %broadcast_in_dim3A_249 : vector<1x8x1xf32> to vector<8x8x384xf32>
      %eq3A_251 = arith.cmpf oeq, %max3A_224, %eq3A_250 : vector<8x8x384xf32>
      %jit3A = arith.constant 147456 : i32
      %broadcast_in_dim3A_252 = vector.broadcast %jit3A : i32 to vector<8x8x384xi32>
      %select_n3A_253 = arith.select %eq3A_251, %add3A_247, %broadcast_in_dim3A_252 : vector<8x8x384xi1>, vector<8x8x384xi32>
      %reduce_min3A = arith.constant dense<2147483647> : vector<8xi32>
      %reduce_min3A_254 = vector.multi_reduction <minsi>, %select_n3A_253, %reduce_min3A [0, 2] : vector<8x8x384xi32> to vector<8xi32>
      %jit3A_255 = arith.constant 384 : i32
      %div3A = vector.broadcast %jit3A_255 : i32 to vector<8xi32>
      %div3A_256 = arith.divsi %reduce_min3A_254, %div3A : vector<8xi32>
      %sign3A = arith.constant 0 : i32
      %sign3A_257 = vector.broadcast %sign3A : i32 to vector<8xi32>
      %sign3A_258 = arith.cmpi sgt, %reduce_min3A_254, %sign3A_257 : vector<8xi32>
      %sign3A_259 = arith.extui %sign3A_258 : vector<8xi1> to vector<8xi32>
      %sign3A_260 = arith.constant 0 : i32
      %sign3A_261 = vector.broadcast %sign3A_260 : i32 to vector<8xi32>
      %sign3A_262 = arith.cmpi slt, %reduce_min3A_254, %sign3A_261 : vector<8xi32>
      %sign3A_263 = arith.extui %sign3A_262 : vector<8xi1> to vector<8xi32>
      %sign3A_264 = arith.subi %sign3A_259, %sign3A_263 : vector<8xi32>
      %sign3A_265 = arith.constant 0 : i32
      %sign3A_266 = arith.cmpi sgt, %jit3A_255, %sign3A_265 : i32
      %sign3A_267 = arith.extui %sign3A_266 : i1 to i32
      %sign3A_268 = arith.constant 0 : i32
      %sign3A_269 = arith.cmpi slt, %jit3A_255, %sign3A_268 : i32
      %sign3A_270 = arith.extui %sign3A_269 : i1 to i32
      %sign3A_271 = arith.subi %sign3A_267, %sign3A_270 : i32
      %ne3A = vector.broadcast %sign3A_271 : i32 to vector<8xi32>
      %ne3A_272 = arith.cmpi ne, %sign3A_264, %ne3A : vector<8xi32>
      %rem3A = vector.broadcast %jit3A_255 : i32 to vector<8xi32>
      %rem3A_273 = arith.remsi %reduce_min3A_254, %rem3A : vector<8xi32>
      %ne3A_274 = arith.constant 0 : i32
      %ne3A_275 = vector.broadcast %ne3A_274 : i32 to vector<8xi32>
      %ne3A_276 = arith.cmpi ne, %rem3A_273, %ne3A_275 : vector<8xi32>
      %and3A = arith.andi %ne3A_272, %ne3A_276 : vector<8xi1>
      %sub3A = arith.constant 1 : i32
      %sub3A_277 = vector.broadcast %sub3A : i32 to vector<8xi32>
      %sub3A_278 = arith.subi %div3A_256, %sub3A_277 : vector<8xi32>
      %select_n3A_279 = arith.select %and3A, %sub3A_278, %div3A_256 : vector<8xi1>, vector<8xi32>
      %mul3A_280 = arith.constant 384 : i32
      %mul3A_281 = vector.broadcast %mul3A_280 : i32 to vector<8xi32>
      %mul3A_282 = arith.muli %select_n3A_279, %mul3A_281 : vector<8xi32>
      %sub3A_283 = arith.subi %reduce_min3A_254, %mul3A_282 : vector<8xi32>
      %convert_element_type3A_284 = arith.sitofp %select_n3A_279 : vector<8xi32> to vector<8xf32>
      %swap3A_285 = arith.constant 0 : index
      %swap3A_286 = arith.constant 0 : index
      %swap3A_287 = arith.constant 0 : index
      %swap3A_288 = arith.constant 0 : index
      %swap3A_289 = vector.load %arg4[%swap3A_285, %swap3A_286, %swap3A_287, %swap3A_288] : memref<1x1x2x8xf32, #tpu.memory_space<vmem>>, vector<1x1x1x8xf32>
      %swap3A_290 = vector.shape_cast %swap3A_289 : vector<1x1x1x8xf32> to vector<8xf32>
      %swap3A_291 = vector.shape_cast %convert_element_type3A_284 : vector<8xf32> to vector<1x1x1x8xf32>
      tpu.vector_store %arg4[%swap3A_285, %swap3A_286, %swap3A_287, %swap3A_288], %swap3A_291 {strides = array<i32>} : memref<1x1x2x8xf32, #tpu.memory_space<vmem>>, vector<1x1x1x8xf32>,
      %convert_element_type3A_292 = arith.sitofp %sub3A_283 : vector<8xi32> to vector<8xf32>
      %swap3A_293 = arith.constant 0 : index
      %swap3A_294 = arith.constant 0 : index
      %swap3A_295 = arith.constant 1 : index
      %swap3A_296 = arith.constant 0 : index
      %swap3A_297 = vector.load %arg4[%swap3A_293, %swap3A_294, %swap3A_295, %swap3A_296] : memref<1x1x2x8xf32, #tpu.memory_space<vmem>>, vector<1x1x1x8xf32>
      %swap3A_298 = vector.shape_cast %swap3A_297 : vector<1x1x1x8xf32> to vector<8xf32>
      %swap3A_299 = vector.shape_cast %convert_element_type3A_292 : vector<8xf32> to vector<1x1x1x8xf32>
      tpu.vector_store %arg4[%swap3A_293, %swap3A_294, %swap3A_295, %swap3A_296], %swap3A_299 {strides = array<i32>} : memref<1x1x2x8xf32, #tpu.memory_space<vmem>>, vector<1x1x1x8xf32>,
    } else {
    }
    return
  }
  func.func @transform_0(%arg0: i32, %arg1: i32, %arg2: i32) -> (i32, i32, i32, i32) {
    %add3A = arith.constant 3 : i32
    %add3A_0 = arith.addi %arg0, %add3A : i32
    %c0_i32 = arith.constant 0 : i32
    %c0_i32_1 = arith.constant 0 : i32
    return %add3A_0, %arg2, %arg1, %c0_i32 : i32, i32, i32, i32
  }
  func.func @transform_1(%arg0: i32, %arg1: i32, %arg2: i32) -> (i32, i32, i32, i32) {
    %c0_i32 = arith.constant 0 : i32
    %c0_i32_0 = arith.constant 0 : i32
    %c0_i32_1 = arith.constant 0 : i32
    return %arg0, %arg1, %c0_i32, %c0_i32_0 : i32, i32, i32, i32
  }
}

</mosaic_0001>

<sc_bundles>
// kernel: kernel.5.cloned.1.call-start
scs
__scs_entry_jumppad:
0x0: {  	(pc) =	sbr.rel $0x88, $3  }
0x1: {  	(tag) =	ssettag $0x0;
	lr =	simm.s32 $0x1  }
0x2: {  	[smem:$0x3FA0] =	sst lr;
	_ =	strace $0xD0000000  }
0x3: {  	_ = 	snop  }
0x4: {  	_ = 	snop  }
0x5: {  	_ = 	snop  }
0x6: {  	_ = 	snop  }
0x7: {  	_ = 	snop  }
__scs_overlays_trampoline_lowered:
0x8: {  	[smem:$0x3FAF] =	sst s0  }
0x9: {  	[smem:$0x3FB0] =	sst s1  }
0xa: {  	[smem:$0x3FB1] =	sst s2  }
0xb: {  	[smem:$0x3FB2] =	sst s3  }
0xc: {  	[smem:$0x3FB3] =	sst s4  }
0xd: {  	[smem:$0x3FB4] =	sst s5  }
0xe: {  	[smem:$0x3FB5] =	sst s6  }
0xf: {  	[smem:$0x3FB6] =	sst s7  }
0x10: {  	[smem:$0x3FB7] =	sst s8  }
0x11: {  	[smem:$0x3FB8] =	sst s9;
	s0 =	simm.s32 @!p0 $0x0  }
0x12: {  	s1 =	sld [smem:$0x3F9E];
	s0 =	simm.s32 @p0 $0x1  }
0x13: {  	[smem:$0x3FB9] =	sst s0;
	s0 =	simm.s32 @!p1 $0x0  }
0x14: {  	s2 =	sld [smem:$0x3F9D];
	s0 =	simm.s32 @p1 $0x1  }
0x15: {  	[smem:$0x3FBA] =	sst s0;
	s0 =	simm.s32 @!p2 $0x0  }
0x16: {  	s3 =	sld [smem:$0x3FDB];
	s0 =	simm.s32 @p2 $0x1  }
0x17: {  	s4 =	simm.s32 $0x1BF5;
	[smem:$0x3FBC] =	sst s0  }
0x18: {  	s0 =	sld [smem:$0x3F9F];
	_ =	swait.ge [sflag:s4], $0x0  }
0x19: {  	s7 =	sld [smem:$0x3FA0]  }
0x1a: {  	s8 =	sadd.s32 $0xFFFFE003, lr  }
0x1b: {  	s9 =	sadd.s32 $0xFFFFFEF7, lr;
	s5 =	simm.s32 $0xFFFFFFFF;
	p2 =	slt.u32 s8, $0xFFFFF086  }
0x1c: {  	p1 =	slt.u32 s9, $0xF7A;
	s5 =	simm.s32 @!p2 $0x0  }
0x1d: {  	s5 =	simm.s32 @p1 $0x1;
	p0 =	seq.s32 s7, s2  }
0x1e: {  	s7 =	smul.u32 @!p0 $0xF7A, s2;
	p2 =	seq.s32 @!p0 s5, $0x0  }
0x1f: {  	s9 =	smul.u32 $0xF7A, s1;
	s8 =	simm.s32 @!p0 $0x1BF5;
	p2 =	por !p2, p0  }
0x20: {  	[sflag:s8] =	ssyncset.s32 @!p0 $0xFFFFF086;
	s6 =	sadd.s32 @!p0 s3, s7;
	s7 =	simm.s32 @!p0 $0x108  }
0x21: {  	s3 =	sadd.s32 s3, s9;
	s6 =	sadd.s32 @!p0 $0x88, s6;
	s7 =	simm.s32 @p2 $0x1082  }
0x22: {  	[simem:s7], [sflag:s8] =	dma.local @!p0 [hbm:s6], $0xF7A  }
0x23: {  	s9 =	sor.u32 $0xD0000000, s2;
	s6 =	simm.s32 $0x108;
	_ =	swait.ge @!p0 [sflag:s8], $0x0  }
0x24: {  	s3 =	sadd.s32 $0x88, s3;
	s6 =	simm.s32 @!p1 $0x1082;
	[sflag:s4] =	ssyncset.s32 $0xFFFFF086  }
0x25: {  	[simem:s6], [sflag:s4] =	dma.local [hbm:s3], $0xF7A  }
0x26: {  	[smem:$0x3FA0] =	sst s1;
	(tag) =	ssettag s2;
	_ =	strace s9  }
0x27: {  	s1 =	sld [smem:$0x3FB0]  }
0x28: {  	s2 =	sld [smem:$0x3FB1]  }
0x29: {  	s4 =	sld [smem:$0x3FB3]  }
0x2a: {  	p0 =	seq.s32 s5, $0x0;
	s5 =	sld [smem:$0x3FB4]  }
0x2b: {  	s6 =	sld [smem:$0x3FB5]  }
0x2c: {  	s7 =	sld [smem:$0x3FB6]  }
0x2d: {  	s3 =	simm.s32 $0x108;
	s8 =	sld [smem:$0x3FB7]  }
0x2e: {  	s3 =	simm.s32 @!p0 $0x1082;
	s9 =	sld [smem:$0x3FB8]  }
0x2f: {  	lr =	sadd.s32 s0, s3;
	s0 =	sld [smem:$0x3FAF]  }
0x30: {  	s3 =	sld [smem:$0x3FB2]  }
0x31: {  	[smem:$0x3FBB] =	sst s10  }
0x32: {  	s10 =	sld [smem:$0x3FB9];
	_ =	sdelay $0x3  }
0x33: {  	p0 =	seq.s32 s10, $0x1;
	s10 =	sld [smem:$0x3FBB];
	_ =	sdelay $0x3  }
0x34: {  	[smem:$0x3FBB] =	sst s10  }
0x35: {  	s10 =	sld [smem:$0x3FBA];
	_ =	sdelay $0x3  }
0x36: {  	p1 =	seq.s32 s10, $0x1;
	s10 =	sld [smem:$0x3FBB];
	_ =	sdelay $0x3  }
0x37: {  	[smem:$0x3FBB] =	sst s10  }
0x38: {  	s10 =	sld [smem:$0x3FBC]  }
0x39: {  	_ = 	snop;
	(pc) =	sbr.ind lr, $3  }
0x3a: {  	_ = 	snop  }
0x3b: {  	_ = 	snop  }
0x3c: {  	p2 =	seq.s32 s10, $0x1;
	s10 =	sld [smem:$0x3FBB]  }
0x3d: {  	_ =	shalt  }
0x3e: {  	_ =	shalt  }
0x3f: {  	_ =	shalt  }
0x40: {  	_ =	shalt  }
0x41: {  	_ =	shalt  }
0x42: {  	_ =	shalt  }
0x43: {  	_ =	shalt  }
0x44: {  	_ =	shalt  }
0x45: {  	_ =	shalt  }
0x46: {  	_ =	shalt  }
0x47: {  	_ =	shalt  }
0x48: {  	_ =	shalt  }
0x49: {  	_ =	shalt  }
0x4a: {  	_ =	shalt  }
0x4b: {  	_ =	shalt  }
0x4c: {  	_ =	shalt  }
0x4d: {  	_ =	shalt  }
0x4e: {  	_ =	shalt  }
0x4f: {  	_ =	shalt  }
0x50: {  	_ =	shalt  }
0x51: {  	_ =	shalt  }
0x52: {  	_ =	shalt  }
0x53: {  	_ =	shalt  }
0x54: {  	_ =	shalt  }
0x55: {  	_ =	shalt  }
0x56: {  	_ =	shalt  }
0x57: {  	_ =	shalt  }
0x58: {  	_ =	shalt  }
0x59: {  	_ =	shalt  }
0x5a: {  	_ =	shalt  }
0x5b: {  	_ =	shalt  }
0x5c: {  	_ =	shalt  }
0x5d: {  	_ =	shalt  }
0x5e: {  	_ =	shalt  }
0x5f: {  	_ =	shalt  }
0x60: {  	_ =	shalt  }
0x61: {  	_ =	shalt  }
0x62: {  	_ =	shalt  }
0x63: {  	_ =	shalt  }
0x64: {  	_ =	shalt  }
0x65: {  	_ =	shalt  }
0x66: {  	_ =	shalt  }
0x67: {  	_ =	shalt  }
0x68: {  	_ =	shalt  }
0x69: {  	_ =	shalt  }
0x6a: {  	_ =	shalt  }
0x6b: {  	_ =	shalt  }
0x6c: {  	_ =	shalt  }
0x6d: {  	_ =	shalt  }
0x6e: {  	_ =	shalt  }
0x6f: {  	_ =	shalt  }
0x70: {  	_ =	shalt  }
0x71: {  	_ =	shalt  }
0x72: {  	_ =	shalt  }
0x73: {  	_ =	shalt  }
0x74: {  	_ =	shalt  }
0x75: {  	_ =	shalt  }
0x76: {  	_ =	shalt  }
0x77: {  	_ =	shalt  }
0x78: {  	_ =	shalt  }
0x79: {  	_ =	shalt  }
0x7a: {  	_ =	shalt  }
0x7b: {  	_ =	shalt  }
0x7c: {  	_ =	shalt  }
0x7d: {  	_ =	shalt  }
0x7e: {  	_ =	shalt  }
0x7f: {  	_ =	shalt  }
0x80: {  	_ =	shalt  }
0x81: {  	_ =	shalt  }
0x82: {  	_ =	shalt  }
0x83: {  	_ =	shalt  }
0x84: {  	_ =	shalt  }
0x85: {  	_ =	shalt  }
0x86: {  	_ =	shalt  }
0x87: {  	_ =	shalt  }
.Lfunc_end0:
.L_simem_size_0:
called_computation.1_lowered:
.L_overlay_start_0:
0x88: {  	s2 =	sld [smem:$0x3FD9]  }
0x89: {  	s3 =	sld [smem:$0x3FFE];
	_ =	sdelay $0x1  }
0x8a: {  	s1 =	srdreg.scid  }
0x8b: {  	s0 =	sand.u32 $0x1, s1  }
0x8c: {  	s17 =	sshll.u32 s0, $0xA;
	s2 =	sadd.s32 s3, s2  }
0x8d: {  	s2 =	sadd.s32 s2, s17  }
0x8e: {  	[smem:$0x3FC7] =	sst s2  }
0x8f: {  	_ = 	snop  }
0x90: {  	s2 =	sld [smem:$0x3FD0];
	(tm) =	ssettm $0x1  }
0x91: {  	s18 =	sld [smem:$0x3FFB];
	_ =	sdelay $0x3  }
0x92: {  	_ =	strace s18  }
0x93: {  	s3 =	sld [smem:$0x3FFC];
	_ =	sdelay $0x3  }
0x94: {  	_ =	strace s3  }
0x95: {  	s3 =	sld [smem:$0x3FFD];
	_ =	sdelay $0x3  }
0x96: {  	_ =	strace s3  }
0x97: {  	_ =	strace $0x8FFFFFFF  }
0x98: {  	s19 =	sld [smem:$0x3FDB];
	_ =	sdelay $0x1  }
0x99: {  	s4 =	simm.s32 $_scs_section_size  }
0x9a: {  	s5 =	simm.s32 $_size__tile_overlayer_lowered;
	s6 =	simm.s32 $_tile_overlayer_lowered  }
0x9b: {  	s22 =	simm.s32 $0x1BFF;
	s21 =	sshll.u32 s6, $0x1;
	s3 =	sadd.s32 s4, s19  }
0x9c: {  	s7 =	simm.s32 $0x0;
	s20 =	sshll.u32 s5, $0x1;
	s5 =	sadd.s32 s21, s3  }
0x9d: {  	[timem:s7], [sflag:s22] =	dma.local [hbm:s5], s20  }
0x9e: {  	_ =	swait.ge [sflag:s22], s20  }
0x9f: {  	s4 =	ssub.s32 $0x0, s20;
	[sflag:s22] =	ssyncset.done $0x0  }
0xa0: {  	[sflag:s22] =	ssyncadd.s32 s4;
	_ =	sdelay $0x1  }
0xa1: {  	s23 =	simm.s32 $0x1B8B  }
0xa2: {  	_ =	swait.ge [sflag:s23], $0x1  }
0xa3: {  	[sflag:s23] =	ssyncset.done $0x0  }
0xa4: {  	s25 =	simm.s32 $0x1B8E;
	s24 =	sld [smem:$0x3FFE];
	[sflag:s23] =	ssyncadd.s32 $0xFFFFFFFF  }
0xa5: {  	s26 =	simm.s32 $execute0_lowered;
	[smem:$0x3FD2] =	sst s25  }
0xa6: {  	s5 =	sshll.u32 s26, $0x1;
	_ =	strace $0x80000049;
	[dreg:$0x1] =	wrdreg $0xFFFFFFFF  }
0xa7: {  	s28 =	simm.s32 $_size_execute0_lowered;
	s3 =	sadd.s32 s3, s5;
	[dreg:$0x0] =	wrdreg $0x0  }
0xa8: {  	s5 =	sshll.u32 s28, $0x1;
	[dreg:$0x2] =	wrdreg s3  }
0xa9: {  	[dreg:$0x3] =	wrdreg s5  }
0xaa: {  	[dreg:$0x4] =	wrdreg $0xC0  }
0xab: {  	_ =	task [dreg:s7], $0x5FFFF  }
0xac: {  	[dreg:$0x1] =	wrdreg $0xFFFFFFFF  }
0xad: {  	[dreg:$0x0] =	wrdreg $0x60  }
0xae: {  	[dreg:$0x2] =	wrdreg s24  }
0xaf: {  	[dreg:$0x3] =	wrdreg s2  }
0xb0: {  	[dreg:$0x4] =	wrdreg $0xC1000  }
0xb1: {  	[dreg:$0x5] =	wrdreg $0xC1600  }
0xb2: {  	[dreg:$0x6] =	wrdreg $0x9  }
0xb3: {  	_ =	task.clear_ibuf [dreg:s7], $0x7FFFF;
	_ =	strace $0x90000049  }
0xb4: {  	s29 =	simm.s32 $0x9;
	_ =	strace $0x8000004B  }
0xb5: {  	_ =	swait.ge [sflag:s29], $0x1  }
0xb6: {  	[sflag:s29] =	ssyncadd.s32 $0xFFFFFFFF  }
0xb7: {  	_ =	strace $0x9000004B  }
0xb8: {  	_ =	sfence  }
0xb9: {  	s30 =	sld [smem:$0x0];
	_ =	sdelay $0x2  }
0xba: {  	s31 =	sshll.u32 s1, $0xD;
	s1 =	sshrl.u32 s1, $0x2  }
0xbb: {  	s3 =	sand.u32 $0x4000, s31;
	s1 =	sadd.s32 s1, s30  }
0xbc: {  	s0 =	sor.u32 s3, s0;
	s1 =	sshll.u32 s1, $0x11  }
0xbd: {  	s0 =	sor.u32 s1, s0  }
0xbe: {  	s0 =	sadd.s32 $0x8F2B, s0  }
0xbf: {  	[sflag:s0] =	ssyncadd.remote.s32 $0x1  }
0xc0: {  	_ =	sfence.sel $0xFFFF  }
0xc1: {  	[dreg:$0x0] =	wrdreg $0xFFFFFFFF;
	(pc) =	sbr.abs _section_cstart, $3  }
0xc2: {  	[dreg:$0x1] =	wrdreg $0xFFFFFFFF  }
0xc3: {  	_ =	task.clear_ibuf [dreg:s7], $0x2FFFF;
	_ =	strace $0x9FFFFFFF  }
0xc4: {  	(tm) =	ssettm $0x7FFFFFFF  }
0xc5: {  	_ =	shalt  }
tec
execute0_lowered:
.L_overlay_start_1:
0x0: {  	(tag) =	ssettag $0x1  }
0x1: {  	s0 =	rddreg [dreg:$0x0]  }
0x2: {  	s13 =	rddreg [dreg:$0x1];
	s2 =	srdreg.scid  }
0x3: {  	s1 =	rddreg [dreg:$0x2];
	s18 =	stileid.u32;
	s3 =	simm.s32 $0x0  }
0x4: {  	s15 =	simm.s32 $0x6000;
	s16 =	simm.s32 $0x1;
	s17 =	simm.s32 $0x2  }
0x5: {  	s19 =	simm.s32 $0x3;
	s20 =	simm.s32 $0xC080;
	s22 =	simm.s32 $0xC7C0  }
0x6: {  	s23 =	simm.s32 $0x80;
	s24 =	simm.s32 $0x100;
	s25 =	simm.s32 $0xCDC0  }
0x7: {  	s26 =	simm.s32 $0x0;
	s5 =	sand.u32 $0x1, s2;
	s2 =	rddreg [dreg:$0x3]  }
0x8: {  	[smem:$0x7FF] =	sst s3;
	s4 =	sadd.s32 $0xA00, s0;
	s14 =	sshll.u32 s5, $0x4  }
0x9: {  	s12 =	smul.u32 $0x60, s18;
	p0 =	sne.s32 s18, $0x0;
	s6 =	sor.u32 s18, s14  }
0xa: {  	_ =	strace $0x8000004A;
	s30 =	ssub.s32 $0x2, s5;
	s10 =	smul.u32 $0x6C000, s6  }
.Ltmp0:
0xb: {  	s7 =	sshrl.u32 s30, $0x1;
	s11 =	sadd.s32 s12, s1;
	(pc) =	sbr.rel .LBB2_1-.Ltmp0, $4  }
0xc: {  	s12 =	sadd.s32 s12, s2;
	s13 =	sadd.s32 s13, s14;
	s18 =	simm.s32 $0xC000  }
0xd: {  	s5 =	smul.u32 $0x1200, s6;
	s0 =	ssub.s32 s30, s7;
	s31 =	sshrl.u32 s10, $0x3  }
0xe: {  	s14 =	smax.u32 s0, $0x1;
	s8 =	sadd.s32 $0xC000, s10;
	s6 =	sadd.s32 s4, s31  }
0xf: {  	s9 =	sor.u32 $0x100, s5;
	s10 =	sadd.s32 $0x12000, s10;
	s7 =	sadd.s32 $0xC00, s6  }
.LBB2_8:
0x10: {  	[tilespmem:$0xC000] =	vst v22  }
0x11: {  	[tilespmem:$0xC080] =	vst v6  }
0x12: {  	[tilespmem:$0xC010] =	vst v21  }
0x13: {  	[tilespmem:$0xC090] =	vst v5  }
0x14: {  	[tilespmem:$0xC020] =	vst v20  }
0x15: {  	[tilespmem:$0xC0A0] =	vst v3  }
0x16: {  	[tilespmem:$0xC030] =	vst v8  }
0x17: {  	[tilespmem:$0xC0B0] =	vst v2  }
0x18: {  	[tilespmem:$0xC040] =	vst v7  }
0x19: {  	[tilespmem:$0xC0C0] =	vst v1  }
0x1a: {  	[tilespmem:$0xC050] =	vst v4  }
0x1b: {  	[tilespmem:$0xC0D0] =	vst v0  }
0x1c: {  	[spmem:s11] =	stream.linear.scatter [tilespmem:s18], [sflag:$0x3], $0x60, $0x38;
	[tilespmem:$0xCF40] =	vst v63  }
0x1d: {  	_ =	swait.ge [sflag:s19], $0x60  }
0x1e: {  	[sflag:s19] =	ssyncset.done $0x0  }
0x1f: {  	[sflag:s19] =	ssyncadd.s32 $0xFFFFFFA0  }
0x20: {  	[spmem:s12] =	stream.linear.scatter [tilespmem:s20], [sflag:$0x3], $0x60, $0x38;
	[tilespmem:$0xCF40] =	vst v63  }
.Ltmp1:
0x21: {  	_ =	swait.ge [sflag:s19], $0x60;
	(pc) =	sbr.rel @!p0 .LBB2_9-.Ltmp1, $3  }
0x22: {  	[sflag:s19] =	ssyncset.done $0x0  }
0x23: {  	[sflag:s19] =	ssyncadd.s32 $0xFFFFFFA0  }
0x24: {  	[bflag:$0x0] =	sbarrier.arrive $0xFFFF;
	_ =	sdelay $0x1  }
.LBB2_10:
0x25: {  	s26 =	sadd.s32 $0x1, s26  }
0x26: {  	p1 =	sne.s32 s26, s14  }
.Ltmp2:
0x27: {  	_ = 	snop;
	(pc) =	sbr.rel @!p1 .LBB2_11-.Ltmp2, $1  }
0x28: {  	_ =	sdelay $0x3  }
.LBB2_1:
0x29: {  	v4 =	vimm.f32 $-Inf;
	v0 =	vimm.s32 $0x0;
	v1 =	vimm.s32 $0x0  }
0x2a: {  	[tilespmem:s3], [sflag:$0x1] =	stream.linear.gather [hbm4b:s6+s3], $0x6000, $0x38;
	v2 =	vimm.s32 $0x0;
	v3 =	vimm.s32 $0x0;
	v5 =	vimm.s32 $0x0;
	[tilespmem:$0xCF40] =	vst v63  }
0x2b: {  	v6 =	vimm.s32 $0x0;
	v7 =	vimm.f32 $-Inf;
	v8 =	vimm.f32 $-Inf;
	s28 =	simm.s32 $0x0  }
0x2c: {  	v20 =	vimm.f32 $-Inf;
	v21 =	vimm.f32 $-Inf;
	v22 =	vimm.f32 $-Inf;
	[tilespmem:s15], [sflag:$0x2] =	stream.linear.gather [hbm4b:s7+s3], $0x6000, $0x38;
	[tilespmem:$0xCF40] =	vst v63  }
.LBB2_2:
0x2d: {  	_ =	swait.ge [sflag:s16], $0x6000  }
0x2e: {  	[sflag:s16] =	ssyncset.done $0x0  }
0x2f: {  	s0 =	simm.s32 $0x60;
	[sflag:s16] =	ssyncadd.s32 $0xFFFFA000  }
0x30: {  	v11 =	vld [tilespmem:s0+$0x0]  }
0x31: {  	v12 =	vld [tilespmem:s0+$0x10]  }
0x32: {  	v23 =	vld [tilespmem:s0+$0xFFFFFFA0]  }
0x33: {  	s30 =	simm.s32 $0x0;
	v24 =	vld [tilespmem:s0+$0xFFFFFFB0]  }
0x34: {  	s31 =	sand.u32 $0x7FC0, s30;
	v25 =	vld [tilespmem:s0+$0xFFFFFFC0]  }
0x35: {  	v18 =	vld [tilespmem:s31+$0x80]  }
0x36: {  	s29 =	sshll.u32 s28, $0x9;
	v13 =	vld [tilespmem:s0+$0x30]  }
0x37: {  	s31 =	sadd.s32 s5, s29;
	v14 =	vld [tilespmem:s0+$0xFFFFFFD0]  }
0x38: {  	v16 =	vld [tilespmem:s0+$0xFFFFFFE0];
	v10 =	vmov s31  }
0x39: {  	v19 =	vld [tilespmem:s0+$0xFFFFFFF0];
	v9 =	vor.u32 $0x1, v10;
	v15 =	vadd.s32 $0x2, v10  }
0x3a: {  	v17 =	vld [tilespmem:s0+$0x40];
	vm0 =	vgt.f32 v23, v22;
	vm1 =	vgt.f32 v24, v21;
	vm2 =	vgt.f32 v25, v20  }
0x3b: {  	v23 =	vsel vm0, v23, v22;
	v21 =	vsel vm1, v24, v21;
	v22 =	vsel vm2, v25, v20;
	v20 =	vld [tilespmem:s0+$0x50]  }
0x3c: {  	s31 =	simm.s32 $0x0;
	s0 =	simm.s32 $0x120;
	vm4 =	vgt.f32 v11, v23;
	vm5 =	vgt.f32 v12, v21;
	vm3 =	vgt.f32 v18, v22  }
.LBB2_3:
0x3d: {  	v23 =	vsel vm4, v11, v23;
	v11 =	vld [tilespmem:s0+$0x0];
	v21 =	vsel vm5, v12, v21;
	v22 =	vsel vm3, v18, v22  }
0x3e: {  	vm6 =	vgt.f32 v14, v8;
	vm7 =	vgt.f32 v16, v7;
	v12 =	vld [tilespmem:s0+$0x10];
	vm8 =	vgt.f32 v19, v4  }
0x3f: {  	v8 =	vsel vm6, v14, v8;
	v7 =	vsel vm7, v16, v7;
	v24 =	vld [tilespmem:s0+$0x30];
	v4 =	vsel vm8, v19, v4  }
0x40: {  	vm9 =	vgt.f32 v13, v8;
	vm10 =	vgt.f32 v17, v7;
	v25 =	vld [tilespmem:s0+$0xFFFFFFA0];
	vm11 =	vgt.f32 v20, v4  }
0x41: {  	v8 =	vsel vm9, v13, v8;
	v7 =	vsel vm10, v17, v7;
	v26 =	vld [tilespmem:s0+$0xFFFFFFB0];
	v4 =	vsel vm11, v20, v4  }
0x42: {  	s30 =	sadd.s32 $0xC0, s30;
	v2 =	vsel vm6, v10, v2;
	v1 =	vsel vm7, v10, v1;
	v0 =	vsel vm8, v10, v0;
	v20 =	vld [tilespmem:s0+$0xFFFFFFC0]  }
0x43: {  	s31 =	sadd.s32 $0x2, s31;
	s21 =	sand.u32 $0x7FC0, s30;
	v2 =	vsel vm9, v9, v2;
	v1 =	vsel vm10, v9, v1;
	v0 =	vsel vm11, v9, v0;
	v14 =	vld [tilespmem:s0+$0xFFFFFFD0]  }
0x44: {  	v6 =	vsel vm0, v10, v6;
	v5 =	vsel vm1, v10, v5;
	v3 =	vsel vm2, v10, v3;
	p1 =	slt.u32 s31, $0xFE;
	v18 =	vld [tilespmem:s21+$0x80];
	v13 =	vmovc v24  }
.Ltmp3:
0x45: {  	v6 =	vsel vm4, v9, v6;
	v5 =	vsel vm5, v9, v5;
	v3 =	vsel vm3, v9, v3;
	v10 =	vmovc v15;
	v16 =	vld [tilespmem:s0+$0xFFFFFFE0];
	(pc) =	sbr.rel @p1 .LBB2_3-.Ltmp3, $4  }
0x46: {  	v15 =	vadd.s32 $0x2, v15;
	v9 =	vor.u32 $0x1, v10;
	v19 =	vld [tilespmem:s0+$0xFFFFFFF0]  }
0x47: {  	vm0 =	vgt.f32 v25, v23;
	vm1 =	vgt.f32 v26, v21;
	vm2 =	vgt.f32 v20, v22;
	v17 =	vld [tilespmem:s0+$0x40]  }
0x48: {  	v23 =	vsel vm0, v25, v23;
	v21 =	vsel vm1, v26, v21;
	v22 =	vsel vm2, v20, v22;
	v20 =	vld [tilespmem:s0+$0x50]  }
0x49: {  	vm4 =	vgt.f32 v11, v23;
	vm5 =	vgt.f32 v12, v21;
	s0 =	sadd.s32 $0xC0, s0;
	vm3 =	vgt.f32 v18, v22  }
0x4a: {  	p1 =	seq.s32 s28, $0x8  }
0x4b: {  	s0 =	smul.u32 @!p1 $0xC000, s28;
	_ =	sdelay $0x1  }
0x4c: {  	s0 =	sadd.s32 @!p1 s0, s8  }
0x4d: {  	s0 =	sshrl.u32 @!p1 s0, $0x3  }
0x4e: {  	s21 =	simm.s32 @!p1 $0x0;
	s0 =	sadd.s32 @!p1 s4, s0  }
0x4f: {  	[tilespmem:s21], [sflag:$0x1] =	stream.linear.gather @!p1 [hbm4b:s0+s21], $0x6000, $0x38;
	[tilespmem:$0xCF40] =	vst v63  }
0x50: {  	_ =	swait.ge [sflag:s17], $0x6000  }
0x51: {  	s30 =	simm.s32 $0x0;
	[sflag:s17] =	ssyncset.done $0x0  }
0x52: {  	v23 =	vsel vm4, v11, v23;
	v24 =	vsel vm5, v12, v21;
	s21 =	sand.u32 $0x7FC0, s30;
	[sflag:s17] =	ssyncadd.s32 $0xFFFFA000  }
0x53: {  	vm6 =	vgt.f32 v14, v8;
	vm7 =	vgt.f32 v16, v7;
	vm8 =	vgt.f32 v19, v4;
	s0 =	simm.s32 $0x6060;
	v15 =	vld [tilespmem:s21+$0x6080]  }
0x54: {  	v8 =	vsel vm6, v14, v8;
	v11 =	vsel vm7, v16, v7;
	v12 =	vsel vm8, v19, v4;
	v4 =	vld [tilespmem:s0+$0x0]  }
0x55: {  	vm9 =	vgt.f32 v13, v8;
	vm10 =	vgt.f32 v17, v11;
	vm11 =	vgt.f32 v20, v12;
	v21 =	vld [tilespmem:s0+$0xFFFFFFA0]  }
0x56: {  	v7 =	vsel vm9, v13, v8;
	v8 =	vsel vm10, v17, v11;
	v11 =	vsel vm11, v20, v12;
	v20 =	vld [tilespmem:s0+$0xFFFFFFB0]  }
0x57: {  	v2 =	vsel vm6, v10, v2;
	v12 =	vsel vm8, v10, v0;
	v25 =	vld [tilespmem:s0+$0xFFFFFFC0]  }
0x58: {  	v0 =	vsel vm9, v9, v2;
	v2 =	vsel vm11, v9, v12;
	v12 =	vld [tilespmem:s0+$0x10]  }
0x59: {  	v22 =	vsel vm3, v18, v22;
	v6 =	vsel vm0, v10, v6;
	v3 =	vsel vm2, v10, v3;
	v13 =	vld [tilespmem:s0+$0x30]  }
0x5a: {  	s31 =	sadd.s32 s29, s9;
	v1 =	vsel vm7, v10, v1;
	v14 =	vsel vm1, v10, v5;
	v5 =	vsel vm4, v9, v6;
	v16 =	vld [tilespmem:s0+$0xFFFFFFD0]  }
0x5b: {  	v6 =	vsel vm5, v9, v14;
	v1 =	vsel vm10, v9, v1;
	v10 =	vmov s31;
	v17 =	vld [tilespmem:s0+$0xFFFFFFE0]  }
0x5c: {  	v9 =	vsel vm3, v9, v3;
	v3 =	vor.u32 $0x1, v10;
	v14 =	vadd.s32 $0x2, v10;
	v19 =	vld [tilespmem:s0+$0xFFFFFFF0]  }
0x5d: {  	v18 =	vld [tilespmem:s0+$0x40];
	vm0 =	vgt.f32 v21, v23;
	vm1 =	vgt.f32 v20, v24;
	vm2 =	vgt.f32 v25, v22  }
0x5e: {  	v21 =	vsel vm0, v21, v23;
	v20 =	vsel vm1, v20, v24;
	v24 =	vsel vm2, v25, v22;
	v23 =	vld [tilespmem:s0+$0x50]  }
0x5f: {  	s29 =	simm.s32 $0x0;
	s0 =	simm.s32 $0x6120;
	vm3 =	vgt.f32 v4, v21;
	vm4 =	vgt.f32 v12, v20;
	vm5 =	vgt.f32 v15, v24  }
.LBB2_5:
0x60: {  	v21 =	vsel vm3, v4, v21;
	v4 =	vld [tilespmem:s0+$0x0];
	v20 =	vsel vm4, v12, v20;
	v22 =	vsel vm5, v15, v24  }
0x61: {  	vm6 =	vgt.f32 v16, v7;
	vm7 =	vgt.f32 v17, v8;
	v12 =	vld [tilespmem:s0+$0x10];
	vm8 =	vgt.f32 v19, v11  }
0x62: {  	v7 =	vsel vm6, v16, v7;
	v8 =	vsel vm7, v17, v8;
	v24 =	vld [tilespmem:s0+$0x30];
	v11 =	vsel vm8, v19, v11  }
0x63: {  	vm9 =	vgt.f32 v13, v7;
	vm10 =	vgt.f32 v18, v8;
	v25 =	vld [tilespmem:s0+$0xFFFFFFA0];
	vm11 =	vgt.f32 v23, v11  }
0x64: {  	v7 =	vsel vm9, v13, v7;
	v8 =	vsel vm10, v18, v8;
	v26 =	vld [tilespmem:s0+$0xFFFFFFB0];
	v11 =	vsel vm11, v23, v11  }
0x65: {  	s30 =	sadd.s32 $0xC0, s30;
	v0 =	vsel vm6, v10, v0;
	v1 =	vsel vm7, v10, v1;
	v2 =	vsel vm8, v10, v2;
	v23 =	vld [tilespmem:s0+$0xFFFFFFC0]  }
0x66: {  	s29 =	sadd.s32 $0x2, s29;
	s21 =	sand.u32 $0x7FC0, s30;
	v0 =	vsel vm9, v3, v0;
	v1 =	vsel vm10, v3, v1;
	v2 =	vsel vm11, v3, v2;
	v16 =	vld [tilespmem:s0+$0xFFFFFFD0]  }
0x67: {  	v5 =	vsel vm0, v10, v5;
	v6 =	vsel vm1, v10, v6;
	v9 =	vsel vm2, v10, v9;
	p2 =	slt.u32 s29, $0xFE;
	v15 =	vld [tilespmem:s21+$0x6080];
	v13 =	vmovc v24  }
.Ltmp4:
0x68: {  	v5 =	vsel vm3, v3, v5;
	v6 =	vsel vm4, v3, v6;
	v9 =	vsel vm5, v3, v9;
	v10 =	vmovc v14;
	v17 =	vld [tilespmem:s0+$0xFFFFFFE0];
	(pc) =	sbr.rel @p2 .LBB2_5-.Ltmp4, $4  }
0x69: {  	v14 =	vadd.s32 $0x2, v14;
	v3 =	vor.u32 $0x1, v10;
	v19 =	vld [tilespmem:s0+$0xFFFFFFF0]  }
0x6a: {  	vm0 =	vgt.f32 v25, v21;
	vm1 =	vgt.f32 v26, v20;
	vm2 =	vgt.f32 v23, v22;
	v18 =	vld [tilespmem:s0+$0x40]  }
0x6b: {  	v21 =	vsel vm0, v25, v21;
	v20 =	vsel vm1, v26, v20;
	v24 =	vsel vm2, v23, v22;
	v23 =	vld [tilespmem:s0+$0x50]  }
0x6c: {  	vm3 =	vgt.f32 v4, v21;
	vm4 =	vgt.f32 v12, v20;
	s0 =	sadd.s32 $0xC0, s0;
	vm5 =	vgt.f32 v15, v24  }
0x6d: {  	v22 =	vsel vm3, v4, v21;
	v21 =	vsel vm4, v12, v20;
	v20 =	vsel vm5, v15, v24  }
0x6e: {  	vm6 =	vgt.f32 v16, v7;
	vm7 =	vgt.f32 v17, v8;
	v5 =	vsel vm0, v10, v5  }
0x6f: {  	v9 =	vsel vm2, v10, v9;
	vm8 =	vgt.f32 v19, v11;
	v4 =	vsel vm6, v16, v7  }
0x70: {  	v7 =	vsel vm7, v17, v8;
	v0 =	vsel vm6, v10, v0;
	v1 =	vsel vm7, v10, v1  }
.Ltmp5:
0x71: {  	v11 =	vsel vm8, v19, v11;
	vm9 =	vgt.f32 v13, v4;
	vm10 =	vgt.f32 v18, v7;
	(pc) =	sbr.rel @p1 .LBB2_8-.Ltmp5, $4  }
0x72: {  	vm11 =	vgt.f32 v23, v11;
	v8 =	vsel vm9, v13, v4;
	v7 =	vsel vm10, v18, v7  }
0x73: {  	v1 =	vsel vm10, v3, v1;
	v4 =	vsel vm11, v23, v11;
	v11 =	vsel vm8, v10, v2  }
0x74: {  	v2 =	vsel vm9, v3, v0;
	v0 =	vsel vm11, v3, v11;
	v11 =	vsel vm1, v10, v6  }
0x75: {  	v6 =	vsel vm3, v3, v5;
	v5 =	vsel vm4, v3, v11;
	v3 =	vsel vm5, v3, v9  }
0x76: {  	s0 =	smul.u32 $0xC000, s28  }
.Ltmp6:
0x77: {  	_ = 	snop;
	(pc) =	sbr.rel .LBB2_2-.Ltmp6, $4  }
0x78: {  	s0 =	sadd.s32 s0, s10  }
0x79: {  	s0 =	sshrl.u32 s0, $0x3  }
0x7a: {  	s28 =	sadd.s32 $0x1, s28;
	s0 =	sadd.s32 s4, s0  }
0x7b: {  	[tilespmem:s15], [sflag:$0x2] =	stream.linear.gather [hbm4b:s0+s3], $0x6000, $0x38;
	[tilespmem:$0xCF40] =	vst v63  }
.LBB2_9:
0x7c: {  	s0 =	simm.s32 $0xC1C0  }
0x7d: {  	[tilespmem:s0], [sflag:$0x3] =	stream.linear.gather [spmem:s1], $0x600, $0x38;
	[tilespmem:$0xCF40] =	vst v63  }
0x7e: {  	_ =	swait.ge [sflag:s19], $0x600  }
0x7f: {  	[sflag:s19] =	ssyncset.done $0x0  }
0x80: {  	[sflag:s19] =	ssyncadd.s32 $0xFFFFFA00  }
0x81: {  	[tilespmem:s22], [sflag:$0x3] =	stream.linear.gather [spmem:s2], $0x600, $0x38;
	[tilespmem:$0xCF40] =	vst v63  }
0x82: {  	_ =	swait.ge [sflag:s19], $0x600  }
0x83: {  	[sflag:s19] =	ssyncset.done $0x0  }
0x84: {  	[sflag:s19] =	ssyncadd.s32 $0xFFFFFA00  }
0x85: {  	v7 =	vld [tilespmem:$0xC1C0]  }
0x86: {  	v40 =	vld [tilespmem:$0xC7C0]  }
0x87: {  	v9 =	vld [tilespmem:$0xC220]  }
0x88: {  	v38 =	vld [tilespmem:$0xC820]  }
0x89: {  	v10 =	vld [tilespmem:$0xC280]  }
0x8a: {  	v41 =	vld [tilespmem:$0xC880]  }
0x8b: {  	v12 =	vld [tilespmem:$0xC2E0]  }
0x8c: {  	v55 =	vld [tilespmem:$0xC8E0]  }
0x8d: {  	v53 =	vld [tilespmem:$0xC340]  }
0x8e: {  	v56 =	vld [tilespmem:$0xC940]  }
0x8f: {  	v54 =	vld [tilespmem:$0xC3A0]  }
0x90: {  	v44 =	vld [tilespmem:$0xC9A0]  }
0x91: {  	v2 =	vld [tilespmem:$0xC400]  }
0x92: {  	v45 =	vld [tilespmem:$0xCA00]  }
0x93: {  	v4 =	vld [tilespmem:$0xC460]  }
0x94: {  	v46 =	vld [tilespmem:$0xCA60]  }
0x95: {  	v5 =	vld [tilespmem:$0xC4C0]  }
0x96: {  	v57 =	vld [tilespmem:$0xCAC0]  }
0x97: {  	v8 =	vld [tilespmem:$0xC520]  }
0x98: {  	v47 =	vld [tilespmem:$0xCB20]  }
0x99: {  	v13 =	vld [tilespmem:$0xC580]  }
0x9a: {  	v58 =	vld [tilespmem:$0xCB80]  }
0x9b: {  	v17 =	vld [tilespmem:$0xC5E0]  }
0x9c: {  	v50 =	vld [tilespmem:$0xCBE0]  }
0x9d: {  	v20 =	vld [tilespmem:$0xC640]  }
0x9e: {  	v59 =	vld [tilespmem:$0xCC40]  }
0x9f: {  	v23 =	vld [tilespmem:$0xC6A0]  }
0xa0: {  	v62 =	vld [tilespmem:$0xCCA0]  }
0xa1: {  	v26 =	vld [tilespmem:$0xC700]  }
0xa2: {  	v51 =	vld [tilespmem:$0xCD00]  }
0xa3: {  	v63 =	vld [tilespmem:$0xC760]  }
0xa4: {  	v52 =	vld [tilespmem:$0xCD60]  }
0xa5: {  	v1 =	vld [tilespmem:$0xC1D0]  }
0xa6: {  	v0 =	vld [tilespmem:$0xC7D0]  }
0xa7: {  	v60 =	vld [tilespmem:$0xC830]  }
0xa8: {  	v3 =	vld [tilespmem:$0xC290]  }
0xa9: {  	v6 =	vld [tilespmem:$0xC890]  }
0xaa: {  	v11 =	vld [tilespmem:$0xC8F0]  }
0xab: {  	v14 =	vld [tilespmem:$0xC950]  }
0xac: {  	v15 =	vld [tilespmem:$0xC9B0]  }
0xad: {  	v18 =	vld [tilespmem:$0xC410]  }
0xae: {  	v27 =	vld [tilespmem:$0xCA10]  }
0xaf: {  	v22 =	vld [tilespmem:$0xC470]  }
0xb0: {  	v28 =	vld [tilespmem:$0xCA70]  }
0xb1: {  	v24 =	vld [tilespmem:$0xC4D0]  }
0xb2: {  	v29 =	vld [tilespmem:$0xCAD0]  }
0xb3: {  	v30 =	vld [tilespmem:$0xCB30]  }
0xb4: {  	v31 =	vld [tilespmem:$0xCB90]  }
0xb5: {  	v32 =	vld [tilespmem:$0xCBF0]  }
0xb6: {  	v49 =	vld [tilespmem:$0xC650]  }
0xb7: {  	v33 =	vld [tilespmem:$0xCC50]  }
0xb8: {  	v42 =	vld [tilespmem:$0xC6B0]  }
0xb9: {  	v34 =	vld [tilespmem:$0xCCB0]  }
0xba: {  	v35 =	vld [tilespmem:$0xCD10]  }
0xbb: {  	v36 =	vld [tilespmem:$0xCD70]  }
0xbc: {  	v16 =	vld [tilespmem:$0xC1E0]  }
0xbd: {  	v37 =	vld [tilespmem:$0xC7E0]  }
0xbe: {  	v19 =	vld [tilespmem:$0xC840]  }
0xbf: {  	v21 =	vld [tilespmem:$0xC8A0]  }
0xc0: {  	v25 =	vld [tilespmem:$0xC900]  }
0xc1: {  	v61 =	vld [tilespmem:$0xC480]  }
0xc2: {  	v39 =	vld [tilespmem:$0xCA80]  }
0xc3: {  	v48 =	vld [tilespmem:$0xC4E0]  }
0xc4: {  	v43 =	vld [tilespmem:$0xCAE0]  }
0xc5: {  	[tilespmem:$0x1FDC0] =	vst v0;
	v0 =	vld [tilespmem:$0xC230]  }
0xc6: {  	[tilespmem:$0x1FDD0] =	vst v6;
	v6 =	vld [tilespmem:$0xC2F0]  }
0xc7: {  	[tilespmem:$0x1FDE0] =	vst v11;
	v11 =	vld [tilespmem:$0xC350]  }
0xc8: {  	[tilespmem:$0x1FDF0] =	vst v14;
	v14 =	vld [tilespmem:$0xC3B0]  }
0xc9: {  	[tilespmem:$0x1FE10] =	vst v27;
	v27 =	vld [tilespmem:$0xC530]  }
0xca: {  	[tilespmem:$0x1FE30] =	vst v29;
	v29 =	vld [tilespmem:$0xC590]  }
0xcb: {  	[tilespmem:$0x1FE50] =	vst v31;
	v31 =	vld [tilespmem:$0xC5F0]  }
0xcc: {  	[tilespmem:$0x1FE80] =	vst v34;
	v34 =	vld [tilespmem:$0xC710]  }
0xcd: {  	[tilespmem:$0x1FE60] =	vst v32;
	v32 =	vld [tilespmem:$0xC770]  }
0xce: {  	[tilespmem:$0x1FE00] =	vst v15;
	v15 =	vld [tilespmem:$0xC240]  }
0xcf: {  	[tilespmem:$0x1FEB0] =	vst v19;
	v19 =	vld [tilespmem:$0xC2A0]  }
0xd0: {  	[tilespmem:$0x1FED0] =	vst v21;
	v21 =	vld [tilespmem:$0xC300]  }
0xd1: {  	[tilespmem:$0x1FEE0] =	vst v25;
	v25 =	vld [tilespmem:$0xC360]  }
0xd2: {  	[tilespmem:$0x1FE20] =	vst v28;
	v28 =	vld [tilespmem:$0xC960]  }
0xd3: {  	[tilespmem:$0x1FE40] =	vst v30;
	v30 =	vld [tilespmem:$0xC9C0]  }
0xd4: {  	[tilespmem:$0x1FE70] =	vst v33;
	v33 =	vld [tilespmem:$0xCA20]  }
0xd5: {  	[tilespmem:$0x1FF30] =	vst v43;
	v43 =	vld [tilespmem:$0xC540]  }
0xd6: {  	[tilespmem:$0x1FEC0] =	vst v36;
	v36 =	vld [tilespmem:$0xCB40]  }
0xd7: {  	[tilespmem:$0x1FEA0] =	vst v37;
	v37 =	vld [tilespmem:$0xCBA0]  }
0xd8: {  	[tilespmem:$0x1FE90] =	vst v35;
	v35 =	vld [tilespmem:$0xCC00];
	vm0 =	vgt.f32 v9, v7  }
0xd9: {  	[tilespmem:$0x1FF20] =	vst v39;
	v39 =	vld [tilespmem:$0xCCC0];
	v7 =	vsel vm0, v9, v7  }
0xda: {  	v9 =	vld [tilespmem:$0xCD20];
	vm1 =	vgt.f32 v10, v7  }
0xdb: {  	v7 =	vsel vm1, v10, v7;
	v10 =	vld [tilespmem:$0xC2B0]  }
0xdc: {  	[tilespmem:$0x1FEF0] =	vst v28;
	v28 =	vld [tilespmem:$0xC3C0]  }
0xdd: {  	[tilespmem:$0x1FF00] =	vst v30;
	v30 =	vld [tilespmem:$0xC420]  }
0xde: {  	[tilespmem:$0x1FF40] =	vst v36;
	v36 =	vld [tilespmem:$0xC5A0]  }
0xdf: {  	[tilespmem:$0x1FF10] =	vst v33;
	v33 =	vld [tilespmem:$0xC600]  }
0xe0: {  	vm2 =	vgt.f32 v12, v7;
	[tilespmem:$0x1FF60] =	vst v35;
	v35 =	vld [tilespmem:$0xC660]  }
0xe1: {  	v7 =	vsel vm2, v12, v7;
	v12 =	vld [tilespmem:$0xC780]  }
0xe2: {  	[tilespmem:$0x1FF50] =	vst v37;
	v37 =	vld [tilespmem:$0xCC60]  }
0xe3: {  	[tilespmem:$0x1FF80] =	vst v39;
	v39 =	vld [tilespmem:$0xC720];
	vm3 =	vgt.f32 v53, v7  }
0xe4: {  	v7 =	vsel vm3, v53, v7;
	v53 =	vld [tilespmem:$0xC7F0]  }
0xe5: {  	[tilespmem:$0x1FF90] =	vst v9;
	v9 =	vld [tilespmem:$0xC1F0];
	vm4 =	vgt.f32 v54, v7  }
0xe6: {  	v54 =	vsel vm4, v54, v7;
	[tilespmem:$0x1FFE0] =	vst v12;
	v12 =	vld [tilespmem:$0xCD80]  }
0xe7: {  	v7 =	vld [tilespmem:$0xC250];
	vm5 =	vgt.f32 v2, v54  }
0xe8: {  	v2 =	vsel vm5, v2, v54;
	v54 =	vld [tilespmem:$0xC8B0]  }
0xe9: {  	[tilespmem:$0x1FFA0] =	vst v53;
	v53 =	vld [tilespmem:$0xC850];
	vm6 =	vgt.f32 v4, v2  }
0xea: {  	[tilespmem:$0x1FF70] =	vst v37;
	v37 =	vld [tilespmem:$0xC6C0];
	v2 =	vsel vm6, v4, v2  }
0xeb: {  	vm7 =	vgt.f32 v5, v2;
	[tilespmem:$0x1FFF0] =	vst v12;
	v12 =	vld [tilespmem:$0xC310]  }
0xec: {  	v4 =	vsel vm7, v5, v2;
	v2 =	vld [tilespmem:$0xC970]  }
0xed: {  	[tilespmem:$0x1FFC0] =	vst v54;
	v54 =	vsel vm0, v38, v40;
	v40 =	vld [tilespmem:$0xCA90]  }
0xee: {  	[tilespmem:$0x1FFB0] =	vst v53;
	v53 =	vld [tilespmem:$0xC910]  }
0xef: {  	vm8 =	vgt.f32 v8, v4;
	v5 =	vsel vm1, v41, v54;
	v54 =	vld [tilespmem:$0xC3D0]  }
0xf0: {  	v4 =	vsel vm8, v8, v4;
	v8 =	vld [tilespmem:$0xC9D0]  }
0xf1: {  	v41 =	vld [tilespmem:$0x1FDD0]  }
0xf2: {  	v5 =	vsel vm2, v55, v5;
	vm15 =	vgt.f32 v13, v4;
	v55 =	vld [tilespmem:$0xC430]  }
0xf3: {  	vm0 =	vgt.f32 v0, v1;
	v4 =	vsel vm15, v13, v4;
	v13 =	vld [tilespmem:$0xCA30]  }
0xf4: {  	v0 =	vsel vm0, v0, v1;
	v1 =	vsel vm3, v56, v5;
	v56 =	vld [tilespmem:$0xC490]  }
0xf5: {  	v1 =	vsel vm4, v44, v1;
	v44 =	vld [tilespmem:$0x1FDE0]  }
0xf6: {  	vm9 =	vgt.f32 v17, v4;
	v1 =	vsel vm5, v45, v1;
	v45 =	vld [tilespmem:$0xCAF0]  }
0xf7: {  	v17 =	vsel vm9, v17, v4;
	v4 =	vld [tilespmem:$0xCC10]  }
0xf8: {  	[tilespmem:$0x1FFD0] =	vst v53;
	v53 =	vld [tilespmem:$0xC370]  }
0xf9: {  	vm2 =	vgt.f32 v3, v0;
	v1 =	vsel vm6, v46, v1;
	v46 =	vld [tilespmem:$0x1FDF0]  }
0xfa: {  	v0 =	vsel vm2, v3, v0;
	vm10 =	vgt.f32 v20, v17;
	v1 =	vsel vm7, v57, v1;
	v57 =	vld [tilespmem:$0xC4F0]  }
0xfb: {  	vm3 =	vgt.f32 v6, v0;
	v3 =	vsel vm10, v20, v17;
	v17 =	vld [tilespmem:$0x1FE30]  }
0xfc: {  	v0 =	vsel vm3, v6, v0;
	v20 =	vld [tilespmem:$0x1FE60]  }
0xfd: {  	vm4 =	vgt.f32 v11, v0;
	v1 =	vsel vm8, v47, v1;
	v47 =	vld [tilespmem:$0x1FE00]  }
0xfe: {  	v0 =	vsel vm4, v11, v0;
	vm12 =	vgt.f32 v23, v3;
	v1 =	vsel vm15, v58, v1;
	v58 =	vld [tilespmem:$0xC550]  }
0xff: {  	vm5 =	vgt.f32 v14, v0;
	v3 =	vsel vm12, v23, v3;
	v23 =	vld [tilespmem:$0x1FDC0]  }
0x100: {  	v0 =	vsel vm5, v14, v0;
	v14 =	vld [tilespmem:$0x1FE10]  }
0x101: {  	v1 =	vsel vm9, v50, v1;
	v50 =	vld [tilespmem:$0xCB50]  }
0x102: {  	vm1 =	vgt.f32 v15, v16;
	vm13 =	vgt.f32 v26, v3;
	v1 =	vsel vm10, v59, v1;
	v59 =	vld [tilespmem:$0xC5B0]  }
0x103: {  	vm6 =	vgt.f32 v18, v0;
	v3 =	vsel vm13, v26, v3;
	v26 =	vsel vm1, v15, v16;
	v15 =	vld [tilespmem:$0x1FE20]  }
0x104: {  	v0 =	vsel vm6, v18, v0;
	v18 =	vld [tilespmem:$0x1FE40]  }
0x105: {  	v1 =	vsel vm12, v62, v1;
	vm14 =	vgt.f32 v63, v3;
	v62 =	vld [tilespmem:$0xCBB0]  }
0x106: {  	v38 =	vsel vm14, v63, v3;
	v63 =	vld [tilespmem:$0xC610]  }
0x107: {  	vm7 =	vgt.f32 v22, v0;
	v1 =	vsel vm13, v51, v1;
	v51 =	vld [tilespmem:$0xC6D0]  }
0x108: {  	v0 =	vsel vm7, v22, v0;
	v22 =	vld [tilespmem:$0x1FE80]  }
0x109: {  	v6 =	vsel vm14, v52, v1;
	v1 =	vsel vm0, v60, v23;
	v60 =	vld [tilespmem:$0xC670]  }
0x10a: {  	v52 =	vld [tilespmem:$0xCCD0]  }
0x10b: {  	v23 =	vld [tilespmem:$0x1FE90]  }
0x10c: {  	v5 =	vsel vm2, v41, v1;
	v1 =	vld [tilespmem:$0xCC70]  }
0x10d: {  	vm0 =	vgt.f32 v19, v26;
	v41 =	vld [tilespmem:$0xCD90]  }
0x10e: {  	vm15 =	vgt.f32 v24, v0;
	v3 =	vsel vm0, v19, v26;
	v19 =	vld [tilespmem:$0x1FE50]  }
0x10f: {  	v0 =	vsel vm15, v24, v0;
	v24 =	vld [tilespmem:$0x1FEA0]  }
0x110: {  	v5 =	vsel vm3, v44, v5;
	v44 =	vld [tilespmem:$0x1FF60]  }
0x111: {  	vm2 =	vgt.f32 v21, v3;
	v5 =	vsel vm4, v46, v5;
	v46 =	vld [tilespmem:$0xC730]  }
0x112: {  	vm12 =	vgt.f32 v27, v0;
	v3 =	vsel vm2, v21, v3;
	v21 =	vld [tilespmem:$0x1FE70]  }
0x113: {  	v0 =	vsel vm12, v27, v0;
	v27 =	vld [tilespmem:$0x1FEC0]  }
0x114: {  	v5 =	vsel vm5, v47, v5;
	v47 =	vld [tilespmem:$0xCD30]  }
0x115: {  	vm3 =	vgt.f32 v25, v3;
	v5 =	vsel vm6, v14, v5;
	v14 =	vld [tilespmem:$0xC200]  }
0x116: {  	vm13 =	vgt.f32 v29, v0;
	v3 =	vsel vm3, v25, v3;
	v25 =	vld [tilespmem:$0x1FEB0]  }
0x117: {  	v0 =	vsel vm13, v29, v0;
	v29 =	vld [tilespmem:$0x1FEE0]  }
0x118: {  	vm14 =	vgt.f32 v31, v0;
	v5 =	vsel vm7, v15, v5;
	v15 =	vld [tilespmem:$0xC800]  }
0x119: {  	v16 =	vsel vm14, v31, v0;
	v0 =	vld [tilespmem:$0xC790]  }
0x11a: {  	vm4 =	vgt.f32 v28, v3;
	v5 =	vsel vm15, v17, v5;
	v17 =	vld [tilespmem:$0xC860]  }
0x11b: {  	v3 =	vsel vm4, v28, v3;
	v28 =	vld [tilespmem:$0x1FED0]  }
0x11c: {  	v31 =	vld [tilespmem:$0x1FF00]  }
0x11d: {  	vm15 =	vgt.f32 v49, v16;
	v5 =	vsel vm12, v18, v5;
	v18 =	vld [tilespmem:$0xC2C0]  }
0x11e: {  	vm5 =	vgt.f32 v30, v3;
	v11 =	vsel vm15, v49, v16;
	v16 =	vld [tilespmem:$0xC260]  }
0x11f: {  	v5 =	vsel vm13, v19, v5;
	v3 =	vsel vm5, v30, v3;
	v30 =	vld [tilespmem:$0x1FEF0]  }
0x120: {  	v5 =	vsel vm14, v20, v5;
	v20 =	vld [tilespmem:$0xC8C0]  }
0x121: {  	v5 =	vsel vm15, v21, v5;
	v21 =	vsel vm1, v25, v24;
	v24 =	vld [tilespmem:$0xC3E0]  }
0x122: {  	vm12 =	vgt.f32 v42, v11;
	v25 =	vld [tilespmem:$0xC440]  }
0x123: {  	vm6 =	vgt.f32 v61, v3;
	v11 =	vsel vm12, v42, v11;
	v42 =	vld [tilespmem:$0x1FF40]  }
0x124: {  	v3 =	vsel vm6, v61, v3;
	v61 =	vld [tilespmem:$0x1FFA0]  }
0x125: {  	vm13 =	vgt.f32 v34, v11;
	v5 =	vsel vm12, v22, v5;
	v22 =	vld [tilespmem:$0xC320]  }
0x126: {  	v19 =	vsel vm13, v23, v5;
	v23 =	vld [tilespmem:$0xC380]  }
0x127: {  	vm15 =	vgt.f32 v48, v3;
	v11 =	vsel vm13, v34, v11;
	v34 =	vld [tilespmem:$0x1FF20]  }
0x128: {  	v26 =	vsel vm15, v48, v3;
	v48 =	vld [tilespmem:$0x1FF70];
	vm14 =	vgt.f32 v32, v11  }
0x129: {  	v3 =	vsel vm14, v27, v19;
	v19 =	vsel vm0, v28, v21;
	v21 =	vld [tilespmem:$0xC920]  }
0x12a: {  	vm12 =	vgt.f32 v43, v26;
	v5 =	vsel vm14, v32, v11;
	v32 =	vld [tilespmem:$0x1FF10]  }
0x12b: {  	v11 =	vsel vm12, v43, v26;
	v26 =	vld [tilespmem:$0xC4A0]  }
0x12c: {  	v43 =	vld [tilespmem:$0x1FF50]  }
0x12d: {  	v27 =	vld [tilespmem:$0xCAA0]  }
0x12e: {  	vm0 =	vgt.f32 v7, v9;
	v28 =	vld [tilespmem:$0xC500]  }
0x12f: {  	vm13 =	vgt.f32 v36, v11;
	v7 =	vsel vm0, v7, v9;
	v9 =	vld [tilespmem:$0xC980]  }
0x130: {  	v19 =	vsel vm2, v29, v19;
	v11 =	vsel vm13, v36, v11;
	v36 =	vld [tilespmem:$0x1FF30]  }
0x131: {  	v19 =	vsel vm3, v30, v19;
	vm1 =	vgt.f32 v10, v7;
	v30 =	vld [tilespmem:$0xCB00]  }
0x132: {  	v19 =	vsel vm4, v31, v19;
	vm14 =	vgt.f32 v33, v11;
	v7 =	vsel vm1, v10, v7;
	v10 =	vld [tilespmem:$0xC9E0]  }
0x133: {  	v11 =	vsel vm14, v33, v11;
	vm2 =	vgt.f32 v12, v7;
	v33 =	vld [tilespmem:$0xC5C0];
	v19 =	vsel vm5, v32, v19  }
0x134: {  	v7 =	vsel vm2, v12, v7;
	v12 =	vld [tilespmem:$0xCA40];
	v19 =	vsel vm6, v34, v19  }
0x135: {  	v32 =	vld [tilespmem:$0xC690];
	vm9 =	vgt.f32 v53, v7;
	v19 =	vsel vm15, v36, v19;
	vm15 =	vgt.f32 v35, v11  }
0x136: {  	v7 =	vsel vm9, v53, v7;
	v36 =	vld [tilespmem:$0x1FFB0];
	v11 =	vsel vm15, v35, v11  }
0x137: {  	v53 =	vld [tilespmem:$0x1FF80];
	v19 =	vsel vm12, v42, v19;
	vm11 =	vgt.f32 v54, v7;
	vm10 =	vgt.f32 v37, v11  }
0x138: {  	v34 =	vld [tilespmem:$0xC740];
	v19 =	vsel vm13, v43, v19;
	v49 =	vsel vm11, v54, v7;
	v11 =	vsel vm10, v37, v11  }
0x139: {  	v54 =	vld [tilespmem:$0x1FF90];
	v19 =	vsel vm14, v44, v19;
	vm13 =	vgt.f32 v55, v49;
	vm12 =	vgt.f32 v39, v11  }
0x13a: {  	v19 =	vsel vm15, v48, v19;
	v29 =	vsel vm13, v55, v49;
	v7 =	vsel vm12, v39, v11;
	v39 =	vld [tilespmem:$0x1FFC0]  }
0x13b: {  	v42 =	vld [tilespmem:$0x1FFD0];
	v31 =	vsel vm0, v36, v61;
	vm14 =	vgt.f32 v56, v29;
	vm0 =	vgt.f32 v16, v14  }
0x13c: {  	v35 =	vld [tilespmem:$0xC8D0];
	v19 =	vsel vm10, v53, v19;
	v29 =	vsel vm14, v56, v29;
	v14 =	vsel vm0, v16, v14  }
0x13d: {  	v43 =	vld [tilespmem:$0xC620];
	v15 =	vsel vm0, v17, v15;
	vm15 =	vgt.f32 v57, v29;
	vm8 =	vgt.f32 v18, v14  }
0x13e: {  	v37 =	vld [tilespmem:$0xCB60];
	v19 =	vsel vm12, v54, v19;
	v44 =	vsel vm15, v57, v29;
	v14 =	vsel vm8, v18, v14  }
0x13f: {  	v15 =	vsel vm8, v20, v15;
	v29 =	vld [tilespmem:$0x1FFE0];
	vm10 =	vgt.f32 v22, v14;
	v31 =	vsel vm1, v39, v31  }
0x140: {  	v48 =	vld [tilespmem:$0xCC80];
	v14 =	vsel vm10, v22, v14;
	v56 =	vsel vm10, v21, v15;
	v31 =	vsel vm2, v42, v31  }
0x141: {  	v49 =	vld [tilespmem:$0xC6E0];
	v39 =	vshrl.u32 v6, $0x7;
	v2 =	vsel vm9, v2, v31;
	vm9 =	vgt.f32 v58, v44  }
0x142: {  	v11 =	vld [tilespmem:$0xC560];
	vm12 =	vgt.f32 v23, v14;
	v2 =	vsel vm11, v8, v2;
	v8 =	vsel vm9, v58, v44  }
0x143: {  	v16 =	vld [tilespmem:$0xCBC0];
	v14 =	vsel vm12, v23, v14;
	v2 =	vsel vm13, v13, v2;
	vm11 =	vgt.f32 v59, v8  }
0x144: {  	v18 =	vld [tilespmem:$0xCC20];
	vm0 =	vgt.f32 v29, v7;
	v2 =	vsel vm14, v40, v2;
	v8 =	vsel vm11, v59, v8  }
0x145: {  	v57 =	vld [tilespmem:$0xC210];
	v7 =	vsel vm0, v29, v7;
	v2 =	vsel vm15, v45, v2;
	vm13 =	vgt.f32 v63, v8  }
0x146: {  	vm14 =	vgt.f32 v24, v14;
	v59 =	vld [tilespmem:$0xC270];
	v2 =	vsel vm9, v50, v2;
	v53 =	vsel vm13, v63, v8  }
0x147: {  	v20 =	vld [tilespmem:$0xCDA0];
	v54 =	vsel vm14, v24, v14;
	v2 =	vsel vm11, v62, v2;
	vm15 =	vgt.f32 v60, v53  }
0x148: {  	v42 =	vld [tilespmem:$0xC390];
	vm6 =	vgt.f32 v25, v54;
	v2 =	vsel vm13, v4, v2;
	v55 =	vsel vm15, v60, v53  }
0x149: {  	v31 =	vld [tilespmem:$0xCC30];
	v4 =	vsel vm6, v25, v54;
	v25 =	vmul.u32 $0x5556, v39;
	v1 =	vsel vm15, v1, v2  }
0x14a: {  	v58 =	vld [tilespmem:$0xC810];
	vm7 =	vgt.f32 v26, v4;
	v2 =	vsel vm12, v9, v56;
	vm8 =	vgt.f32 v51, v55  }
0x14b: {  	v44 =	vld [tilespmem:$0xC3F0];
	vm13 =	vgt.f32 v59, v57;
	v4 =	vsel vm7, v26, v4;
	v2 =	vsel vm14, v10, v2  }
0x14c: {  	v13 =	vld [tilespmem:$0xC680];
	v17 =	vsel vm8, v51, v55;
	vm9 =	vgt.f32 v28, v4;
	v61 =	vsel vm6, v12, v2  }
0x14d: {  	v60 =	vsel vm8, v52, v1;
	v62 =	vsel vm9, v28, v4;
	v12 =	vsel vm7, v27, v61;
	v28 =	vld [tilespmem:$0xC2D0]  }
0x14e: {  	v63 =	vld [tilespmem:$0xC870];
	v10 =	vsel vm13, v59, v57;
	vm11 =	vgt.f32 v11, v62;
	v12 =	vsel vm9, v30, v12  }
0x14f: {  	v25 =	vshrl.u32 v25, $0x10;
	v2 =	vsel vm11, v11, v62;
	v12 =	vsel vm11, v37, v12;
	v37 =	vld [tilespmem:$0xC330]  }
0x150: {  	v40 =	vld [tilespmem:$0xC930];
	vm10 =	vgt.f32 v46, v17;
	v57 =	vmul.u32 $0xFFFFFE80, v25;
	vm12 =	vgt.f32 v33, v2  }
0x151: {  	v14 =	vld [tilespmem:$0xCD40];
	v39 =	vcvt.s32.f32 v25;
	v1 =	vsel vm10, v46, v17;
	v2 =	vsel vm12, v33, v2  }
0x152: {  	v50 =	vld [tilespmem:$0xCCE0];
	v36 =	vsel vm10, v47, v60;
	vm14 =	vgt.f32 v43, v2;
	vm15 =	vgt.f32 v28, v10  }
0x153: {  	v53 =	vld [tilespmem:$0x1FFF0];
	v4 =	vsel vm13, v63, v58;
	v2 =	vsel vm14, v43, v2;
	v10 =	vsel vm15, v28, v10  }
0x154: {  	v45 =	vld [tilespmem:$0xC9F0];
	v12 =	vsel vm12, v16, v12;
	vm8 =	vgt.f32 v13, v2;
	vm9 =	vgt.f32 v37, v10  }
0x155: {  	v46 =	vld [tilespmem:$0xC450];
	v12 =	vsel vm14, v18, v12;
	v2 =	vsel vm8, v13, v2;
	v10 =	vsel vm9, v37, v10  }
0x156: {  	v8 =	vld [tilespmem:$0xC7A0];
	v12 =	vsel vm8, v48, v12;
	vm10 =	vgt.f32 v49, v2;
	vm11 =	vgt.f32 v42, v10  }
0x157: {  	v2 =	vsel vm10, v49, v2;
	v12 =	vsel vm10, v50, v12;
	v49 =	vsel vm11, v42, v10;
	v50 =	vld [tilespmem:$0xC4B0]  }
0x158: {  	v54 =	vld [tilespmem:$0xC510];
	v19 =	vsel vm0, v53, v19;
	v6 =	vadd.s32 v6, v57;
	vm12 =	vgt.f32 v44, v49  }
0x159: {  	v56 =	vld [tilespmem:$0xCB10];
	vm7 =	vgt.f32 v0, v1;
	v55 =	vshrl.u32 v19, $0x7;
	v9 =	vsel vm12, v44, v49  }
0x15a: {  	v58 =	vld [tilespmem:$0xC570];
	v17 =	vsel vm7, v41, v36;
	v23 =	vmul.u32 $0x5556, v55;
	vm13 =	vgt.f32 v46, v9  }
0x15b: {  	v6 =	vcvt.s32.f32 v6;
	v0 =	vsel vm7, v0, v1;
	v43 =	vld [tilespmem:$0xC990];
	v9 =	vsel vm13, v46, v9  }
0x15c: {  	v51 =	vld [tilespmem:$0xCAB0];
	v41 =	vshrl.u32 v17, $0x7;
	v23 =	vshrl.u32 v23, $0x10;
	vm14 =	vgt.f32 v50, v9  }
0x15d: {  	v61 =	vld [tilespmem:$0xC5D0];
	v62 =	vmul.u32 $0xFFFFFE80, v23;
	v48 =	vshrl.u32 v3, $0x7;
	v9 =	vsel vm14, v50, v9  }
0x15e: {  	v47 =	vld [tilespmem:$0xCA50];
	v4 =	vsel vm15, v35, v4;
	v52 =	vmul.u32 $0x5556, v48;
	vm15 =	vgt.f32 v54, v9  }
0x15f: {  	v30 =	vld [tilespmem:$0xC630];
	v4 =	vsel vm9, v40, v4;
	v19 =	vadd.s32 v19, v62;
	v9 =	vsel vm15, v54, v9  }
0x160: {  	v59 =	vld [tilespmem:$0xCB70];
	v15 =	vshrl.u32 v52, $0x10;
	v4 =	vsel vm11, v43, v4;
	vm6 =	vgt.f32 v58, v9  }
0x161: {  	v63 =	vld [tilespmem:$0xCBD0];
	vm9 =	vgt.f32 v34, v2;
	v52 =	vcvt.s32.f32 v19;
	v9 =	vsel vm6, v58, v9  }
0x162: {  	v36 =	vld [tilespmem:$0xCCF0];
	v60 =	vmul.u32 $0xFFFFFE80, v15;
	v4 =	vsel vm12, v45, v4;
	vm8 =	vgt.f32 v61, v9  }
0x163: {  	v35 =	vld [tilespmem:$0xC6F0];
	v2 =	vsel vm9, v34, v2;
	v12 =	vsel vm9, v14, v12;
	v9 =	vsel vm8, v61, v9  }
0x164: {  	v33 =	vld [tilespmem:$0xCC90];
	v43 =	vcvt.s32.f32 v15;
	v4 =	vsel vm13, v47, v4;
	vm10 =	vgt.f32 v30, v9  }
0x165: {  	v37 =	vld [tilespmem:$0xC750];
	v44 =	vmul.u32 $0x5556, v41;
	v4 =	vsel vm14, v51, v4;
	v9 =	vsel vm10, v30, v9  }
0x166: {  	[tilespmem:$0xCE80] =	vst v38;
	v40 =	vld [tilespmem:$0xCD50];
	vm11 =	vgt.f32 v8, v2;
	v4 =	vsel vm15, v56, v4;
	vm12 =	vgt.f32 v32, v9  }
0x167: {  	[tilespmem:$0xCE90] =	vst v5;
	v42 =	vld [tilespmem:$0xC7B0];
	v3 =	vadd.s32 v3, v60;
	v4 =	vsel vm6, v59, v4;
	v9 =	vsel vm12, v32, v9  }
0x168: {  	[tilespmem:$0xCEA0] =	vst v7;
	v45 =	vld [tilespmem:$0xCDB0];
	v12 =	vsel vm11, v20, v12;
	v4 =	vsel vm8, v63, v4;
	vm13 =	vgt.f32 v35, v9  }
0x169: {  	[tilespmem:$0xCDC0] =	vst v39;
	v3 =	vcvt.s32.f32 v3;
	v4 =	vsel vm10, v31, v4;
	v9 =	vsel vm13, v35, v9  }
0x16a: {  	[tilespmem:$0xCEB0] =	vst v0;
	v51 =	vshrl.u32 v12, $0x7;
	v4 =	vsel vm12, v33, v4;
	vm14 =	vgt.f32 v37, v9  }
0x16b: {  	[tilespmem:$0xCE20] =	vst v6;
	v11 =	vmul.u32 $0x5556, v51;
	v4 =	vsel vm13, v36, v4;
	v46 =	vsel vm14, v37, v9  }
0x16c: {  	[tilespmem:$0xCE40] =	vst v52;
	v47 =	vcvt.s32.f32 v23;
	v49 =	vsel vm14, v40, v4;
	vm15 =	vgt.f32 v42, v46  }
0x16d: {  	v48 =	vshrl.u32 v44, $0x10;
	[tilespmem:$0xCE30] =	vst v3;
	v54 =	vshrl.u32 v11, $0x10;
	v3 =	vsel vm15, v45, v49  }
0x16e: {  	[tilespmem:$0xCDD0] =	vst v43;
	v2 =	vsel vm11, v8, v2;
	v55 =	vmul.u32 $0xFFFFFE80, v54;
	v10 =	vshrl.u32 v3, $0x7  }
0x16f: {  	v53 =	vcvt.s32.f32 v48;
	[tilespmem:$0xCEC0] =	vst v2;
	v50 =	vmul.u32 $0xFFFFFE80, v48;
	v10 =	vmul.u32 $0x5556, v10  }
0x170: {  	[tilespmem:$0xCDE0] =	vst v47;
	v57 =	vcvt.s32.f32 v54;
	v56 =	vadd.s32 v12, v55  }
0x171: {  	[tilespmem:$0xCDF0] =	vst v53;
	v59 =	vcvt.s32.f32 v56;
	v4 =	vadd.s32 v17, v50;
	v58 =	vshrl.u32 v10, $0x10  }
0x172: {  	[tilespmem:$0xCE00] =	vst v57;
	v4 =	vcvt.s32.f32 v4;
	v60 =	vmul.u32 $0xFFFFFE80, v58  }
0x173: {  	[tilespmem:$0xCE60] =	vst v59  }
0x174: {  	v63 =	vsel vm15, v42, v46;
	[tilespmem:$0xCE50] =	vst v4;
	v62 =	vcvt.s32.f32 v58;
	v61 =	vadd.s32 v3, v60  }
0x175: {  	[tilespmem:$0xCED0] =	vst v63;
	v0 =	vcvt.s32.f32 v61  }
0x176: {  	[tilespmem:$0xCE10] =	vst v62  }
.Ltmp7:
0x177: {  	[tilespmem:$0xCE70] =	vst v0;
	(pc) =	sbr.rel .LBB2_10-.Ltmp7, $4  }
0x178: {  	[hbm4b:s13+s23] =	stream.strided.scatter [tilespmem:s25], [sflag:$0x3], $0x180, s24, s23, $0x38;
	[tilespmem:$0xCF40] =	vst v63  }
0x179: {  	_ =	swait.ge [sflag:s19], $0x180  }
0x17a: {  	[sflag:s19] =	ssyncset.done $0x0  }
0x17b: {  	[sflag:s19] =	ssyncadd.s32 $0xFFFFFE80  }
.LBB2_11:
0x17c: {  	_ =	sfence.sel $0x180000  }
0x17d: {  	[bflag:$0x0] =	sbarrier.arrive $0xFFFF  }
0x17e: {  	_ =	strace $0x9000004A  }
0x17f: {  	[bflag:$0x2] =	sbarrier.arrive $0xFFFF  }
0x180: {  	s0 =	rddreg [dreg:$0x4]  }
0x181: {  	s0 =	sadd.s32 @!p0 $0x100000, s0  }
0x182: {  	[sflag:s0] =	ssyncadd.tile.s32 @!p0 $0x1;
	_ =	shalt  }
.Lfunc_end2:
_tile_overlayer_lowered:
.L_overlay_start_2:
0x183: {  	(tag) =	ssettag $0x2  }
0x184: {  	s0 =	rddreg [dreg:$0x0];
	s2 =	stileid.u32  }
0x185: {  	s1 =	rddreg [dreg:$0x1];
	p0 =	sne.s32 s2, $0x0  }
0x186: {  	s3 =	rddreg [dreg:$0x2];
	[bflag:$0x3] =	sbarrier.arrive $0xFFFF;
	s2 =	simm.s32 @!p0 $0x1C03  }
0x187: {  	[timem:s3], [sflag:s2] =	dma.local @!p0 [hbm:s0], s1  }
0x188: {  	s0 =	simm.s32 @!p0 $0x3  }
0x189: {  	_ =	swait.ge @!p0 [sflag:s0], s1  }
0x18a: {  	s1 =	ssub.s32 @!p0 $0x0, s1;
	[sflag:s0] =	ssyncset.done @!p0 $0x0  }
0x18b: {  	[sflag:s0] =	ssyncadd.s32 @!p0 s1  }
0x18c: {  	[bflag:$0x3] =	sbarrier.arrive $0xFFFF  }
0x18d: {  	_ =	shalt  }

// kernel: sparse-core-data-format-call.cloned.1.call-start
scs
called_computation_lowered:
.L_overlay_start_0:
0x0: {  	s1 =	sld [smem:$0x3FD9]  }
0x1: {  	s2 =	sld [smem:$0x3FFE];
	_ =	sdelay $0x1  }
0x2: {  	s3 =	srdreg.scid  }
0x3: {  	s0 =	sand.u32 $0x1, s3  }
0x4: {  	s17 =	sshll.u32 s0, $0xA;
	s1 =	sadd.s32 s2, s1  }
0x5: {  	s1 =	sadd.s32 s1, s17  }
0x6: {  	[smem:$0x3FC7] =	sst s1  }
0x7: {  	_ = 	snop  }
0x8: {  	(tm) =	ssettm $0x1  }
0x9: {  	s18 =	sld [smem:$0x3FFB];
	_ =	sdelay $0x3  }
0xa: {  	_ =	strace s18  }
0xb: {  	s1 =	sld [smem:$0x3FFC];
	_ =	sdelay $0x3  }
0xc: {  	_ =	strace s1  }
0xd: {  	s1 =	sld [smem:$0x3FFD];
	_ =	sdelay $0x3  }
0xe: {  	_ =	strace s1  }
0xf: {  	_ =	strace $0x8FFFFFFF  }
0x10: {  	s19 =	sld [smem:$0x3FDB];
	_ =	sdelay $0x1  }
0x11: {  	s20 =	simm.s32 $_scs_section_size  }
0x12: {  	s4 =	simm.s32 $_size__tile_overlayer_lowered;
	s5 =	simm.s32 $_tile_overlayer_lowered  }
0x13: {  	s23 =	simm.s32 $0x1BFF;
	s22 =	sshll.u32 s5, $0x1;
	s1 =	sadd.s32 s20, s19  }
0x14: {  	s6 =	simm.s32 $0x0;
	s21 =	sshll.u32 s4, $0x1;
	s4 =	sadd.s32 s22, s1  }
0x15: {  	[timem:s6], [sflag:s23] =	dma.local [hbm:s4], s21  }
0x16: {  	_ =	swait.ge [sflag:s23], s21  }
0x17: {  	s2 =	ssub.s32 $0x0, s21;
	[sflag:s23] =	ssyncset.done $0x0  }
0x18: {  	[sflag:s23] =	ssyncadd.s32 s2;
	_ =	sdelay $0x1  }
0x19: {  	s24 =	simm.s32 $0x1B8B  }
0x1a: {  	_ =	swait.ge [sflag:s24], $0x1  }
0x1b: {  	[sflag:s24] =	ssyncset.done $0x0  }
0x1c: {  	s26 =	simm.s32 $0x1B8E;
	s25 =	sld [smem:$0x3FFE];
	[sflag:s24] =	ssyncadd.s32 $0xFFFFFFFF  }
0x1d: {  	s27 =	simm.s32 $execute0_lowered;
	[smem:$0x3FD2] =	sst s26  }
0x1e: {  	s4 =	sshll.u32 s27, $0x1;
	_ =	strace $0x80000046;
	[dreg:$0x1] =	wrdreg $0xFFFFFFFF  }
0x1f: {  	s28 =	simm.s32 $_size_execute0_lowered;
	s1 =	sadd.s32 s1, s4;
	[dreg:$0x0] =	wrdreg $0x0  }
0x20: {  	s4 =	sshll.u32 s28, $0x1;
	[dreg:$0x2] =	wrdreg s1  }
0x21: {  	[dreg:$0x3] =	wrdreg s4  }
0x22: {  	[dreg:$0x4] =	wrdreg $0xC0  }
0x23: {  	_ =	task [dreg:s6], $0x5FFFF  }
0x24: {  	[dreg:$0x1] =	wrdreg $0xFFFFFFFF  }
0x25: {  	[dreg:$0x0] =	wrdreg $0x60  }
0x26: {  	[dreg:$0x2] =	wrdreg s25  }
0x27: {  	[dreg:$0x3] =	wrdreg $0x9  }
0x28: {  	_ =	task.clear_ibuf [dreg:s6], $0x4FFFF;
	_ =	strace $0x90000046  }
0x29: {  	s29 =	simm.s32 $0x9;
	_ =	strace $0x80000048  }
0x2a: {  	_ =	swait.ge [sflag:s29], $0x1  }
0x2b: {  	[sflag:s29] =	ssyncadd.s32 $0xFFFFFFFF  }
0x2c: {  	_ =	strace $0x90000048  }
0x2d: {  	_ =	sfence  }
0x2e: {  	s30 =	sld [smem:$0x0];
	_ =	sdelay $0x2  }
0x2f: {  	s31 =	sshll.u32 s3, $0xD;
	s3 =	sshrl.u32 s3, $0x2  }
0x30: {  	s2 =	sand.u32 $0x4000, s31;
	s1 =	sadd.s32 s3, s30  }
0x31: {  	s0 =	sor.u32 s2, s0;
	s1 =	sshll.u32 s1, $0x11  }
0x32: {  	s0 =	sor.u32 s1, s0  }
0x33: {  	s0 =	sadd.s32 $0x8F2B, s0  }
0x34: {  	[sflag:s0] =	ssyncadd.remote.s32 $0x1  }
0x35: {  	_ =	sfence.sel $0xFFFF  }
0x36: {  	[dreg:$0x0] =	wrdreg $0xFFFFFFFF;
	(pc) =	sbr.abs _section_cstart, $3  }
0x37: {  	[dreg:$0x1] =	wrdreg $0xFFFFFFFF  }
0x38: {  	_ =	task.clear_ibuf [dreg:s6], $0x2FFFF;
	_ =	strace $0x9FFFFFFF  }
0x39: {  	(tm) =	ssettm $0x7FFFFFFF  }
tec
execute0_lowered:
.L_overlay_start_1:
0x0: {  	(tag) =	ssettag $0x1  }
0x1: {  	s1 =	rddreg [dreg:$0x0]  }
0x2: {  	s0 =	rddreg [dreg:$0x1]  }
0x3: {  	_ =	strace $0x80000047;
	s4 =	srdreg.scid;
	s6 =	simm.s32 $0x2  }
0x4: {  	s12 =	simm.s32 $0x0;
	p0 =	por $0x0, $0x0;
	s10 =	simm.s32 $0x0  }
.Ltmp0:
0x5: {  	s11 =	simm.s32 $0x0;
	s7 =	simm.s32 $0x0;
	(pc) =	sbr.rel .LBB1_1-.Ltmp0, $4  }
0x6: {  	s2 =	sadd.s32 $0xA00, s1;
	s3 =	sadd.s32 $0x1B0A00, s1;
	s5 =	sshll.u32 s4, $0x4  }
0x7: {  	s1 =	stileid.u32;
	s4 =	simm.s32 $0x1;
	s5 =	sand.u32 $0x10, s5  }
0x8: {  	s8 =	simm.s32 $0x0;
	[sflag:s4] =	ssyncpa.u1 $0x0;
	s5 =	sor.u32 s1, s5  }
0x9: {  	[sflag:s6] =	ssyncpa.u1 $0x0;
	s6 =	simm.s32 $0x0;
	s9 =	smov.u32 s5  }
.LBB1_5:
0xa: {  	s13 =	sadd.s32 $0x80, s7  }
0xb: {  	s10 =	sadd.s32 $0x80, s8;
	s14 =	smov.u32 s8;
	p2 =	sgt.s32 s13, $0x17F  }
0xc: {  	s14 =	smov.u32 @p2 s10  }
0xd: {  	s16 =	smov.u32 s9;
	s10 =	sadd.s32 $0x20, s9;
	p3 =	sgt.s32 s14, $0x5F  }
0xe: {  	p1 =	slt.u32 s6, $0x2;
	s16 =	smov.u32 @p3 s10  }
0xf: {  	s6 =	sadd.s32 $0x1, s6;
	s13 =	simm.s32 @p2 $0x0;
	p2 =	sgt.s32 s16, $0x17F  }
0x10: {  	s16 =	smov.u32 @p2 s5;
	p2 =	sne.s32 s6, $0x26  }
.Ltmp1:
0x11: {  	s15 =	simm.s32 @!p1 $0x2;
	(pc) =	sbr.rel @!p2 .LBB1_6-.Ltmp1, $4  }
0x12: {  	s12 =	smov.u32 s7;
	_ =	swait.ge @!p1 [sflag:s15], $0x4000  }
0x13: {  	s11 =	smov.u32 s9;
	p0 =	por !p0, !p0;
	[sflag:s15] =	ssyncset.done @!p1 $0x0  }
0x14: {  	s7 =	smov.u32 s13;
	s14 =	simm.s32 @p3 $0x0;
	s10 =	smov.u32 s8  }
0x15: {  	[sflag:s15] =	ssyncadd.s32 @!p1 $0xFFFFC000;
	s8 =	smov.u32 s14;
	s9 =	smov.u32 s16  }
.LBB1_1:
0x16: {  	p1 =	sgt.u32 s6, $0x23  }
0x17: {  	s18 =	smov.u32 s7;
	s13 =	sshrl.u32 @!p1 s8, $0x3  }
0x18: {  	s14 =	sshll.u32 @!p1 s7, $0x3;
	p2 =	sgt.s32 @!p1 s9, $0x17F;
	s13 =	smul.u32 @!p1 $0xC00, s13  }
0x19: {  	s15 =	sshra.s32 @!p1 s9, $0x1F;
	s16 =	sshll.u32 @!p1 s8, $0x7;
	s14 =	sand.u32 @!p1 $0xFFFFFC00, s14  }
0x1a: {  	p2 =	por !p2, p1;
	s13 =	sadd.s32 @!p1 s13, s14;
	s14 =	smov.u32 s9  }
0x1b: {  	s15 =	sand.u32 @!p1 s15, s9;
	s16 =	sand.u32 @!p1 $0x380, s16;
	s14 =	simm.s32 @p2 $0x17F  }
0x1c: {  	p2 =	sgt.s32 @!p1 s8, $0xFFFFFFE0;
	s13 =	sor.u32 @!p1 s16, s13;
	s14 =	ssub.s32 @!p1 s14, s15  }
0x1d: {  	s16 =	smov.u32 s8;
	p2 =	por !p2, p1;
	s15 =	sadd.s32 @!p1 $0xFFFFFE81, s14  }
0x1e: {  	s16 =	simm.s32 @p2 $0xFFFFFFE0;
	p2 =	sgt.s32 @!p1 s15, $0x0;
	s15 =	sshra.s32 @!p1 s8, $0x1F  }
0x1f: {  	s14 =	ssub.s32 @!p1 $0x180, s14;
	p2 =	por !p2, p1;
	s15 =	sand.u32 @!p1 s15, s8  }
0x20: {  	s14 =	simm.s32 @!p2 $0x0;
	s15 =	ssub.s32 @!p1 s16, s15;
	p2 =	sgt.s32 @!p1 s7, $0x100  }
0x21: {  	s16 =	smulhi.u32 @!p1 $0xAAAAAAAB, s13;
	s17 =	sadd.s32 @!p1 $0x20, s15;
	p2 =	por !p2, p1  }
0x22: {  	s18 =	simm.s32 @p2 $0x100;
	p2 =	sgt.s32 @!p1 s17, $0x7F;
	s17 =	sshra.s32 @!p1 s7, $0x1F  }
0x23: {  	s15 =	ssub.s32 @!p1 $0x60, s15;
	p2 =	por !p2, p1;
	s17 =	sand.u32 @!p1 s17, s7  }
0x24: {  	s16 =	sshrl.u32 @!p1 s16, $0x8;
	s17 =	ssub.s32 @!p1 s18, s17;
	s15 =	simm.s32 @!p2 $0x0  }
0x25: {  	s18 =	sand.u32 @!p1 $0x7F, s7;
	s14 =	smul.u32 @!p1 s14, s15;
	s15 =	sadd.s32 @!p1 $0xFFFFFF00, s17  }
0x26: {  	s13 =	sor.u32 @!p1 s18, s13;
	s18 =	smulhi.u32 @!p1 $0x2AAAAAB, s16;
	p2 =	sgt.s32 @!p1 s15, $0x7F  }
0x27: {  	s17 =	ssub.s32 @!p1 $0x180, s17;
	s15 =	smulhi.u32 @!p1 $0xAAAAAAAB, s13;
	p2 =	por !p2, p1  }
0x28: {  	s18 =	smul.u32 @!p1 $0x60, s18;
	s17 =	simm.s32 @!p2 $0x0  }
0x29: {  	s15 =	sshrl.u32 @!p1 s15, $0x8;
	s14 =	smul.u32 @!p1 s17, s14  }
0x2a: {  	s17 =	sxor.u32 @!p1 $0xFFFFFFFF, s6;
	s15 =	smul.u32 @!p1 $0x180, s15  }
0x2b: {  	s16 =	ssub.s32 @!p1 s16, s18;
	s18 =	smul.u32 @!p1 $0x1200, s9;
	s17 =	sshll.u32 @!p1 s17, $0xE  }
0x2c: {  	s17 =	sand.u32 @!p1 $0x4000, s17;
	s13 =	ssub.s32 @!p1 s13, s15;
	s15 =	smul.u32 @!p1 $0x30, s16  }
0x2d: {  	s14 =	sand.u32 @!p1 $0x3FFFFFFF, s14;
	s16 =	sadd.s32 @!p1 s2, s18;
	s18 =	sand.u32 @!p1 $0x7, s13  }
0x2e: {  	s13 =	sshrl.u32 @!p1 s13, $0x3;
	s15 =	sadd.s32 @!p1 s15, s16;
	s16 =	sshll.u32 @!p1 s18, $0x12  }
0x2f: {  	s13 =	sadd.s32 @!p1 s13, s15;
	s15 =	sor.u32 @!p1 $0x400, s16;
	s16 =	simm.s32 @!p1 $0xC00  }
0x30: {  	[tilespmem:s17], [sflag:$0x1] =	stream.strided.gather @!p1 [hbm4b:s13+s15], s14, s16, s15, $0x38;
	[tilespmem:$0x10100] =	vst v63  }
0x31: {  	p1 =	seq.s32 s6, $0x0  }
0x32: {  	p2 =	seq.s32 @!p1 s6, $0x25  }
0x33: {  	p1 =	por p1, p2  }
.Ltmp2:
0x34: {  	_ = 	snop;
	(pc) =	sbr.rel @p1 .LBB1_5-.Ltmp2, $1  }
0x35: {  	_ =	sdelay $0x3  }
0x36: {  	p1 =	sgt.s32 s11, $0x17F;
	s13 =	smov.u32 s11;
	s14 =	sshra.s32 s11, $0x1F  }
0x37: {  	s13 =	simm.s32 @!p1 $0x17F;
	s14 =	sand.u32 s14, s11  }
0x38: {  	s13 =	ssub.s32 s13, s14  }
0x39: {  	p2 =	sgt.s32 s10, $0xFFFFFFE0;
	s15 =	sshra.s32 s10, $0x1F;
	s14 =	sadd.s32 $0xFFFFFE81, s13  }
0x3a: {  	s16 =	sshra.s32 s12, $0x1F;
	p1 =	sgt.s32 s14, $0x0;
	s14 =	smov.u32 s10  }
0x3b: {  	s15 =	sand.u32 s15, s10;
	s16 =	sand.u32 s16, s12;
	s14 =	simm.s32 @!p2 $0xFFFFFFE0  }
0x3c: {  	p2 =	sgt.s32 s12, $0x100;
	s14 =	ssub.s32 s14, s15;
	s15 =	smov.u32 s12  }
0x3d: {  	s13 =	ssub.s32 $0x180, s13;
	s17 =	sadd.s32 $0x20, s14;
	s15 =	simm.s32 @!p2 $0x100  }
0x3e: {  	s14 =	ssub.s32 $0x60, s14;
	p2 =	sgt.s32 s17, $0x7F;
	s15 =	ssub.s32 s15, s16  }
0x3f: {  	s13 =	simm.s32 @p1 $0x0;
	s14 =	simm.s32 @p2 $0x0;
	s16 =	sadd.s32 $0xFFFFFF00, s15  }
0x40: {  	s13 =	smul.u32 s13, s14;
	p1 =	sgt.s32 s16, $0x7F;
	s14 =	ssub.s32 $0x180, s15  }
0x41: {  	s14 =	simm.s32 @p1 $0x0  }
0x42: {  	s13 =	smul.u32 s14, s13;
	_ =	sdelay $0x1  }
0x43: {  	s14 =	simm.s32 $0x1;
	s13 =	sand.u32 $0x3FFFFFFF, s13  }
0x44: {  	s14 =	simm.s32 @!p0 $0x0;
	_ =	swait.ge [sflag:s4], s13  }
0x45: {  	s28 =	sshll.u32 s14, $0xE;
	s13 =	ssub.s32 $0x0, s13;
	[sflag:s4] =	ssyncset.done $0x0  }
0x46: {  	s29 =	sor.u32 $0x40, s28;
	[sflag:s4] =	ssyncadd.s32 s13  }
0x47: {  	s30 =	smul.u32 $0x10200, s14;
	v0 =	vld [tilespmem:s29+$0x30]  }
0x48: {  	v1 =	vld [tilespmem:s29+$0xFFFFFFD0]  }
0x49: {  	s13 =	sshrl.u32 s30, $0x2;
	v5 =	vld [tilespmem:s29+$0xFFFFFFE0]  }
0x4a: {  	s14 =	sor.u32 $0x8000, s13;
	v6 =	vld [tilespmem:s29+$0xFFFFFFF0]  }
0x4b: {  	s31 =	sand.u32 $0x1, s6;
	v4 =	vld [tilespmem:s29+$0x0];
	s15 =	sadd.s32 $0x0, s14  }
0x4c: {  	s13 =	smul.u32 $0x10200, s31;
	v3 =	vld [tilespmem:s29+$0x10];
	[tilespmem:s15+$0x3870 ss:$0x81] =	vst.msk $0xffff, v0  }
0x4d: {  	v2 =	vld [tilespmem:s29+$0x20];
	[tilespmem:s15+$0x810 ss:$0x81] =	vst.msk $0xffff, v1  }
0x4e: {  	s16 =	sadd.s32 $0x80, s29;
	s13 =	sshrl.u32 s13, $0x2;
	v0 =	vld [tilespmem:s29+$0xFFFFFFC0];
	[tilespmem:s15+$0x1020 ss:$0x81] =	vst.msk $0xffff, v5  }
0x4f: {  	s18 =	simm.s32 $0x8;
	s17 =	simm.s32 $0x4;
	s13 =	sor.u32 $0x8000, s13;
	v1 =	vld [tilespmem:s16+$0x30];
	[tilespmem:s15+$0x1830 ss:$0x81] =	vst.msk $0xffff, v6  }
.LBB1_3:
0x50: {  	p1 =	sne.s32 s18, $0x1FC;
	v5 =	vld [tilespmem:s16+$0xFFFFFFD0];
	[tilespmem:s15+$0x2040 ss:$0x81] =	vst.msk $0xffff, v4  }
0x51: {  	v6 =	vld [tilespmem:s16+$0xFFFFFFE0];
	[tilespmem:s15+$0x2850 ss:$0x81] =	vst.msk $0xffff, v3  }
0x52: {  	s19 =	sshra.s32 s17, $0x2;
	s17 =	smov.u32 s18;
	v7 =	vld [tilespmem:s16+$0xFFFFFFF0];
	[tilespmem:s15+$0x3060 ss:$0x81] =	vst.msk $0xffff, v2  }
.Ltmp3:
0x53: {  	v4 =	vld [tilespmem:s16+$0x0];
	[tilespmem:s15+$0x0 ss:$0x81] =	vst.msk $0xffff, v0;
	s15 =	sadd.s32 s19, s14;
	(pc) =	sbr.rel @p1 .LBB1_3-.Ltmp3, $4  }
0x54: {  	v3 =	vld [tilespmem:s16+$0x10];
	[tilespmem:s15+$0x3870 ss:$0x81] =	vst.msk $0xffff, v1  }
0x55: {  	[tilespmem:s15+$0x810 ss:$0x81] =	vst.msk $0xffff, v5;
	v2 =	vld [tilespmem:s16+$0x20]  }
0x56: {  	v0 =	vld [tilespmem:s16+$0xFFFFFFC0];
	[tilespmem:s15+$0x1020 ss:$0x81] =	vst.msk $0xffff, v6;
	s16 =	sadd.s32 $0x80, s16  }
0x57: {  	s18 =	sadd.s32 $0x4, s18;
	v1 =	vld [tilespmem:s16+$0x30];
	[tilespmem:s15+$0x1830 ss:$0x81] =	vst.msk $0xffff, v7  }
0x58: {  	s12 =	sshll.u32 s12, $0x7;
	s18 =	sshll.u32 s10, $0x3;
	v5 =	vld [tilespmem:s16+$0xFFFFFFD0];
	[tilespmem:s15+$0x2040 ss:$0x81] =	vst.msk $0xffff, v4  }
0x59: {  	v58 =	vld [tilespmem:s16+$0xFFFFFFE0];
	s19 =	sand.u32 $0xFFFFFC00, s12;
	s18 =	sand.u32 $0xFFFFFC00, s18;
	[tilespmem:s15+$0x2850 ss:$0x81] =	vst.msk $0xffff, v3  }
0x5a: {  	s17 =	sshra.s32 s17, $0x2;
	v59 =	vld [tilespmem:s16+$0xFFFFFFF0];
	s12 =	sand.u32 $0x380, s12;
	s18 =	sadd.s32 s18, s19;
	[tilespmem:s15+$0x3060 ss:$0x81] =	vst.msk $0xffff, v2  }
0x5b: {  	v60 =	vld [tilespmem:s16+$0x0];
	s14 =	sadd.s32 s17, s14;
	s12 =	sor.u32 s12, s18;
	[tilespmem:s15+$0x0 ss:$0x81] =	vst.msk $0xffff, v0  }
0x5c: {  	v61 =	vld [tilespmem:s16+$0x10];
	s12 =	sshrl.u32 s12, $0x7;
	[tilespmem:s14+$0x3870 ss:$0x81] =	vst.msk $0xffff, v1  }
0x5d: {  	v62 =	vld [tilespmem:s16+$0x20];
	s28 =	smulhi.u32 $0xAAAAAB, s12;
	[tilespmem:s14+$0x810 ss:$0x81] =	vst.msk $0xffff, v5  }
0x5e: {  	v63 =	vld [tilespmem:s16+$0xFFFFFFC0];
	s11 =	smul.u32 $0x1800, s11;
	[tilespmem:s14+$0x1020 ss:$0x81] =	vst.msk $0xffff, v58  }
0x5f: {  	[tilespmem:s14+$0x1830 ss:$0x81] =	vst.msk $0xffff, v59;
	s15 =	smul.u32 $0x180, s28  }
.Ltmp4:
0x60: {  	s29 =	sshrl.u32 s10, $0x3;
	[tilespmem:s14+$0x2040 ss:$0x81] =	vst.msk $0xffff, v60;
	(pc) =	sbr.rel .LBB1_5-.Ltmp4, $4  }
0x61: {  	s30 =	sand.u32 $0xF, s29;
	s11 =	sadd.s32 s3, s11;
	[tilespmem:s14+$0x2850 ss:$0x81] =	vst.msk $0xffff, v61;
	s12 =	ssub.s32 s12, s15  }
0x62: {  	s11 =	sadd.s32 s30, s11;
	[tilespmem:s14+$0x3060 ss:$0x81] =	vst.msk $0xffff, v62;
	s12 =	sshll.u32 s12, $0x4  }
0x63: {  	s31 =	sand.u32 $0x7, s10;
	[tilespmem:s14+$0x0 ss:$0x81] =	vst.msk $0xffff, v63;
	s11 =	sadd.s32 s12, s11  }
0x64: {  	[hbm4b:s11+s31] =	stream.linear.scatter [tilespmem:s13], [sflag:$0x2], $0x4000, $0x20;
	[tilespmem:$0x10100] =	vst v63  }
.LBB1_6:
0x65: {  	_ =	sfence.sel $0x180000  }
0x66: {  	s2 =	simm.s32 $0x1;
	[bflag:$0x0] =	sbarrier.arrive $0xFFFF  }
0x67: {  	s31 =	simm.s32 $0x2;
	[sflag:s2] =	ssyncpa.u1 $0x1  }
0x68: {  	[sflag:s31] =	ssyncpa.u1 $0x1  }
0x69: {  	p0 =	sne.s32 s1, $0x0;
	_ =	strace $0x90000047  }
0x6a: {  	s0 =	sadd.s32 @!p0 $0x100000, s0;
	[bflag:$0x2] =	sbarrier.arrive $0xFFFF  }
0x6b: {  	[sflag:s0] =	ssyncadd.tile.s32 @!p0 $0x1;
	_ =	shalt  }
.Lfunc_end1:
_tile_overlayer_lowered:
.L_overlay_start_2:
0x6c: {  	(tag) =	ssettag $0x2  }
0x6d: {  	s0 =	rddreg [dreg:$0x0];
	s2 =	stileid.u32  }
0x6e: {  	s1 =	rddreg [dreg:$0x1];
	p0 =	sne.s32 s2, $0x0  }
0x6f: {  	s3 =	rddreg [dreg:$0x2];
	[bflag:$0x3] =	sbarrier.arrive $0xFFFF;
	s2 =	simm.s32 @!p0 $0x1C01  }
0x70: {  	[timem:s3], [sflag:s2] =	dma.local @!p0 [hbm:s0], s1  }
0x71: {  	s0 =	simm.s32 @!p0 $0x1  }
0x72: {  	_ =	swait.ge @!p0 [sflag:s0], s1  }
0x73: {  	s1 =	ssub.s32 @!p0 $0x0, s1;
	[sflag:s0] =	ssyncset.done @!p0 $0x0  }
0x74: {  	[sflag:s0] =	ssyncadd.s32 @!p0 s1  }
0x75: {  	[bflag:$0x3] =	sbarrier.arrive $0xFFFF  }
0x76: {  	_ =	shalt  }

</sc_bundles>
